<compile_context>
chip_gen: v7x
topology: tpu7x:2x2x1
jax: 0.10.2.dev20260603
libtpu: 0.0.44.dev20260713+nightly
codegen_flags: <defaults>
</compile_context>

<pallas_src>
import functools

import jax
import jax.numpy as jnp
from jax import lax
from jax.experimental import pallas as pl
from jax.experimental.pallas import tpu as pltpu
from jax.experimental.pallas import tpu_sc as plsc

NN = 10000
EE = 320000
DD = 128
GG = 128
NW = 32
BLK = 80
NCH = 5
CHK = 26
NBLK = NCH * CHK
EPAD = NW * NBLK * BLK
NPAD = 10240
RPT = NPAD // 16
DPT = NPAD // 16

_mesh = plsc.VectorSubcoreMesh(core_axis_name="c", subcore_axis_name="s")



@functools.partial(
    pl.kernel,
    mesh=_mesh,
    out_type=jax.ShapeDtypeStruct((2, 1, NPAD), jnp.float32),
    scratch_types=[
        pltpu.VMEM((NCH, CHK, BLK), jnp.int32),
        pltpu.VMEM((BLK,), jnp.float32),
        pltpu.VMEM((DPT,), jnp.float32),
        pltpu.VMEM_SHARED((NPAD,), jnp.float32),
    ],
)
def _sc_degree(dst_hbm, out_hbm, dst_v, ones_v, zero_v, acc_sh):
    cid = lax.axis_index("c")
    sid = lax.axis_index("s")
    wid = cid * 16 + sid
    pltpu.sync_copy(dst_hbm.at[wid], dst_v)
    for i in range(BLK // 16):
        ones_v[pl.ds(i * 16, 16)] = jnp.full((16,), 1.0, jnp.float32)
    for i in range(DPT // 16):
        zero_v[pl.ds(i * 16, 16)] = jnp.zeros((16,), jnp.float32)
    pltpu.sync_copy(zero_v, acc_sh.at[pl.ds(sid * DPT, DPT)])
    plsc.subcore_barrier()

    def body(j, _):
        pltpu.sync_copy(ones_v, acc_sh.at[dst_v.at[j // CHK, j % CHK]],
                        add=True)
        return 0

    lax.fori_loop(0, NBLK, body, 0)
    plsc.subcore_barrier()
    pltpu.sync_copy(acc_sh.at[pl.ds(sid * DPT, DPT)],
                    out_hbm.at[cid, 0, pl.ds(sid * DPT, DPT)])


@functools.partial(
    pl.kernel,
    mesh=_mesh,
    out_type=jax.ShapeDtypeStruct((2, NPAD, DD), jnp.float32),
    scratch_types=[
        pltpu.VMEM((CHK, BLK), jnp.int32),
        pltpu.VMEM((CHK, BLK), jnp.int32),
        pltpu.VMEM((BLK, DD), jnp.float32),
        pltpu.VMEM((BLK, DD), jnp.float32),
        pltpu.VMEM_SHARED((NPAD, DD), jnp.float32),
        pltpu.SemaphoreType.DMA,
        pltpu.SemaphoreType.DMA,
        pltpu.SemaphoreType.DMA,
        pltpu.SemaphoreType.DMA,
    ],
)
def _sc_edge(y_hbm, src_hbm, dst_hbm, z_hbm, out_hbm,
             src_v, dst_v, buf0, buf1, acc_sh, gsem0, gsem1, ssem0, ssem1):
    cid = lax.axis_index("c")
    sid = lax.axis_index("s")
    wid = cid * 16 + sid
    pltpu.sync_copy(z_hbm, acc_sh.at[pl.ds(sid * RPT, RPT)])
    plsc.subcore_barrier()

    def gwait(j, buf, sem):
        pltpu.make_async_copy(y_hbm.at[src_v.at[j]], buf, sem).wait()

    def swait(j, buf, sem):
        pltpu.make_async_copy(buf, acc_sh.at[dst_v.at[j]], sem).wait()

    def chunk(c, _):
        pltpu.sync_copy(src_hbm.at[wid, c], src_v)
        pltpu.sync_copy(dst_hbm.at[wid, c], dst_v)
        pltpu.async_copy(y_hbm.at[src_v.at[0]], buf0, gsem0)
        pltpu.async_copy(y_hbm.at[src_v.at[1]], buf1, gsem1)

        def body(k, _):
            j0 = 2 * k
            gwait(j0, buf0, gsem0)
            pltpu.async_copy(buf0, acc_sh.at[dst_v.at[j0]], ssem0, add=True)
            gwait(j0 + 1, buf1, gsem1)
            pltpu.async_copy(buf1, acc_sh.at[dst_v.at[j0 + 1]], ssem1,
                             add=True)
            swait(j0, buf0, ssem0)
            pltpu.async_copy(y_hbm.at[src_v.at[j0 + 2]], buf0, gsem0)
            swait(j0 + 1, buf1, ssem1)
            pltpu.async_copy(y_hbm.at[src_v.at[j0 + 3]], buf1, gsem1)
            return 0

        lax.fori_loop(0, (CHK - 2) // 2, body, 0)
        j = CHK - 2
        gwait(j, buf0, gsem0)
        pltpu.async_copy(buf0, acc_sh.at[dst_v.at[j]], ssem0, add=True)
        gwait(j + 1, buf1, gsem1)
        pltpu.async_copy(buf1, acc_sh.at[dst_v.at[j + 1]], ssem1, add=True)
        swait(j, buf0, ssem0)
        swait(j + 1, buf1, ssem1)
        return 0

    lax.fori_loop(0, NCH, chunk, 0)
    plsc.subcore_barrier()
    pltpu.sync_copy(acc_sh.at[pl.ds(sid * RPT, RPT)],
                    out_hbm.at[cid, pl.ds(sid * RPT, RPT)])



def _tc_deg_body(degp_ref, dinv_ref):
    deg = degp_ref[0] + degp_ref[1] + 1.0
    dinv_ref[...] = lax.rsqrt(deg)


def _tc_pre_body(x_ref, w_ref, dcol_ref, y_ref):
    y_ref[...] = jnp.dot(x_ref[...], w_ref[...],
                         preferred_element_type=jnp.float32) * dcol_ref[...]


def _elu(t):
    return jnp.where(t > 0, t, jnp.exp(jnp.minimum(t, 0.0)) - 1.0)


def _bn_elu(t, g_ref, be_ref):
    m = jnp.mean(t, axis=0, keepdims=True)
    v = jnp.mean((t - m) ** 2, axis=0, keepdims=True)
    hn = (t - m) * lax.rsqrt(v + 1e-5) * g_ref[...] + be_ref[...]
    return _elu(hn)


def _tc_post_body(accp_ref, y_ref, prev_ref, dcol_ref, b_ref, g_ref, be_ref,
                  wn_ref, h_ref, ynext_ref, *, has_prev):
    dcol = dcol_ref[...]
    t = dcol * (accp_ref[0, :NN] + accp_ref[1, :NN] + y_ref[...]) + b_ref[...]
    if has_prev:
        t = t + prev_ref[...]
    h = _bn_elu(t, g_ref, be_ref)
    h_ref[...] = h
    ynext_ref[...] = jnp.dot(h, wn_ref[...],
                             preferred_element_type=jnp.float32) * dcol


def _tc_final_body(accp_ref, y_ref, prev_ref, dcol_ref, b_ref, g_ref, be_ref,
                   batch_ref, wr_ref, br_ref, out_ref):
    dcol = dcol_ref[...]
    t = dcol * (accp_ref[0, :NN] + accp_ref[1, :NN] + y_ref[...]) + b_ref[...]
    t = t + prev_ref[...]
    h = _bn_elu(t, g_ref, be_ref)
    gidx = lax.broadcasted_iota(jnp.int32, (1, GG), 1)
    mask = (batch_ref[...] == gidx).astype(jnp.float32)
    counts = jnp.sum(mask, axis=0, keepdims=True)
    maskn = mask / jnp.maximum(counts, 1.0)
    pooled = lax.dot_general(maskn, h, (((0,), (0,)), ((), ())),
                             preferred_element_type=jnp.float32)
    out_ref[...] = jnp.dot(pooled, wr_ref[...],
                           preferred_element_type=jnp.float32) + br_ref[...]


_f32 = jnp.float32
_tc_deg = pl.pallas_call(
    _tc_deg_body, out_shape=jax.ShapeDtypeStruct((NPAD // DD, DD), _f32))
_tc_pre = pl.pallas_call(
    _tc_pre_body, out_shape=jax.ShapeDtypeStruct((NN, DD), _f32))
_tc_post0 = pl.pallas_call(
    functools.partial(_tc_post_body, has_prev=False),
    out_shape=(jax.ShapeDtypeStruct((NN, DD), _f32),
               jax.ShapeDtypeStruct((NN, DD), _f32)))
_tc_post1 = pl.pallas_call(
    functools.partial(_tc_post_body, has_prev=True),
    out_shape=(jax.ShapeDtypeStruct((NN, DD), _f32),
               jax.ShapeDtypeStruct((NN, DD), _f32)))
_tc_final = pl.pallas_call(
    _tc_final_body, out_shape=jax.ShapeDtypeStruct((GG, 2), _f32))



def kernel(x, edge_index, batch, W1, b1, g1, be1, W2, b2, g2, be2,
           W3, b3, g3, be3, Wr, br):
    npadd = EPAD - EE
    pad_src = jnp.arange(npadd, dtype=edge_index.dtype) % NN
    pad_dst = NN + (jnp.arange(npadd, dtype=edge_index.dtype) % (NPAD - NN))
    src2d = jnp.concatenate([edge_index[0], pad_src]).reshape(
        NW, NCH, CHK, BLK)
    dst2d = jnp.concatenate([edge_index[1], pad_dst]).reshape(
        NW, NCH, CHK, BLK)
    batch_col = batch.reshape(NN, 1)
    zrows = jnp.zeros((RPT, DD), _f32)
    b1r, g1r, be1r = b1.reshape(1, DD), g1.reshape(1, DD), be1.reshape(1, DD)
    b2r, g2r, be2r = b2.reshape(1, DD), g2.reshape(1, DD), be2.reshape(1, DD)
    b3r, g3r, be3r = b3.reshape(1, DD), g3.reshape(1, DD), be3.reshape(1, DD)
    brr = br.reshape(1, 2)

    degp = _sc_degree(dst2d)
    dinv_grid = _tc_deg(degp.reshape(2, NPAD // DD, DD))
    dcol = dinv_grid.reshape(NPAD, 1)[:NN]

    y1 = _tc_pre(x, W1, dcol)
    acc1 = _sc_edge(y1, src2d, dst2d, zrows)
    h1, y2 = _tc_post0(acc1, y1, y1, dcol, b1r, g1r, be1r, W2)
    acc2 = _sc_edge(y2, src2d, dst2d, zrows)
    h2, y3 = _tc_post1(acc2, y2, x, dcol, b2r, g2r, be2r, W3)
    acc3 = _sc_edge(y3, src2d, dst2d, zrows)
    out = _tc_final(acc3, y3, h1, dcol, b3r, g3r, be3r, batch_col, Wr, brr)
    return out

# --- scband reference (transcript-rebuilt; emitter-appended) ---
"""Pipeline reference for scband-model-32667521254286 (READ-ONLY COPY).

The authoritative reference and input builder live on the scoring server;
editing this copy changes nothing except your own understanding.
"""

import jax, jax.numpy as jnp
import numpy as np

N = 10000
E = 320000
D = 128
G = 128


def gcn_conv(x, src, dst, W, b, num_nodes):
    # PyG GCNConv: x' = D^{-1/2} (A + I) D^{-1/2} (X W) + b, aggregation at dst (target)
    xw = x @ W
    loop = jnp.arange(num_nodes, dtype=src.dtype)
    s = jnp.concatenate([src, loop])
    d = jnp.concatenate([dst, loop])
    deg = jnp.zeros((num_nodes,), dtype=xw.dtype).at[d].add(1.0)
    dinv = jnp.where(deg > 0, jax.lax.rsqrt(deg), 0.0)
    norm = dinv[s] * dinv[d]
    msg = xw[s] * norm[:, None]
    out = jnp.zeros_like(xw).at[d].add(msg)
    return out + b


def batch_norm(h, g, b):
    # BatchNorm1d in training mode: batch statistics, biased variance, eps=1e-5
    m = jnp.mean(h, axis=0)
    v = jnp.var(h, axis=0)
    return (h - m) * jax.lax.rsqrt(v + 1e-5) * g + b


def setup_inputs(seed: int = 0):
    key = jax.random.key(seed)
    ks = jax.random.split(key, 16)
    x = jax.random.normal(ks[0], (N, D), dtype=jnp.float32)
    edge_index = jax.random.randint(ks[1], (2, E), 0, N, dtype=jnp.int32)
    batch = jnp.sort(jax.random.randint(ks[2], (N,), 0, G, dtype=jnp.int32))
    s = (1.0 / np.sqrt(D)).astype(np.float32) if hasattr(1.0 / np.sqrt(D), 'astype') else np.float32(1.0 / np.sqrt(D))
    s = np.float32(1.0 / np.sqrt(D))
    W1 = jax.random.normal(ks[3], (D, 128), dtype=jnp.float32) * s
    b1 = jnp.zeros((128,), dtype=jnp.float32)
    g1 = jnp.ones((128,), dtype=jnp.float32)
    be1 = jnp.zeros((128,), dtype=jnp.float32)
    W2 = jax.random.normal(ks[4], (128, 128), dtype=jnp.float32) * s
    b2 = jnp.zeros((128,), dtype=jnp.float32)
    g2 = jnp.ones((128,), dtype=jnp.float32)
    be2 = jnp.zeros((128,), dtype=jnp.float32)
    W3 = jax.random.normal(ks[5], (128, 128), dtype=jnp.float32) * s
    b3 = jnp.zeros((128,), dtype=jnp.float32)
    g3 = jnp.ones((128,), dtype=jnp.float32)
    be3 = jnp.zeros((128,), dtype=jnp.float32)
    Wr = jax.random.normal(ks[6], (128, 2), dtype=jnp.float32) * s
    br = jnp.zeros((2,), dtype=jnp.float32)
    return {"x": x, "edge_index": edge_index, "batch": batch,
            "W1": W1, "b1": b1, "g1": g1, "be1": be1,
            "W2": W2, "b2": b2, "g2": g2, "be2": be2,
            "W3": W3, "b3": b3, "g3": g3, "be3": be3,
            "Wr": Wr, "br": br}


def reference(x, edge_index, batch, W1, b1, g1, be1, W2, b2, g2, be2, W3, b3, g3, be3, Wr, br):
    src = edge_index[0]
    dst = edge_index[1]
    internal_dim = 128
    h = x
    prev = jnp.zeros((x.shape[0], internal_dim), dtype=x.dtype)
    params = [(W1, b1, g1, be1), (W2, b2, g2, be2), (W3, b3, g3, be3)]
    for (W, b, g, be) in params:
        conv = gcn_conv(h, src, dst, W, b, x.shape[0])
        block_out = jax.nn.elu(batch_norm(prev + conv, g, be))
        prev = h[:, :internal_dim]
        h = block_out
    # global mean pool over graphs in the batch
    sums = jax.ops.segment_sum(h, batch, num_segments=G)
    counts = jax.ops.segment_sum(jnp.ones((h.shape[0],), dtype=h.dtype), batch, num_segments=G)
    pooled = sums / jnp.clip(counts, 1.0, None)[:, None]
    out = pooled @ Wr + br
    return out

if __name__ == "__main__":
    import jax
    _d = setup_inputs()
    print(jax.jit(kernel)(*tuple(_d.values())))

</pallas_src>

<mosaic_0001>
#map = affine_map<(d0, d1) -> (0, 0)>
#map1 = affine_map<(d0, d1) -> (0, 0, 0, 0)>
#map2 = affine_map<(d0, d1) -> (0, 0, 0)>
module attributes {stable_mosaic.version = 14 : i64} {
  func.func @_sc_edge(%arg0: i32, %arg1: i32, %arg2: memref<10000x128xf32, #tpu.memory_space<hbm>>, %arg3: memref<32x5x26x80xi32, #tpu.memory_space<hbm>>, %arg4: memref<32x5x26x80xi32, #tpu.memory_space<hbm>>, %arg5: memref<640x128xf32, #tpu.memory_space<hbm>>, %arg6: memref<2x10240x128xf32, #tpu.memory_space<hbm>>, %arg7: memref<26x80xi32, #tpu.memory_space<vmem>>, %arg8: memref<26x80xi32, #tpu.memory_space<vmem>>, %arg9: memref<80x128xf32, #tpu.memory_space<vmem>>, %arg10: memref<80x128xf32, #tpu.memory_space<vmem>>, %arg11: memref<10240x128xf32, #tpu.memory_space<vmem_shared>>, %arg12: memref<!tpu.dma_semaphore, #tpu.memory_space<semaphore_mem>>, %arg13: memref<!tpu.dma_semaphore, #tpu.memory_space<semaphore_mem>>, %arg14: memref<!tpu.dma_semaphore, #tpu.memory_space<semaphore_mem>>, %arg15: memref<!tpu.dma_semaphore, #tpu.memory_space<semaphore_mem>>) attributes {dimension_semantics = [#tpu.dimension_semantics<core_parallel>, #tpu.dimension_semantics<subcore_parallel>], iteration_bounds = array<i64: 2, 16>, scalar_prefetch = 0 : i64, scratch_operands = 9 : i64, tpu.core_type = #tpu.core_type<sc_vector_subcore>, window_params = [{transform_indices = #map}, {transform_indices = #map1}, {transform_indices = #map1}, {transform_indices = #map}, {transform_indices = #map2}]} {
    %mul3A = arith.constant 16 : i32
    %mul3A_0 = arith.muli %arg0, %mul3A : i32
    %add3A = arith.addi %mul3A_0, %arg1 : i32
    %mul3A_1 = arith.constant 640 : i32
    %mul3A_2 = arith.muli %arg1, %mul3A_1 : i32
    "tpu.region"() ({
      %run_scoped3A = tpu.sem_alloc : memref<!tpu.dma_semaphore, #tpu.memory_space<semaphore_mem>>
      %dma_start3A = arith.constant 0 : i32
      %dma_start3A_14 = tpu.memref_slice %arg11[%mul3A_2, %dma_start3A] : memref<10240x128xf32, #tpu.memory_space<vmem_shared>> -> memref<640x128xf32, #tpu.memory_space<vmem_shared>>
      tpu.enqueue_dma source(%arg5 : memref<640x128xf32, #tpu.memory_space<hbm>>) target(%dma_start3A_14 : memref<640x128xf32, #tpu.memory_space<vmem_shared>>) target_semaphore(%run_scoped3A : memref<!tpu.dma_semaphore, #tpu.memory_space<semaphore_mem>>)
      %dma_wait3A = arith.constant 0 : i32
      %dma_wait3A_15 = tpu.memref_slice %arg11[%mul3A_2, %dma_wait3A] : memref<10240x128xf32, #tpu.memory_space<vmem_shared>> -> memref<640x128xf32, #tpu.memory_space<vmem_shared>>
      tpu.wait_dma2 semaphore(%run_scoped3A : memref<!tpu.dma_semaphore, #tpu.memory_space<semaphore_mem>>) src(%arg5 : memref<640x128xf32, #tpu.memory_space<hbm>>) dst(%dma_wait3A_15 : memref<640x128xf32, #tpu.memory_space<vmem_shared>>)
      tpu.yield
    }) : () -> ()
    %barrier3A = arith.constant 0 : index
    tpu.barrier barrier_id(%barrier3A)
    %scan3A = arith.constant 0 : i32
    %scan3A_3 = arith.constant 0 : i32
    %scan3A_4 = arith.constant 5 : i32
    %scan3A_5 = arith.addi %scan3A_3, %scan3A_4 : i32
    %scan3A_6 = arith.constant 1 : i32
    %scan3A_7 = scf.for %scan3A_14 = %scan3A_3 to %scan3A_5 step %scan3A_6 iter_args(%scan3A_15 = %scan3A) -> (i32)  : i32 {
      "tpu.region"() ({
        %run_scoped3A = tpu.sem_alloc : memref<!tpu.dma_semaphore, #tpu.memory_space<semaphore_mem>>
        %dma_start3A_78 = arith.constant 0 : i32
        %dma_start3A_79 = arith.constant 0 : i32
        %dma_start3A_80 = tpu.memref_slice %arg3[%add3A, %scan3A_14, %dma_start3A_78, %dma_start3A_79] : memref<32x5x26x80xi32, #tpu.memory_space<hbm>> -> memref<1x1x26x80xi32, #tpu.memory_space<hbm>>
        %dma_start3A_81 = tpu.memref_squeeze %dma_start3A_80 : memref<1x1x26x80xi32, #tpu.memory_space<hbm>> -> memref<26x80xi32, #tpu.memory_space<hbm>>
        %dma_start3A_82 = arith.constant 0 : i32
        %dma_start3A_83 = arith.constant 0 : i32
        %dma_start3A_84 = tpu.memref_slice %arg3[%add3A, %scan3A_14, %dma_start3A_82, %dma_start3A_83] : memref<32x5x26x80xi32, #tpu.memory_space<hbm>> -> memref<1x1x26x80xi32, #tpu.memory_space<hbm>>
        %dma_start3A_85 = tpu.memref_squeeze %dma_start3A_84 : memref<1x1x26x80xi32, #tpu.memory_space<hbm>> -> memref<26x80xi32, #tpu.memory_space<hbm>>
        tpu.enqueue_dma source(%dma_start3A_85 : memref<26x80xi32, #tpu.memory_space<hbm>>) target(%arg7 : memref<26x80xi32, #tpu.memory_space<vmem>>) target_semaphore(%run_scoped3A : memref<!tpu.dma_semaphore, #tpu.memory_space<semaphore_mem>>)
        %dma_wait3A_86 = arith.constant 0 : i32
        %dma_wait3A_87 = arith.constant 0 : i32
        %dma_wait3A_88 = tpu.memref_slice %arg3[%add3A, %scan3A_14, %dma_wait3A_86, %dma_wait3A_87] : memref<32x5x26x80xi32, #tpu.memory_space<hbm>> -> memref<1x1x26x80xi32, #tpu.memory_space<hbm>>
        %dma_wait3A_89 = tpu.memref_squeeze %dma_wait3A_88 : memref<1x1x26x80xi32, #tpu.memory_space<hbm>> -> memref<26x80xi32, #tpu.memory_space<hbm>>
        %dma_wait3A_90 = arith.constant 0 : i32
        %dma_wait3A_91 = arith.constant 0 : i32
        %dma_wait3A_92 = tpu.memref_slice %arg3[%add3A, %scan3A_14, %dma_wait3A_90, %dma_wait3A_91] : memref<32x5x26x80xi32, #tpu.memory_space<hbm>> -> memref<1x1x26x80xi32, #tpu.memory_space<hbm>>
        %dma_wait3A_93 = tpu.memref_squeeze %dma_wait3A_92 : memref<1x1x26x80xi32, #tpu.memory_space<hbm>> -> memref<26x80xi32, #tpu.memory_space<hbm>>
        tpu.wait_dma2 semaphore(%run_scoped3A : memref<!tpu.dma_semaphore, #tpu.memory_space<semaphore_mem>>) src(%dma_wait3A_93 : memref<26x80xi32, #tpu.memory_space<hbm>>) dst(%arg7 : memref<26x80xi32, #tpu.memory_space<vmem>>)
        tpu.yield
      }) : () -> ()
      "tpu.region"() ({
        %run_scoped3A = tpu.sem_alloc : memref<!tpu.dma_semaphore, #tpu.memory_space<semaphore_mem>>
        %dma_start3A_78 = arith.constant 0 : i32
        %dma_start3A_79 = arith.constant 0 : i32
        %dma_start3A_80 = tpu.memref_slice %arg4[%add3A, %scan3A_14, %dma_start3A_78, %dma_start3A_79] : memref<32x5x26x80xi32, #tpu.memory_space<hbm>> -> memref<1x1x26x80xi32, #tpu.memory_space<hbm>>
        %dma_start3A_81 = tpu.memref_squeeze %dma_start3A_80 : memref<1x1x26x80xi32, #tpu.memory_space<hbm>> -> memref<26x80xi32, #tpu.memory_space<hbm>>
        %dma_start3A_82 = arith.constant 0 : i32
        %dma_start3A_83 = arith.constant 0 : i32
        %dma_start3A_84 = tpu.memref_slice %arg4[%add3A, %scan3A_14, %dma_start3A_82, %dma_start3A_83] : memref<32x5x26x80xi32, #tpu.memory_space<hbm>> -> memref<1x1x26x80xi32, #tpu.memory_space<hbm>>
        %dma_start3A_85 = tpu.memref_squeeze %dma_start3A_84 : memref<1x1x26x80xi32, #tpu.memory_space<hbm>> -> memref<26x80xi32, #tpu.memory_space<hbm>>
        tpu.enqueue_dma source(%dma_start3A_85 : memref<26x80xi32, #tpu.memory_space<hbm>>) target(%arg8 : memref<26x80xi32, #tpu.memory_space<vmem>>) target_semaphore(%run_scoped3A : memref<!tpu.dma_semaphore, #tpu.memory_space<semaphore_mem>>)
        %dma_wait3A_86 = arith.constant 0 : i32
        %dma_wait3A_87 = arith.constant 0 : i32
        %dma_wait3A_88 = tpu.memref_slice %arg4[%add3A, %scan3A_14, %dma_wait3A_86, %dma_wait3A_87] : memref<32x5x26x80xi32, #tpu.memory_space<hbm>> -> memref<1x1x26x80xi32, #tpu.memory_space<hbm>>
        %dma_wait3A_89 = tpu.memref_squeeze %dma_wait3A_88 : memref<1x1x26x80xi32, #tpu.memory_space<hbm>> -> memref<26x80xi32, #tpu.memory_space<hbm>>
        %dma_wait3A_90 = arith.constant 0 : i32
        %dma_wait3A_91 = arith.constant 0 : i32
        %dma_wait3A_92 = tpu.memref_slice %arg4[%add3A, %scan3A_14, %dma_wait3A_90, %dma_wait3A_91] : memref<32x5x26x80xi32, #tpu.memory_space<hbm>> -> memref<1x1x26x80xi32, #tpu.memory_space<hbm>>
        %dma_wait3A_93 = tpu.memref_squeeze %dma_wait3A_92 : memref<1x1x26x80xi32, #tpu.memory_space<hbm>> -> memref<26x80xi32, #tpu.memory_space<hbm>>
        tpu.wait_dma2 semaphore(%run_scoped3A : memref<!tpu.dma_semaphore, #tpu.memory_space<semaphore_mem>>) src(%dma_wait3A_93 : memref<26x80xi32, #tpu.memory_space<hbm>>) dst(%arg8 : memref<26x80xi32, #tpu.memory_space<vmem>>)
        tpu.yield
      }) : () -> ()
      %dma_start3A = arith.constant 0 : i32
      %dma_start3A_16 = arith.constant 0 : i32
      %dma_start3A_17 = tpu.memref_slice %arg7[%dma_start3A, %dma_start3A_16] : memref<26x80xi32, #tpu.memory_space<vmem>> -> memref<1x80xi32, #tpu.memory_space<vmem>>
      %dma_start3A_18 = tpu.memref_squeeze %dma_start3A_17 : memref<1x80xi32, #tpu.memory_space<vmem>> -> memref<80xi32, #tpu.memory_space<vmem>>
      %dma_start3A_19 = arith.constant 0 : i32
      %dma_start3A_20 = arith.constant 0 : i32
      %dma_start3A_21 = tpu.memref_slice %arg2[%dma_start3A_19, %dma_start3A_20] : memref<10000x128xf32, #tpu.memory_space<hbm>> -> memref<10000x128xf32, #tpu.memory_space<hbm>>
      tpu.enqueue_indirect_dma source(%dma_start3A_21 : memref<10000x128xf32, #tpu.memory_space<hbm>>) target(%arg9 : memref<80x128xf32, #tpu.memory_space<vmem>>) offsets(%dma_start3A_18 : memref<80xi32, #tpu.memory_space<vmem>>) semaphore(%arg12 : memref<!tpu.dma_semaphore, #tpu.memory_space<semaphore_mem>>)
      %dma_start3A_22 = arith.constant 1 : i32
      %dma_start3A_23 = arith.constant 0 : i32
      %dma_start3A_24 = tpu.memref_slice %arg7[%dma_start3A_22, %dma_start3A_23] : memref<26x80xi32, #tpu.memory_space<vmem>> -> memref<1x80xi32, #tpu.memory_space<vmem>>
      %dma_start3A_25 = tpu.memref_squeeze %dma_start3A_24 : memref<1x80xi32, #tpu.memory_space<vmem>> -> memref<80xi32, #tpu.memory_space<vmem>>
      %dma_start3A_26 = arith.constant 0 : i32
      %dma_start3A_27 = arith.constant 0 : i32
      %dma_start3A_28 = tpu.memref_slice %arg2[%dma_start3A_26, %dma_start3A_27] : memref<10000x128xf32, #tpu.memory_space<hbm>> -> memref<10000x128xf32, #tpu.memory_space<hbm>>
      tpu.enqueue_indirect_dma source(%dma_start3A_28 : memref<10000x128xf32, #tpu.memory_space<hbm>>) target(%arg10 : memref<80x128xf32, #tpu.memory_space<vmem>>) offsets(%dma_start3A_25 : memref<80xi32, #tpu.memory_space<vmem>>) semaphore(%arg13 : memref<!tpu.dma_semaphore, #tpu.memory_space<semaphore_mem>>)
      %scan3A_29 = arith.constant 0 : i32
      %scan3A_30 = arith.constant 0 : i32
      %scan3A_31 = arith.constant 12 : i32
      %scan3A_32 = arith.addi %scan3A_30, %scan3A_31 : i32
      %scan3A_33 = arith.constant 1 : i32
      %scan3A_34 = scf.for %scan3A_78 = %scan3A_30 to %scan3A_32 step %scan3A_33 iter_args(%scan3A_79 = %scan3A_29) -> (i32)  : i32 {
        %mul3A_80 = arith.constant 2 : i32
        %mul3A_81 = arith.muli %mul3A_80, %scan3A_78 : i32
        %dma_wait3A_82 = arith.constant 0 : i32
        %dma_wait3A_83 = tpu.memref_slice %arg7[%mul3A_81, %dma_wait3A_82] : memref<26x80xi32, #tpu.memory_space<vmem>> -> memref<1x80xi32, #tpu.memory_space<vmem>>
        %dma_wait3A_84 = tpu.memref_squeeze %dma_wait3A_83 : memref<1x80xi32, #tpu.memory_space<vmem>> -> memref<80xi32, #tpu.memory_space<vmem>>
        %dma_wait3A_85 = arith.constant 0 : i32
        %dma_wait3A_86 = arith.constant 0 : i32
        %dma_wait3A_87 = tpu.memref_slice %arg2[%dma_wait3A_85, %dma_wait3A_86] : memref<10000x128xf32, #tpu.memory_space<hbm>> -> memref<10000x128xf32, #tpu.memory_space<hbm>>
        tpu.wait_indirect_dma semaphore(%arg12 : memref<!tpu.dma_semaphore, #tpu.memory_space<semaphore_mem>>) src(%dma_wait3A_87 : memref<10000x128xf32, #tpu.memory_space<hbm>>) dst(%arg9 : memref<80x128xf32, #tpu.memory_space<vmem>>)
        %dma_start3A_88 = arith.constant 0 : i32
        %dma_start3A_89 = tpu.memref_slice %arg8[%mul3A_81, %dma_start3A_88] : memref<26x80xi32, #tpu.memory_space<vmem>> -> memref<1x80xi32, #tpu.memory_space<vmem>>
        %dma_start3A_90 = tpu.memref_squeeze %dma_start3A_89 : memref<1x80xi32, #tpu.memory_space<vmem>> -> memref<80xi32, #tpu.memory_space<vmem>>
        %dma_start3A_91 = arith.constant 0 : i32
        %dma_start3A_92 = arith.constant 0 : i32
        %dma_start3A_93 = tpu.memref_slice %arg11[%dma_start3A_91, %dma_start3A_92] : memref<10240x128xf32, #tpu.memory_space<vmem_shared>> -> memref<10240x128xf32, #tpu.memory_space<vmem_shared>>
        tpu.enqueue_indirect_dma source(%arg9 : memref<80x128xf32, #tpu.memory_space<vmem>>) target(%dma_start3A_93 : memref<10240x128xf32, #tpu.memory_space<vmem_shared>>) offsets(%dma_start3A_90 : memref<80xi32, #tpu.memory_space<vmem>>) semaphore(%arg14 : memref<!tpu.dma_semaphore, #tpu.memory_space<semaphore_mem>>) {add = true}
        %add3A_94 = arith.constant 1 : i32
        %add3A_95 = arith.addi %mul3A_81, %add3A_94 : i32
        %dma_wait3A_96 = arith.constant 0 : i32
        %dma_wait3A_97 = tpu.memref_slice %arg7[%add3A_95, %dma_wait3A_96] : memref<26x80xi32, #tpu.memory_space<vmem>> -> memref<1x80xi32, #tpu.memory_space<vmem>>
        %dma_wait3A_98 = tpu.memref_squeeze %dma_wait3A_97 : memref<1x80xi32, #tpu.memory_space<vmem>> -> memref<80xi32, #tpu.memory_space<vmem>>
        %dma_wait3A_99 = arith.constant 0 : i32
        %dma_wait3A_100 = arith.constant 0 : i32
        %dma_wait3A_101 = tpu.memref_slice %arg2[%dma_wait3A_99, %dma_wait3A_100] : memref<10000x128xf32, #tpu.memory_space<hbm>> -> memref<10000x128xf32, #tpu.memory_space<hbm>>
        tpu.wait_indirect_dma semaphore(%arg13 : memref<!tpu.dma_semaphore, #tpu.memory_space<semaphore_mem>>) src(%dma_wait3A_101 : memref<10000x128xf32, #tpu.memory_space<hbm>>) dst(%arg10 : memref<80x128xf32, #tpu.memory_space<vmem>>)
        %add3A_102 = arith.constant 1 : i32
        %add3A_103 = arith.addi %mul3A_81, %add3A_102 : i32
        %dma_start3A_104 = arith.constant 0 : i32
        %dma_start3A_105 = tpu.memref_slice %arg8[%add3A_103, %dma_start3A_104] : memref<26x80xi32, #tpu.memory_space<vmem>> -> memref<1x80xi32, #tpu.memory_space<vmem>>
        %dma_start3A_106 = tpu.memref_squeeze %dma_start3A_105 : memref<1x80xi32, #tpu.memory_space<vmem>> -> memref<80xi32, #tpu.memory_space<vmem>>
        %dma_start3A_107 = arith.constant 0 : i32
        %dma_start3A_108 = arith.constant 0 : i32
        %dma_start3A_109 = tpu.memref_slice %arg11[%dma_start3A_107, %dma_start3A_108] : memref<10240x128xf32, #tpu.memory_space<vmem_shared>> -> memref<10240x128xf32, #tpu.memory_space<vmem_shared>>
        tpu.enqueue_indirect_dma source(%arg10 : memref<80x128xf32, #tpu.memory_space<vmem>>) target(%dma_start3A_109 : memref<10240x128xf32, #tpu.memory_space<vmem_shared>>) offsets(%dma_start3A_106 : memref<80xi32, #tpu.memory_space<vmem>>) semaphore(%arg15 : memref<!tpu.dma_semaphore, #tpu.memory_space<semaphore_mem>>) {add = true}
        %dma_wait3A_110 = arith.constant 0 : i32
        %dma_wait3A_111 = tpu.memref_slice %arg8[%mul3A_81, %dma_wait3A_110] : memref<26x80xi32, #tpu.memory_space<vmem>> -> memref<1x80xi32, #tpu.memory_space<vmem>>
        %dma_wait3A_112 = tpu.memref_squeeze %dma_wait3A_111 : memref<1x80xi32, #tpu.memory_space<vmem>> -> memref<80xi32, #tpu.memory_space<vmem>>
        %dma_wait3A_113 = arith.constant 0 : i32
        %dma_wait3A_114 = arith.constant 0 : i32
        %dma_wait3A_115 = tpu.memref_slice %arg11[%dma_wait3A_113, %dma_wait3A_114] : memref<10240x128xf32, #tpu.memory_space<vmem_shared>> -> memref<10240x128xf32, #tpu.memory_space<vmem_shared>>
        tpu.wait_indirect_dma semaphore(%arg14 : memref<!tpu.dma_semaphore, #tpu.memory_space<semaphore_mem>>) src(%arg9 : memref<80x128xf32, #tpu.memory_space<vmem>>) dst(%dma_wait3A_115 : memref<10240x128xf32, #tpu.memory_space<vmem_shared>>)
        %add3A_116 = arith.constant 2 : i32
        %add3A_117 = arith.addi %mul3A_81, %add3A_116 : i32
        %dma_start3A_118 = arith.constant 0 : i32
        %dma_start3A_119 = tpu.memref_slice %arg7[%add3A_117, %dma_start3A_118] : memref<26x80xi32, #tpu.memory_space<vmem>> -> memref<1x80xi32, #tpu.memory_space<vmem>>
        %dma_start3A_120 = tpu.memref_squeeze %dma_start3A_119 : memref<1x80xi32, #tpu.memory_space<vmem>> -> memref<80xi32, #tpu.memory_space<vmem>>
        %dma_start3A_121 = arith.constant 0 : i32
        %dma_start3A_122 = arith.constant 0 : i32
        %dma_start3A_123 = tpu.memref_slice %arg2[%dma_start3A_121, %dma_start3A_122] : memref<10000x128xf32, #tpu.memory_space<hbm>> -> memref<10000x128xf32, #tpu.memory_space<hbm>>
        tpu.enqueue_indirect_dma source(%dma_start3A_123 : memref<10000x128xf32, #tpu.memory_space<hbm>>) target(%arg9 : memref<80x128xf32, #tpu.memory_space<vmem>>) offsets(%dma_start3A_120 : memref<80xi32, #tpu.memory_space<vmem>>) semaphore(%arg12 : memref<!tpu.dma_semaphore, #tpu.memory_space<semaphore_mem>>)
        %add3A_124 = arith.constant 1 : i32
        %add3A_125 = arith.addi %mul3A_81, %add3A_124 : i32
        %dma_wait3A_126 = arith.constant 0 : i32
        %dma_wait3A_127 = tpu.memref_slice %arg8[%add3A_125, %dma_wait3A_126] : memref<26x80xi32, #tpu.memory_space<vmem>> -> memref<1x80xi32, #tpu.memory_space<vmem>>
        %dma_wait3A_128 = tpu.memref_squeeze %dma_wait3A_127 : memref<1x80xi32, #tpu.memory_space<vmem>> -> memref<80xi32, #tpu.memory_space<vmem>>
        %dma_wait3A_129 = arith.constant 0 : i32
        %dma_wait3A_130 = arith.constant 0 : i32
        %dma_wait3A_131 = tpu.memref_slice %arg11[%dma_wait3A_129, %dma_wait3A_130] : memref<10240x128xf32, #tpu.memory_space<vmem_shared>> -> memref<10240x128xf32, #tpu.memory_space<vmem_shared>>
        tpu.wait_indirect_dma semaphore(%arg15 : memref<!tpu.dma_semaphore, #tpu.memory_space<semaphore_mem>>) src(%arg10 : memref<80x128xf32, #tpu.memory_space<vmem>>) dst(%dma_wait3A_131 : memref<10240x128xf32, #tpu.memory_space<vmem_shared>>)
        %add3A_132 = arith.constant 3 : i32
        %add3A_133 = arith.addi %mul3A_81, %add3A_132 : i32
        %dma_start3A_134 = arith.constant 0 : i32
        %dma_start3A_135 = tpu.memref_slice %arg7[%add3A_133, %dma_start3A_134] : memref<26x80xi32, #tpu.memory_space<vmem>> -> memref<1x80xi32, #tpu.memory_space<vmem>>
        %dma_start3A_136 = tpu.memref_squeeze %dma_start3A_135 : memref<1x80xi32, #tpu.memory_space<vmem>> -> memref<80xi32, #tpu.memory_space<vmem>>
        %dma_start3A_137 = arith.constant 0 : i32
        %dma_start3A_138 = arith.constant 0 : i32
        %dma_start3A_139 = tpu.memref_slice %arg2[%dma_start3A_137, %dma_start3A_138] : memref<10000x128xf32, #tpu.memory_space<hbm>> -> memref<10000x128xf32, #tpu.memory_space<hbm>>
        tpu.enqueue_indirect_dma source(%dma_start3A_139 : memref<10000x128xf32, #tpu.memory_space<hbm>>) target(%arg10 : memref<80x128xf32, #tpu.memory_space<vmem>>) offsets(%dma_start3A_136 : memref<80xi32, #tpu.memory_space<vmem>>) semaphore(%arg13 : memref<!tpu.dma_semaphore, #tpu.memory_space<semaphore_mem>>)
        %scan3A_140 = arith.constant 0 : i32
        scf.yield %scan3A_140 : i32
      }
      %scan3A_35 = arith.constant 12 : i32
      %dma_wait3A = arith.constant 24 : i32
      %dma_wait3A_36 = arith.constant 0 : i32
      %dma_wait3A_37 = tpu.memref_slice %arg7[%dma_wait3A, %dma_wait3A_36] : memref<26x80xi32, #tpu.memory_space<vmem>> -> memref<1x80xi32, #tpu.memory_space<vmem>>
      %dma_wait3A_38 = tpu.memref_squeeze %dma_wait3A_37 : memref<1x80xi32, #tpu.memory_space<vmem>> -> memref<80xi32, #tpu.memory_space<vmem>>
      %dma_wait3A_39 = arith.constant 0 : i32
      %dma_wait3A_40 = arith.constant 0 : i32
      %dma_wait3A_41 = tpu.memref_slice %arg2[%dma_wait3A_39, %dma_wait3A_40] : memref<10000x128xf32, #tpu.memory_space<hbm>> -> memref<10000x128xf32, #tpu.memory_space<hbm>>
      tpu.wait_indirect_dma semaphore(%arg12 : memref<!tpu.dma_semaphore, #tpu.memory_space<semaphore_mem>>) src(%dma_wait3A_41 : memref<10000x128xf32, #tpu.memory_space<hbm>>) dst(%arg9 : memref<80x128xf32, #tpu.memory_space<vmem>>)
      %dma_start3A_42 = arith.constant 24 : i32
      %dma_start3A_43 = arith.constant 0 : i32
      %dma_start3A_44 = tpu.memref_slice %arg8[%dma_start3A_42, %dma_start3A_43] : memref<26x80xi32, #tpu.memory_space<vmem>> -> memref<1x80xi32, #tpu.memory_space<vmem>>
      %dma_start3A_45 = tpu.memref_squeeze %dma_start3A_44 : memref<1x80xi32, #tpu.memory_space<vmem>> -> memref<80xi32, #tpu.memory_space<vmem>>
      %dma_start3A_46 = arith.constant 0 : i32
      %dma_start3A_47 = arith.constant 0 : i32
      %dma_start3A_48 = tpu.memref_slice %arg11[%dma_start3A_46, %dma_start3A_47] : memref<10240x128xf32, #tpu.memory_space<vmem_shared>> -> memref<10240x128xf32, #tpu.memory_space<vmem_shared>>
      tpu.enqueue_indirect_dma source(%arg9 : memref<80x128xf32, #tpu.memory_space<vmem>>) target(%dma_start3A_48 : memref<10240x128xf32, #tpu.memory_space<vmem_shared>>) offsets(%dma_start3A_45 : memref<80xi32, #tpu.memory_space<vmem>>) semaphore(%arg14 : memref<!tpu.dma_semaphore, #tpu.memory_space<semaphore_mem>>) {add = true}
      %dma_wait3A_49 = arith.constant 25 : i32
      %dma_wait3A_50 = arith.constant 0 : i32
      %dma_wait3A_51 = tpu.memref_slice %arg7[%dma_wait3A_49, %dma_wait3A_50] : memref<26x80xi32, #tpu.memory_space<vmem>> -> memref<1x80xi32, #tpu.memory_space<vmem>>
      %dma_wait3A_52 = tpu.memref_squeeze %dma_wait3A_51 : memref<1x80xi32, #tpu.memory_space<vmem>> -> memref<80xi32, #tpu.memory_space<vmem>>
      %dma_wait3A_53 = arith.constant 0 : i32
      %dma_wait3A_54 = arith.constant 0 : i32
      %dma_wait3A_55 = tpu.memref_slice %arg2[%dma_wait3A_53, %dma_wait3A_54] : memref<10000x128xf32, #tpu.memory_space<hbm>> -> memref<10000x128xf32, #tpu.memory_space<hbm>>
      tpu.wait_indirect_dma semaphore(%arg13 : memref<!tpu.dma_semaphore, #tpu.memory_space<semaphore_mem>>) src(%dma_wait3A_55 : memref<10000x128xf32, #tpu.memory_space<hbm>>) dst(%arg10 : memref<80x128xf32, #tpu.memory_space<vmem>>)
      %dma_start3A_56 = arith.constant 25 : i32
      %dma_start3A_57 = arith.constant 0 : i32
      %dma_start3A_58 = tpu.memref_slice %arg8[%dma_start3A_56, %dma_start3A_57] : memref<26x80xi32, #tpu.memory_space<vmem>> -> memref<1x80xi32, #tpu.memory_space<vmem>>
      %dma_start3A_59 = tpu.memref_squeeze %dma_start3A_58 : memref<1x80xi32, #tpu.memory_space<vmem>> -> memref<80xi32, #tpu.memory_space<vmem>>
      %dma_start3A_60 = arith.constant 0 : i32
      %dma_start3A_61 = arith.constant 0 : i32
      %dma_start3A_62 = tpu.memref_slice %arg11[%dma_start3A_60, %dma_start3A_61] : memref<10240x128xf32, #tpu.memory_space<vmem_shared>> -> memref<10240x128xf32, #tpu.memory_space<vmem_shared>>
      tpu.enqueue_indirect_dma source(%arg10 : memref<80x128xf32, #tpu.memory_space<vmem>>) target(%dma_start3A_62 : memref<10240x128xf32, #tpu.memory_space<vmem_shared>>) offsets(%dma_start3A_59 : memref<80xi32, #tpu.memory_space<vmem>>) semaphore(%arg15 : memref<!tpu.dma_semaphore, #tpu.memory_space<semaphore_mem>>) {add = true}
      %dma_wait3A_63 = arith.constant 24 : i32
      %dma_wait3A_64 = arith.constant 0 : i32
      %dma_wait3A_65 = tpu.memref_slice %arg8[%dma_wait3A_63, %dma_wait3A_64] : memref<26x80xi32, #tpu.memory_space<vmem>> -> memref<1x80xi32, #tpu.memory_space<vmem>>
      %dma_wait3A_66 = tpu.memref_squeeze %dma_wait3A_65 : memref<1x80xi32, #tpu.memory_space<vmem>> -> memref<80xi32, #tpu.memory_space<vmem>>
      %dma_wait3A_67 = arith.constant 0 : i32
      %dma_wait3A_68 = arith.constant 0 : i32
      %dma_wait3A_69 = tpu.memref_slice %arg11[%dma_wait3A_67, %dma_wait3A_68] : memref<10240x128xf32, #tpu.memory_space<vmem_shared>> -> memref<10240x128xf32, #tpu.memory_space<vmem_shared>>
      tpu.wait_indirect_dma semaphore(%arg14 : memref<!tpu.dma_semaphore, #tpu.memory_space<semaphore_mem>>) src(%arg9 : memref<80x128xf32, #tpu.memory_space<vmem>>) dst(%dma_wait3A_69 : memref<10240x128xf32, #tpu.memory_space<vmem_shared>>)
      %dma_wait3A_70 = arith.constant 25 : i32
      %dma_wait3A_71 = arith.constant 0 : i32
      %dma_wait3A_72 = tpu.memref_slice %arg8[%dma_wait3A_70, %dma_wait3A_71] : memref<26x80xi32, #tpu.memory_space<vmem>> -> memref<1x80xi32, #tpu.memory_space<vmem>>
      %dma_wait3A_73 = tpu.memref_squeeze %dma_wait3A_72 : memref<1x80xi32, #tpu.memory_space<vmem>> -> memref<80xi32, #tpu.memory_space<vmem>>
      %dma_wait3A_74 = arith.constant 0 : i32
      %dma_wait3A_75 = arith.constant 0 : i32
      %dma_wait3A_76 = tpu.memref_slice %arg11[%dma_wait3A_74, %dma_wait3A_75] : memref<10240x128xf32, #tpu.memory_space<vmem_shared>> -> memref<10240x128xf32, #tpu.memory_space<vmem_shared>>
      tpu.wait_indirect_dma semaphore(%arg15 : memref<!tpu.dma_semaphore, #tpu.memory_space<semaphore_mem>>) src(%arg10 : memref<80x128xf32, #tpu.memory_space<vmem>>) dst(%dma_wait3A_76 : memref<10240x128xf32, #tpu.memory_space<vmem_shared>>)
      %scan3A_77 = arith.constant 0 : i32
      scf.yield %scan3A_77 : i32
    }
    %scan3A_8 = arith.constant 5 : i32
    %barrier3A_9 = arith.constant 0 : index
    tpu.barrier barrier_id(%barrier3A_9)
    %mul3A_10 = arith.constant 640 : i32
    %mul3A_11 = arith.muli %arg1, %mul3A_10 : i32
    %mul3A_12 = arith.constant 640 : i32
    %mul3A_13 = arith.muli %arg1, %mul3A_12 : i32
    "tpu.region"() ({
      %run_scoped3A = tpu.sem_alloc : memref<!tpu.dma_semaphore, #tpu.memory_space<semaphore_mem>>
      %dma_start3A = arith.constant 0 : i32
      %dma_start3A_14 = tpu.memref_slice %arg6[%arg0, %mul3A_13, %dma_start3A] : memref<2x10240x128xf32, #tpu.memory_space<hbm>> -> memref<1x640x128xf32, #tpu.memory_space<hbm>>
      %dma_start3A_15 = tpu.memref_squeeze %dma_start3A_14 : memref<1x640x128xf32, #tpu.memory_space<hbm>> -> memref<640x128xf32, #tpu.memory_space<hbm>>
      %dma_start3A_16 = arith.constant 0 : i32
      %dma_start3A_17 = tpu.memref_slice %arg11[%mul3A_11, %dma_start3A_16] : memref<10240x128xf32, #tpu.memory_space<vmem_shared>> -> memref<640x128xf32, #tpu.memory_space<vmem_shared>>
      tpu.enqueue_dma source(%dma_start3A_17 : memref<640x128xf32, #tpu.memory_space<vmem_shared>>) target(%dma_start3A_15 : memref<640x128xf32, #tpu.memory_space<hbm>>) target_semaphore(%run_scoped3A : memref<!tpu.dma_semaphore, #tpu.memory_space<semaphore_mem>>)
      %dma_wait3A = arith.constant 0 : i32
      %dma_wait3A_18 = tpu.memref_slice %arg6[%arg0, %mul3A_13, %dma_wait3A] : memref<2x10240x128xf32, #tpu.memory_space<hbm>> -> memref<1x640x128xf32, #tpu.memory_space<hbm>>
      %dma_wait3A_19 = tpu.memref_squeeze %dma_wait3A_18 : memref<1x640x128xf32, #tpu.memory_space<hbm>> -> memref<640x128xf32, #tpu.memory_space<hbm>>
      %dma_wait3A_20 = arith.constant 0 : i32
      %dma_wait3A_21 = tpu.memref_slice %arg11[%mul3A_11, %dma_wait3A_20] : memref<10240x128xf32, #tpu.memory_space<vmem_shared>> -> memref<640x128xf32, #tpu.memory_space<vmem_shared>>
      tpu.wait_dma2 semaphore(%run_scoped3A : memref<!tpu.dma_semaphore, #tpu.memory_space<semaphore_mem>>) src(%dma_wait3A_21 : memref<640x128xf32, #tpu.memory_space<vmem_shared>>) dst(%dma_wait3A_19 : memref<640x128xf32, #tpu.memory_space<hbm>>)
      tpu.yield
    }) : () -> ()
    return
  }
}

#map = affine_map<(d0, d1) -> (0, 0, 0, 0)>
#map1 = affine_map<(d0, d1) -> (0, 0, 0)>
module attributes {stable_mosaic.version = 14 : i64} {
  func.func @_sc_degree(%arg0: i32, %arg1: i32, %arg2: memref<32x5x26x80xi32, #tpu.memory_space<hbm>>, %arg3: memref<2x1x10240xf32, #tpu.memory_space<hbm>>, %arg4: memref<5x26x80xi32, #tpu.memory_space<vmem>>, %arg5: memref<80xf32, #tpu.memory_space<vmem>>, %arg6: memref<640xf32, #tpu.memory_space<vmem>>, %arg7: memref<10240xf32, #tpu.memory_space<vmem_shared>>) attributes {dimension_semantics = [#tpu.dimension_semantics<core_parallel>, #tpu.dimension_semantics<subcore_parallel>], iteration_bounds = array<i64: 2, 16>, scalar_prefetch = 0 : i64, scratch_operands = 4 : i64, tpu.core_type = #tpu.core_type<sc_vector_subcore>, window_params = [{transform_indices = #map}, {transform_indices = #map1}]} {
    %mul3A = arith.constant 16 : i32
    %mul3A_0 = arith.muli %arg0, %mul3A : i32
    %add3A = arith.addi %mul3A_0, %arg1 : i32
    "tpu.region"() ({
      %run_scoped3A_282 = tpu.sem_alloc : memref<!tpu.dma_semaphore, #tpu.memory_space<semaphore_mem>>
      %dma_start3A = arith.constant 0 : i32
      %dma_start3A_283 = arith.constant 0 : i32
      %dma_start3A_284 = arith.constant 0 : i32
      %dma_start3A_285 = tpu.memref_slice %arg2[%add3A, %dma_start3A, %dma_start3A_283, %dma_start3A_284] : memref<32x5x26x80xi32, #tpu.memory_space<hbm>> -> memref<1x5x26x80xi32, #tpu.memory_space<hbm>>
      %dma_start3A_286 = tpu.memref_squeeze %dma_start3A_285 : memref<1x5x26x80xi32, #tpu.memory_space<hbm>> -> memref<5x26x80xi32, #tpu.memory_space<hbm>>
      %dma_start3A_287 = arith.constant 0 : i32
      %dma_start3A_288 = arith.constant 0 : i32
      %dma_start3A_289 = arith.constant 0 : i32
      %dma_start3A_290 = tpu.memref_slice %arg2[%add3A, %dma_start3A_287, %dma_start3A_288, %dma_start3A_289] : memref<32x5x26x80xi32, #tpu.memory_space<hbm>> -> memref<1x5x26x80xi32, #tpu.memory_space<hbm>>
      %dma_start3A_291 = tpu.memref_squeeze %dma_start3A_290 : memref<1x5x26x80xi32, #tpu.memory_space<hbm>> -> memref<5x26x80xi32, #tpu.memory_space<hbm>>
      tpu.enqueue_dma source(%dma_start3A_291 : memref<5x26x80xi32, #tpu.memory_space<hbm>>) target(%arg4 : memref<5x26x80xi32, #tpu.memory_space<vmem>>) target_semaphore(%run_scoped3A_282 : memref<!tpu.dma_semaphore, #tpu.memory_space<semaphore_mem>>)
      %dma_wait3A = arith.constant 0 : i32
      %dma_wait3A_292 = arith.constant 0 : i32
      %dma_wait3A_293 = arith.constant 0 : i32
      %dma_wait3A_294 = tpu.memref_slice %arg2[%add3A, %dma_wait3A, %dma_wait3A_292, %dma_wait3A_293] : memref<32x5x26x80xi32, #tpu.memory_space<hbm>> -> memref<1x5x26x80xi32, #tpu.memory_space<hbm>>
      %dma_wait3A_295 = tpu.memref_squeeze %dma_wait3A_294 : memref<1x5x26x80xi32, #tpu.memory_space<hbm>> -> memref<5x26x80xi32, #tpu.memory_space<hbm>>
      %dma_wait3A_296 = arith.constant 0 : i32
      %dma_wait3A_297 = arith.constant 0 : i32
      %dma_wait3A_298 = arith.constant 0 : i32
      %dma_wait3A_299 = tpu.memref_slice %arg2[%add3A, %dma_wait3A_296, %dma_wait3A_297, %dma_wait3A_298] : memref<32x5x26x80xi32, #tpu.memory_space<hbm>> -> memref<1x5x26x80xi32, #tpu.memory_space<hbm>>
      %dma_wait3A_300 = tpu.memref_squeeze %dma_wait3A_299 : memref<1x5x26x80xi32, #tpu.memory_space<hbm>> -> memref<5x26x80xi32, #tpu.memory_space<hbm>>
      tpu.wait_dma2 semaphore(%run_scoped3A_282 : memref<!tpu.dma_semaphore, #tpu.memory_space<semaphore_mem>>) src(%dma_wait3A_300 : memref<5x26x80xi32, #tpu.memory_space<hbm>>) dst(%arg4 : memref<5x26x80xi32, #tpu.memory_space<vmem>>)
      tpu.yield
    }) : () -> ()
    %broadcast_in_dim3A = arith.constant 1.000000e+00 : f32
    %broadcast_in_dim3A_1 = vector.broadcast %broadcast_in_dim3A : f32 to vector<16xf32>
    %swap3A = arith.constant 0 : index
    %swap3A_2 = tpu.vector_load %arg5[%swap3A] {strides = array<i32>} : memref<80xf32, #tpu.memory_space<vmem>>, vector<16xf32>,
    %swap3A_3 = vector.shape_cast %swap3A_2 : vector<16xf32> to vector<16xf32>
    %swap3A_4 = vector.shape_cast %broadcast_in_dim3A_1 : vector<16xf32> to vector<16xf32>
    tpu.vector_store %arg5[%swap3A], %swap3A_4 {strides = array<i32>} : memref<80xf32, #tpu.memory_space<vmem>>, vector<16xf32>,
    %broadcast_in_dim3A_5 = arith.constant 1.000000e+00 : f32
    %broadcast_in_dim3A_6 = vector.broadcast %broadcast_in_dim3A_5 : f32 to vector<16xf32>
    %swap3A_7 = arith.constant 16 : index
    %swap3A_8 = tpu.vector_load %arg5[%swap3A_7] {strides = array<i32>} : memref<80xf32, #tpu.memory_space<vmem>>, vector<16xf32>,
    %swap3A_9 = vector.shape_cast %swap3A_8 : vector<16xf32> to vector<16xf32>
    %swap3A_10 = vector.shape_cast %broadcast_in_dim3A_6 : vector<16xf32> to vector<16xf32>
    tpu.vector_store %arg5[%swap3A_7], %swap3A_10 {strides = array<i32>} : memref<80xf32, #tpu.memory_space<vmem>>, vector<16xf32>,
    %broadcast_in_dim3A_11 = arith.constant 1.000000e+00 : f32
    %broadcast_in_dim3A_12 = vector.broadcast %broadcast_in_dim3A_11 : f32 to vector<16xf32>
    %swap3A_13 = arith.constant 32 : index
    %swap3A_14 = tpu.vector_load %arg5[%swap3A_13] {strides = array<i32>} : memref<80xf32, #tpu.memory_space<vmem>>, vector<16xf32>,
    %swap3A_15 = vector.shape_cast %swap3A_14 : vector<16xf32> to vector<16xf32>
    %swap3A_16 = vector.shape_cast %broadcast_in_dim3A_12 : vector<16xf32> to vector<16xf32>
    tpu.vector_store %arg5[%swap3A_13], %swap3A_16 {strides = array<i32>} : memref<80xf32, #tpu.memory_space<vmem>>, vector<16xf32>,
    %broadcast_in_dim3A_17 = arith.constant 1.000000e+00 : f32
    %broadcast_in_dim3A_18 = vector.broadcast %broadcast_in_dim3A_17 : f32 to vector<16xf32>
    %swap3A_19 = arith.constant 48 : index
    %swap3A_20 = tpu.vector_load %arg5[%swap3A_19] {strides = array<i32>} : memref<80xf32, #tpu.memory_space<vmem>>, vector<16xf32>,
    %swap3A_21 = vector.shape_cast %swap3A_20 : vector<16xf32> to vector<16xf32>
    %swap3A_22 = vector.shape_cast %broadcast_in_dim3A_18 : vector<16xf32> to vector<16xf32>
    tpu.vector_store %arg5[%swap3A_19], %swap3A_22 {strides = array<i32>} : memref<80xf32, #tpu.memory_space<vmem>>, vector<16xf32>,
    %broadcast_in_dim3A_23 = arith.constant 1.000000e+00 : f32
    %broadcast_in_dim3A_24 = vector.broadcast %broadcast_in_dim3A_23 : f32 to vector<16xf32>
    %swap3A_25 = arith.constant 64 : index
    %swap3A_26 = tpu.vector_load %arg5[%swap3A_25] {strides = array<i32>} : memref<80xf32, #tpu.memory_space<vmem>>, vector<16xf32>,
    %swap3A_27 = vector.shape_cast %swap3A_26 : vector<16xf32> to vector<16xf32>
    %swap3A_28 = vector.shape_cast %broadcast_in_dim3A_24 : vector<16xf32> to vector<16xf32>
    tpu.vector_store %arg5[%swap3A_25], %swap3A_28 {strides = array<i32>} : memref<80xf32, #tpu.memory_space<vmem>>, vector<16xf32>,
    %broadcast_in_dim3A_29 = arith.constant 0.000000e+00 : f32
    %broadcast_in_dim3A_30 = vector.broadcast %broadcast_in_dim3A_29 : f32 to vector<16xf32>
    %swap3A_31 = arith.constant 0 : index
    %swap3A_32 = tpu.vector_load %arg6[%swap3A_31] {strides = array<i32>} : memref<640xf32, #tpu.memory_space<vmem>>, vector<16xf32>,
    %swap3A_33 = vector.shape_cast %swap3A_32 : vector<16xf32> to vector<16xf32>
    %swap3A_34 = vector.shape_cast %broadcast_in_dim3A_30 : vector<16xf32> to vector<16xf32>
    tpu.vector_store %arg6[%swap3A_31], %swap3A_34 {strides = array<i32>} : memref<640xf32, #tpu.memory_space<vmem>>, vector<16xf32>,
    %broadcast_in_dim3A_35 = arith.constant 0.000000e+00 : f32
    %broadcast_in_dim3A_36 = vector.broadcast %broadcast_in_dim3A_35 : f32 to vector<16xf32>
    %swap3A_37 = arith.constant 16 : index
    %swap3A_38 = tpu.vector_load %arg6[%swap3A_37] {strides = array<i32>} : memref<640xf32, #tpu.memory_space<vmem>>, vector<16xf32>,
    %swap3A_39 = vector.shape_cast %swap3A_38 : vector<16xf32> to vector<16xf32>
    %swap3A_40 = vector.shape_cast %broadcast_in_dim3A_36 : vector<16xf32> to vector<16xf32>
    tpu.vector_store %arg6[%swap3A_37], %swap3A_40 {strides = array<i32>} : memref<640xf32, #tpu.memory_space<vmem>>, vector<16xf32>,
    %broadcast_in_dim3A_41 = arith.constant 0.000000e+00 : f32
    %broadcast_in_dim3A_42 = vector.broadcast %broadcast_in_dim3A_41 : f32 to vector<16xf32>
    %swap3A_43 = arith.constant 32 : index
    %swap3A_44 = tpu.vector_load %arg6[%swap3A_43] {strides = array<i32>} : memref<640xf32, #tpu.memory_space<vmem>>, vector<16xf32>,
    %swap3A_45 = vector.shape_cast %swap3A_44 : vector<16xf32> to vector<16xf32>
    %swap3A_46 = vector.shape_cast %broadcast_in_dim3A_42 : vector<16xf32> to vector<16xf32>
    tpu.vector_store %arg6[%swap3A_43], %swap3A_46 {strides = array<i32>} : memref<640xf32, #tpu.memory_space<vmem>>, vector<16xf32>,
    %broadcast_in_dim3A_47 = arith.constant 0.000000e+00 : f32
    %broadcast_in_dim3A_48 = vector.broadcast %broadcast_in_dim3A_47 : f32 to vector<16xf32>
    %swap3A_49 = arith.constant 48 : index
    %swap3A_50 = tpu.vector_load %arg6[%swap3A_49] {strides = array<i32>} : memref<640xf32, #tpu.memory_space<vmem>>, vector<16xf32>,
    %swap3A_51 = vector.shape_cast %swap3A_50 : vector<16xf32> to vector<16xf32>
    %swap3A_52 = vector.shape_cast %broadcast_in_dim3A_48 : vector<16xf32> to vector<16xf32>
    tpu.vector_store %arg6[%swap3A_49], %swap3A_52 {strides = array<i32>} : memref<640xf32, #tpu.memory_space<vmem>>, vector<16xf32>,
    %broadcast_in_dim3A_53 = arith.constant 0.000000e+00 : f32
    %broadcast_in_dim3A_54 = vector.broadcast %broadcast_in_dim3A_53 : f32 to vector<16xf32>
    %swap3A_55 = arith.constant 64 : index
    %swap3A_56 = tpu.vector_load %arg6[%swap3A_55] {strides = array<i32>} : memref<640xf32, #tpu.memory_space<vmem>>, vector<16xf32>,
    %swap3A_57 = vector.shape_cast %swap3A_56 : vector<16xf32> to vector<16xf32>
    %swap3A_58 = vector.shape_cast %broadcast_in_dim3A_54 : vector<16xf32> to vector<16xf32>
    tpu.vector_store %arg6[%swap3A_55], %swap3A_58 {strides = array<i32>} : memref<640xf32, #tpu.memory_space<vmem>>, vector<16xf32>,
    %broadcast_in_dim3A_59 = arith.constant 0.000000e+00 : f32
    %broadcast_in_dim3A_60 = vector.broadcast %broadcast_in_dim3A_59 : f32 to vector<16xf32>
    %swap3A_61 = arith.constant 80 : index
    %swap3A_62 = tpu.vector_load %arg6[%swap3A_61] {strides = array<i32>} : memref<640xf32, #tpu.memory_space<vmem>>, vector<16xf32>,
    %swap3A_63 = vector.shape_cast %swap3A_62 : vector<16xf32> to vector<16xf32>
    %swap3A_64 = vector.shape_cast %broadcast_in_dim3A_60 : vector<16xf32> to vector<16xf32>
    tpu.vector_store %arg6[%swap3A_61], %swap3A_64 {strides = array<i32>} : memref<640xf32, #tpu.memory_space<vmem>>, vector<16xf32>,
    %broadcast_in_dim3A_65 = arith.constant 0.000000e+00 : f32
    %broadcast_in_dim3A_66 = vector.broadcast %broadcast_in_dim3A_65 : f32 to vector<16xf32>
    %swap3A_67 = arith.constant 96 : index
    %swap3A_68 = tpu.vector_load %arg6[%swap3A_67] {strides = array<i32>} : memref<640xf32, #tpu.memory_space<vmem>>, vector<16xf32>,
    %swap3A_69 = vector.shape_cast %swap3A_68 : vector<16xf32> to vector<16xf32>
    %swap3A_70 = vector.shape_cast %broadcast_in_dim3A_66 : vector<16xf32> to vector<16xf32>
    tpu.vector_store %arg6[%swap3A_67], %swap3A_70 {strides = array<i32>} : memref<640xf32, #tpu.memory_space<vmem>>, vector<16xf32>,
    %broadcast_in_dim3A_71 = arith.constant 0.000000e+00 : f32
    %broadcast_in_dim3A_72 = vector.broadcast %broadcast_in_dim3A_71 : f32 to vector<16xf32>
    %swap3A_73 = arith.constant 112 : index
    %swap3A_74 = tpu.vector_load %arg6[%swap3A_73] {strides = array<i32>} : memref<640xf32, #tpu.memory_space<vmem>>, vector<16xf32>,
    %swap3A_75 = vector.shape_cast %swap3A_74 : vector<16xf32> to vector<16xf32>
    %swap3A_76 = vector.shape_cast %broadcast_in_dim3A_72 : vector<16xf32> to vector<16xf32>
    tpu.vector_store %arg6[%swap3A_73], %swap3A_76 {strides = array<i32>} : memref<640xf32, #tpu.memory_space<vmem>>, vector<16xf32>,
    %broadcast_in_dim3A_77 = arith.constant 0.000000e+00 : f32
    %broadcast_in_dim3A_78 = vector.broadcast %broadcast_in_dim3A_77 : f32 to vector<16xf32>
    %swap3A_79 = arith.constant 128 : index
    %swap3A_80 = tpu.vector_load %arg6[%swap3A_79] {strides = array<i32>} : memref<640xf32, #tpu.memory_space<vmem>>, vector<16xf32>,
    %swap3A_81 = vector.shape_cast %swap3A_80 : vector<16xf32> to vector<16xf32>
    %swap3A_82 = vector.shape_cast %broadcast_in_dim3A_78 : vector<16xf32> to vector<16xf32>
    tpu.vector_store %arg6[%swap3A_79], %swap3A_82 {strides = array<i32>} : memref<640xf32, #tpu.memory_space<vmem>>, vector<16xf32>,
    %broadcast_in_dim3A_83 = arith.constant 0.000000e+00 : f32
    %broadcast_in_dim3A_84 = vector.broadcast %broadcast_in_dim3A_83 : f32 to vector<16xf32>
    %swap3A_85 = arith.constant 144 : index
    %swap3A_86 = tpu.vector_load %arg6[%swap3A_85] {strides = array<i32>} : memref<640xf32, #tpu.memory_space<vmem>>, vector<16xf32>,
    %swap3A_87 = vector.shape_cast %swap3A_86 : vector<16xf32> to vector<16xf32>
    %swap3A_88 = vector.shape_cast %broadcast_in_dim3A_84 : vector<16xf32> to vector<16xf32>
    tpu.vector_store %arg6[%swap3A_85], %swap3A_88 {strides = array<i32>} : memref<640xf32, #tpu.memory_space<vmem>>, vector<16xf32>,
    %broadcast_in_dim3A_89 = arith.constant 0.000000e+00 : f32
    %broadcast_in_dim3A_90 = vector.broadcast %broadcast_in_dim3A_89 : f32 to vector<16xf32>
    %swap3A_91 = arith.constant 160 : index
    %swap3A_92 = tpu.vector_load %arg6[%swap3A_91] {strides = array<i32>} : memref<640xf32, #tpu.memory_space<vmem>>, vector<16xf32>,
    %swap3A_93 = vector.shape_cast %swap3A_92 : vector<16xf32> to vector<16xf32>
    %swap3A_94 = vector.shape_cast %broadcast_in_dim3A_90 : vector<16xf32> to vector<16xf32>
    tpu.vector_store %arg6[%swap3A_91], %swap3A_94 {strides = array<i32>} : memref<640xf32, #tpu.memory_space<vmem>>, vector<16xf32>,
    %broadcast_in_dim3A_95 = arith.constant 0.000000e+00 : f32
    %broadcast_in_dim3A_96 = vector.broadcast %broadcast_in_dim3A_95 : f32 to vector<16xf32>
    %swap3A_97 = arith.constant 176 : index
    %swap3A_98 = tpu.vector_load %arg6[%swap3A_97] {strides = array<i32>} : memref<640xf32, #tpu.memory_space<vmem>>, vector<16xf32>,
    %swap3A_99 = vector.shape_cast %swap3A_98 : vector<16xf32> to vector<16xf32>
    %swap3A_100 = vector.shape_cast %broadcast_in_dim3A_96 : vector<16xf32> to vector<16xf32>
    tpu.vector_store %arg6[%swap3A_97], %swap3A_100 {strides = array<i32>} : memref<640xf32, #tpu.memory_space<vmem>>, vector<16xf32>,
    %broadcast_in_dim3A_101 = arith.constant 0.000000e+00 : f32
    %broadcast_in_dim3A_102 = vector.broadcast %broadcast_in_dim3A_101 : f32 to vector<16xf32>
    %swap3A_103 = arith.constant 192 : index
    %swap3A_104 = tpu.vector_load %arg6[%swap3A_103] {strides = array<i32>} : memref<640xf32, #tpu.memory_space<vmem>>, vector<16xf32>,
    %swap3A_105 = vector.shape_cast %swap3A_104 : vector<16xf32> to vector<16xf32>
    %swap3A_106 = vector.shape_cast %broadcast_in_dim3A_102 : vector<16xf32> to vector<16xf32>
    tpu.vector_store %arg6[%swap3A_103], %swap3A_106 {strides = array<i32>} : memref<640xf32, #tpu.memory_space<vmem>>, vector<16xf32>,
    %broadcast_in_dim3A_107 = arith.constant 0.000000e+00 : f32
    %broadcast_in_dim3A_108 = vector.broadcast %broadcast_in_dim3A_107 : f32 to vector<16xf32>
    %swap3A_109 = arith.constant 208 : index
    %swap3A_110 = tpu.vector_load %arg6[%swap3A_109] {strides = array<i32>} : memref<640xf32, #tpu.memory_space<vmem>>, vector<16xf32>,
    %swap3A_111 = vector.shape_cast %swap3A_110 : vector<16xf32> to vector<16xf32>
    %swap3A_112 = vector.shape_cast %broadcast_in_dim3A_108 : vector<16xf32> to vector<16xf32>
    tpu.vector_store %arg6[%swap3A_109], %swap3A_112 {strides = array<i32>} : memref<640xf32, #tpu.memory_space<vmem>>, vector<16xf32>,
    %broadcast_in_dim3A_113 = arith.constant 0.000000e+00 : f32
    %broadcast_in_dim3A_114 = vector.broadcast %broadcast_in_dim3A_113 : f32 to vector<16xf32>
    %swap3A_115 = arith.constant 224 : index
    %swap3A_116 = tpu.vector_load %arg6[%swap3A_115] {strides = array<i32>} : memref<640xf32, #tpu.memory_space<vmem>>, vector<16xf32>,
    %swap3A_117 = vector.shape_cast %swap3A_116 : vector<16xf32> to vector<16xf32>
    %swap3A_118 = vector.shape_cast %broadcast_in_dim3A_114 : vector<16xf32> to vector<16xf32>
    tpu.vector_store %arg6[%swap3A_115], %swap3A_118 {strides = array<i32>} : memref<640xf32, #tpu.memory_space<vmem>>, vector<16xf32>,
    %broadcast_in_dim3A_119 = arith.constant 0.000000e+00 : f32
    %broadcast_in_dim3A_120 = vector.broadcast %broadcast_in_dim3A_119 : f32 to vector<16xf32>
    %swap3A_121 = arith.constant 240 : index
    %swap3A_122 = tpu.vector_load %arg6[%swap3A_121] {strides = array<i32>} : memref<640xf32, #tpu.memory_space<vmem>>, vector<16xf32>,
    %swap3A_123 = vector.shape_cast %swap3A_122 : vector<16xf32> to vector<16xf32>
    %swap3A_124 = vector.shape_cast %broadcast_in_dim3A_120 : vector<16xf32> to vector<16xf32>
    tpu.vector_store %arg6[%swap3A_121], %swap3A_124 {strides = array<i32>} : memref<640xf32, #tpu.memory_space<vmem>>, vector<16xf32>,
    %broadcast_in_dim3A_125 = arith.constant 0.000000e+00 : f32
    %broadcast_in_dim3A_126 = vector.broadcast %broadcast_in_dim3A_125 : f32 to vector<16xf32>
    %swap3A_127 = arith.constant 256 : index
    %swap3A_128 = tpu.vector_load %arg6[%swap3A_127] {strides = array<i32>} : memref<640xf32, #tpu.memory_space<vmem>>, vector<16xf32>,
    %swap3A_129 = vector.shape_cast %swap3A_128 : vector<16xf32> to vector<16xf32>
    %swap3A_130 = vector.shape_cast %broadcast_in_dim3A_126 : vector<16xf32> to vector<16xf32>
    tpu.vector_store %arg6[%swap3A_127], %swap3A_130 {strides = array<i32>} : memref<640xf32, #tpu.memory_space<vmem>>, vector<16xf32>,
    %broadcast_in_dim3A_131 = arith.constant 0.000000e+00 : f32
    %broadcast_in_dim3A_132 = vector.broadcast %broadcast_in_dim3A_131 : f32 to vector<16xf32>
    %swap3A_133 = arith.constant 272 : index
    %swap3A_134 = tpu.vector_load %arg6[%swap3A_133] {strides = array<i32>} : memref<640xf32, #tpu.memory_space<vmem>>, vector<16xf32>,
    %swap3A_135 = vector.shape_cast %swap3A_134 : vector<16xf32> to vector<16xf32>
    %swap3A_136 = vector.shape_cast %broadcast_in_dim3A_132 : vector<16xf32> to vector<16xf32>
    tpu.vector_store %arg6[%swap3A_133], %swap3A_136 {strides = array<i32>} : memref<640xf32, #tpu.memory_space<vmem>>, vector<16xf32>,
    %broadcast_in_dim3A_137 = arith.constant 0.000000e+00 : f32
    %broadcast_in_dim3A_138 = vector.broadcast %broadcast_in_dim3A_137 : f32 to vector<16xf32>
    %swap3A_139 = arith.constant 288 : index
    %swap3A_140 = tpu.vector_load %arg6[%swap3A_139] {strides = array<i32>} : memref<640xf32, #tpu.memory_space<vmem>>, vector<16xf32>,
    %swap3A_141 = vector.shape_cast %swap3A_140 : vector<16xf32> to vector<16xf32>
    %swap3A_142 = vector.shape_cast %broadcast_in_dim3A_138 : vector<16xf32> to vector<16xf32>
    tpu.vector_store %arg6[%swap3A_139], %swap3A_142 {strides = array<i32>} : memref<640xf32, #tpu.memory_space<vmem>>, vector<16xf32>,
    %broadcast_in_dim3A_143 = arith.constant 0.000000e+00 : f32
    %broadcast_in_dim3A_144 = vector.broadcast %broadcast_in_dim3A_143 : f32 to vector<16xf32>
    %swap3A_145 = arith.constant 304 : index
    %swap3A_146 = tpu.vector_load %arg6[%swap3A_145] {strides = array<i32>} : memref<640xf32, #tpu.memory_space<vmem>>, vector<16xf32>,
    %swap3A_147 = vector.shape_cast %swap3A_146 : vector<16xf32> to vector<16xf32>
    %swap3A_148 = vector.shape_cast %broadcast_in_dim3A_144 : vector<16xf32> to vector<16xf32>
    tpu.vector_store %arg6[%swap3A_145], %swap3A_148 {strides = array<i32>} : memref<640xf32, #tpu.memory_space<vmem>>, vector<16xf32>,
    %broadcast_in_dim3A_149 = arith.constant 0.000000e+00 : f32
    %broadcast_in_dim3A_150 = vector.broadcast %broadcast_in_dim3A_149 : f32 to vector<16xf32>
    %swap3A_151 = arith.constant 320 : index
    %swap3A_152 = tpu.vector_load %arg6[%swap3A_151] {strides = array<i32>} : memref<640xf32, #tpu.memory_space<vmem>>, vector<16xf32>,
    %swap3A_153 = vector.shape_cast %swap3A_152 : vector<16xf32> to vector<16xf32>
    %swap3A_154 = vector.shape_cast %broadcast_in_dim3A_150 : vector<16xf32> to vector<16xf32>
    tpu.vector_store %arg6[%swap3A_151], %swap3A_154 {strides = array<i32>} : memref<640xf32, #tpu.memory_space<vmem>>, vector<16xf32>,
    %broadcast_in_dim3A_155 = arith.constant 0.000000e+00 : f32
    %broadcast_in_dim3A_156 = vector.broadcast %broadcast_in_dim3A_155 : f32 to vector<16xf32>
    %swap3A_157 = arith.constant 336 : index
    %swap3A_158 = tpu.vector_load %arg6[%swap3A_157] {strides = array<i32>} : memref<640xf32, #tpu.memory_space<vmem>>, vector<16xf32>,
    %swap3A_159 = vector.shape_cast %swap3A_158 : vector<16xf32> to vector<16xf32>
    %swap3A_160 = vector.shape_cast %broadcast_in_dim3A_156 : vector<16xf32> to vector<16xf32>
    tpu.vector_store %arg6[%swap3A_157], %swap3A_160 {strides = array<i32>} : memref<640xf32, #tpu.memory_space<vmem>>, vector<16xf32>,
    %broadcast_in_dim3A_161 = arith.constant 0.000000e+00 : f32
    %broadcast_in_dim3A_162 = vector.broadcast %broadcast_in_dim3A_161 : f32 to vector<16xf32>
    %swap3A_163 = arith.constant 352 : index
    %swap3A_164 = tpu.vector_load %arg6[%swap3A_163] {strides = array<i32>} : memref<640xf32, #tpu.memory_space<vmem>>, vector<16xf32>,
    %swap3A_165 = vector.shape_cast %swap3A_164 : vector<16xf32> to vector<16xf32>
    %swap3A_166 = vector.shape_cast %broadcast_in_dim3A_162 : vector<16xf32> to vector<16xf32>
    tpu.vector_store %arg6[%swap3A_163], %swap3A_166 {strides = array<i32>} : memref<640xf32, #tpu.memory_space<vmem>>, vector<16xf32>,
    %broadcast_in_dim3A_167 = arith.constant 0.000000e+00 : f32
    %broadcast_in_dim3A_168 = vector.broadcast %broadcast_in_dim3A_167 : f32 to vector<16xf32>
    %swap3A_169 = arith.constant 368 : index
    %swap3A_170 = tpu.vector_load %arg6[%swap3A_169] {strides = array<i32>} : memref<640xf32, #tpu.memory_space<vmem>>, vector<16xf32>,
    %swap3A_171 = vector.shape_cast %swap3A_170 : vector<16xf32> to vector<16xf32>
    %swap3A_172 = vector.shape_cast %broadcast_in_dim3A_168 : vector<16xf32> to vector<16xf32>
    tpu.vector_store %arg6[%swap3A_169], %swap3A_172 {strides = array<i32>} : memref<640xf32, #tpu.memory_space<vmem>>, vector<16xf32>,
    %broadcast_in_dim3A_173 = arith.constant 0.000000e+00 : f32
    %broadcast_in_dim3A_174 = vector.broadcast %broadcast_in_dim3A_173 : f32 to vector<16xf32>
    %swap3A_175 = arith.constant 384 : index
    %swap3A_176 = tpu.vector_load %arg6[%swap3A_175] {strides = array<i32>} : memref<640xf32, #tpu.memory_space<vmem>>, vector<16xf32>,
    %swap3A_177 = vector.shape_cast %swap3A_176 : vector<16xf32> to vector<16xf32>
    %swap3A_178 = vector.shape_cast %broadcast_in_dim3A_174 : vector<16xf32> to vector<16xf32>
    tpu.vector_store %arg6[%swap3A_175], %swap3A_178 {strides = array<i32>} : memref<640xf32, #tpu.memory_space<vmem>>, vector<16xf32>,
    %broadcast_in_dim3A_179 = arith.constant 0.000000e+00 : f32
    %broadcast_in_dim3A_180 = vector.broadcast %broadcast_in_dim3A_179 : f32 to vector<16xf32>
    %swap3A_181 = arith.constant 400 : index
    %swap3A_182 = tpu.vector_load %arg6[%swap3A_181] {strides = array<i32>} : memref<640xf32, #tpu.memory_space<vmem>>, vector<16xf32>,
    %swap3A_183 = vector.shape_cast %swap3A_182 : vector<16xf32> to vector<16xf32>
    %swap3A_184 = vector.shape_cast %broadcast_in_dim3A_180 : vector<16xf32> to vector<16xf32>
    tpu.vector_store %arg6[%swap3A_181], %swap3A_184 {strides = array<i32>} : memref<640xf32, #tpu.memory_space<vmem>>, vector<16xf32>,
    %broadcast_in_dim3A_185 = arith.constant 0.000000e+00 : f32
    %broadcast_in_dim3A_186 = vector.broadcast %broadcast_in_dim3A_185 : f32 to vector<16xf32>
    %swap3A_187 = arith.constant 416 : index
    %swap3A_188 = tpu.vector_load %arg6[%swap3A_187] {strides = array<i32>} : memref<640xf32, #tpu.memory_space<vmem>>, vector<16xf32>,
    %swap3A_189 = vector.shape_cast %swap3A_188 : vector<16xf32> to vector<16xf32>
    %swap3A_190 = vector.shape_cast %broadcast_in_dim3A_186 : vector<16xf32> to vector<16xf32>
    tpu.vector_store %arg6[%swap3A_187], %swap3A_190 {strides = array<i32>} : memref<640xf32, #tpu.memory_space<vmem>>, vector<16xf32>,
    %broadcast_in_dim3A_191 = arith.constant 0.000000e+00 : f32
    %broadcast_in_dim3A_192 = vector.broadcast %broadcast_in_dim3A_191 : f32 to vector<16xf32>
    %swap3A_193 = arith.constant 432 : index
    %swap3A_194 = tpu.vector_load %arg6[%swap3A_193] {strides = array<i32>} : memref<640xf32, #tpu.memory_space<vmem>>, vector<16xf32>,
    %swap3A_195 = vector.shape_cast %swap3A_194 : vector<16xf32> to vector<16xf32>
    %swap3A_196 = vector.shape_cast %broadcast_in_dim3A_192 : vector<16xf32> to vector<16xf32>
    tpu.vector_store %arg6[%swap3A_193], %swap3A_196 {strides = array<i32>} : memref<640xf32, #tpu.memory_space<vmem>>, vector<16xf32>,
    %broadcast_in_dim3A_197 = arith.constant 0.000000e+00 : f32
    %broadcast_in_dim3A_198 = vector.broadcast %broadcast_in_dim3A_197 : f32 to vector<16xf32>
    %swap3A_199 = arith.constant 448 : index
    %swap3A_200 = tpu.vector_load %arg6[%swap3A_199] {strides = array<i32>} : memref<640xf32, #tpu.memory_space<vmem>>, vector<16xf32>,
    %swap3A_201 = vector.shape_cast %swap3A_200 : vector<16xf32> to vector<16xf32>
    %swap3A_202 = vector.shape_cast %broadcast_in_dim3A_198 : vector<16xf32> to vector<16xf32>
    tpu.vector_store %arg6[%swap3A_199], %swap3A_202 {strides = array<i32>} : memref<640xf32, #tpu.memory_space<vmem>>, vector<16xf32>,
    %broadcast_in_dim3A_203 = arith.constant 0.000000e+00 : f32
    %broadcast_in_dim3A_204 = vector.broadcast %broadcast_in_dim3A_203 : f32 to vector<16xf32>
    %swap3A_205 = arith.constant 464 : index
    %swap3A_206 = tpu.vector_load %arg6[%swap3A_205] {strides = array<i32>} : memref<640xf32, #tpu.memory_space<vmem>>, vector<16xf32>,
    %swap3A_207 = vector.shape_cast %swap3A_206 : vector<16xf32> to vector<16xf32>
    %swap3A_208 = vector.shape_cast %broadcast_in_dim3A_204 : vector<16xf32> to vector<16xf32>
    tpu.vector_store %arg6[%swap3A_205], %swap3A_208 {strides = array<i32>} : memref<640xf32, #tpu.memory_space<vmem>>, vector<16xf32>,
    %broadcast_in_dim3A_209 = arith.constant 0.000000e+00 : f32
    %broadcast_in_dim3A_210 = vector.broadcast %broadcast_in_dim3A_209 : f32 to vector<16xf32>
    %swap3A_211 = arith.constant 480 : index
    %swap3A_212 = tpu.vector_load %arg6[%swap3A_211] {strides = array<i32>} : memref<640xf32, #tpu.memory_space<vmem>>, vector<16xf32>,
    %swap3A_213 = vector.shape_cast %swap3A_212 : vector<16xf32> to vector<16xf32>
    %swap3A_214 = vector.shape_cast %broadcast_in_dim3A_210 : vector<16xf32> to vector<16xf32>
    tpu.vector_store %arg6[%swap3A_211], %swap3A_214 {strides = array<i32>} : memref<640xf32, #tpu.memory_space<vmem>>, vector<16xf32>,
    %broadcast_in_dim3A_215 = arith.constant 0.000000e+00 : f32
    %broadcast_in_dim3A_216 = vector.broadcast %broadcast_in_dim3A_215 : f32 to vector<16xf32>
    %swap3A_217 = arith.constant 496 : index
    %swap3A_218 = tpu.vector_load %arg6[%swap3A_217] {strides = array<i32>} : memref<640xf32, #tpu.memory_space<vmem>>, vector<16xf32>,
    %swap3A_219 = vector.shape_cast %swap3A_218 : vector<16xf32> to vector<16xf32>
    %swap3A_220 = vector.shape_cast %broadcast_in_dim3A_216 : vector<16xf32> to vector<16xf32>
    tpu.vector_store %arg6[%swap3A_217], %swap3A_220 {strides = array<i32>} : memref<640xf32, #tpu.memory_space<vmem>>, vector<16xf32>,
    %broadcast_in_dim3A_221 = arith.constant 0.000000e+00 : f32
    %broadcast_in_dim3A_222 = vector.broadcast %broadcast_in_dim3A_221 : f32 to vector<16xf32>
    %swap3A_223 = arith.constant 512 : index
    %swap3A_224 = tpu.vector_load %arg6[%swap3A_223] {strides = array<i32>} : memref<640xf32, #tpu.memory_space<vmem>>, vector<16xf32>,
    %swap3A_225 = vector.shape_cast %swap3A_224 : vector<16xf32> to vector<16xf32>
    %swap3A_226 = vector.shape_cast %broadcast_in_dim3A_222 : vector<16xf32> to vector<16xf32>
    tpu.vector_store %arg6[%swap3A_223], %swap3A_226 {strides = array<i32>} : memref<640xf32, #tpu.memory_space<vmem>>, vector<16xf32>,
    %broadcast_in_dim3A_227 = arith.constant 0.000000e+00 : f32
    %broadcast_in_dim3A_228 = vector.broadcast %broadcast_in_dim3A_227 : f32 to vector<16xf32>
    %swap3A_229 = arith.constant 528 : index
    %swap3A_230 = tpu.vector_load %arg6[%swap3A_229] {strides = array<i32>} : memref<640xf32, #tpu.memory_space<vmem>>, vector<16xf32>,
    %swap3A_231 = vector.shape_cast %swap3A_230 : vector<16xf32> to vector<16xf32>
    %swap3A_232 = vector.shape_cast %broadcast_in_dim3A_228 : vector<16xf32> to vector<16xf32>
    tpu.vector_store %arg6[%swap3A_229], %swap3A_232 {strides = array<i32>} : memref<640xf32, #tpu.memory_space<vmem>>, vector<16xf32>,
    %broadcast_in_dim3A_233 = arith.constant 0.000000e+00 : f32
    %broadcast_in_dim3A_234 = vector.broadcast %broadcast_in_dim3A_233 : f32 to vector<16xf32>
    %swap3A_235 = arith.constant 544 : index
    %swap3A_236 = tpu.vector_load %arg6[%swap3A_235] {strides = array<i32>} : memref<640xf32, #tpu.memory_space<vmem>>, vector<16xf32>,
    %swap3A_237 = vector.shape_cast %swap3A_236 : vector<16xf32> to vector<16xf32>
    %swap3A_238 = vector.shape_cast %broadcast_in_dim3A_234 : vector<16xf32> to vector<16xf32>
    tpu.vector_store %arg6[%swap3A_235], %swap3A_238 {strides = array<i32>} : memref<640xf32, #tpu.memory_space<vmem>>, vector<16xf32>,
    %broadcast_in_dim3A_239 = arith.constant 0.000000e+00 : f32
    %broadcast_in_dim3A_240 = vector.broadcast %broadcast_in_dim3A_239 : f32 to vector<16xf32>
    %swap3A_241 = arith.constant 560 : index
    %swap3A_242 = tpu.vector_load %arg6[%swap3A_241] {strides = array<i32>} : memref<640xf32, #tpu.memory_space<vmem>>, vector<16xf32>,
    %swap3A_243 = vector.shape_cast %swap3A_242 : vector<16xf32> to vector<16xf32>
    %swap3A_244 = vector.shape_cast %broadcast_in_dim3A_240 : vector<16xf32> to vector<16xf32>
    tpu.vector_store %arg6[%swap3A_241], %swap3A_244 {strides = array<i32>} : memref<640xf32, #tpu.memory_space<vmem>>, vector<16xf32>,
    %broadcast_in_dim3A_245 = arith.constant 0.000000e+00 : f32
    %broadcast_in_dim3A_246 = vector.broadcast %broadcast_in_dim3A_245 : f32 to vector<16xf32>
    %swap3A_247 = arith.constant 576 : index
    %swap3A_248 = tpu.vector_load %arg6[%swap3A_247] {strides = array<i32>} : memref<640xf32, #tpu.memory_space<vmem>>, vector<16xf32>,
    %swap3A_249 = vector.shape_cast %swap3A_248 : vector<16xf32> to vector<16xf32>
    %swap3A_250 = vector.shape_cast %broadcast_in_dim3A_246 : vector<16xf32> to vector<16xf32>
    tpu.vector_store %arg6[%swap3A_247], %swap3A_250 {strides = array<i32>} : memref<640xf32, #tpu.memory_space<vmem>>, vector<16xf32>,
    %broadcast_in_dim3A_251 = arith.constant 0.000000e+00 : f32
    %broadcast_in_dim3A_252 = vector.broadcast %broadcast_in_dim3A_251 : f32 to vector<16xf32>
    %swap3A_253 = arith.constant 592 : index
    %swap3A_254 = tpu.vector_load %arg6[%swap3A_253] {strides = array<i32>} : memref<640xf32, #tpu.memory_space<vmem>>, vector<16xf32>,
    %swap3A_255 = vector.shape_cast %swap3A_254 : vector<16xf32> to vector<16xf32>
    %swap3A_256 = vector.shape_cast %broadcast_in_dim3A_252 : vector<16xf32> to vector<16xf32>
    tpu.vector_store %arg6[%swap3A_253], %swap3A_256 {strides = array<i32>} : memref<640xf32, #tpu.memory_space<vmem>>, vector<16xf32>,
    %broadcast_in_dim3A_257 = arith.constant 0.000000e+00 : f32
    %broadcast_in_dim3A_258 = vector.broadcast %broadcast_in_dim3A_257 : f32 to vector<16xf32>
    %swap3A_259 = arith.constant 608 : index
    %swap3A_260 = tpu.vector_load %arg6[%swap3A_259] {strides = array<i32>} : memref<640xf32, #tpu.memory_space<vmem>>, vector<16xf32>,
    %swap3A_261 = vector.shape_cast %swap3A_260 : vector<16xf32> to vector<16xf32>
    %swap3A_262 = vector.shape_cast %broadcast_in_dim3A_258 : vector<16xf32> to vector<16xf32>
    tpu.vector_store %arg6[%swap3A_259], %swap3A_262 {strides = array<i32>} : memref<640xf32, #tpu.memory_space<vmem>>, vector<16xf32>,
    %broadcast_in_dim3A_263 = arith.constant 0.000000e+00 : f32
    %broadcast_in_dim3A_264 = vector.broadcast %broadcast_in_dim3A_263 : f32 to vector<16xf32>
    %swap3A_265 = arith.constant 624 : index
    %swap3A_266 = tpu.vector_load %arg6[%swap3A_265] {strides = array<i32>} : memref<640xf32, #tpu.memory_space<vmem>>, vector<16xf32>,
    %swap3A_267 = vector.shape_cast %swap3A_266 : vector<16xf32> to vector<16xf32>
    %swap3A_268 = vector.shape_cast %broadcast_in_dim3A_264 : vector<16xf32> to vector<16xf32>
    tpu.vector_store %arg6[%swap3A_265], %swap3A_268 {strides = array<i32>} : memref<640xf32, #tpu.memory_space<vmem>>, vector<16xf32>,
    %mul3A_269 = arith.constant 640 : i32
    %mul3A_270 = arith.muli %arg1, %mul3A_269 : i32
    "tpu.region"() ({
      %run_scoped3A_282 = tpu.sem_alloc : memref<!tpu.dma_semaphore, #tpu.memory_space<semaphore_mem>>
      %dma_start3A = tpu.memref_slice %arg7[%mul3A_270] : memref<10240xf32, #tpu.memory_space<vmem_shared>> -> memref<640xf32, #tpu.memory_space<vmem_shared>>
      %dma_start3A_283 = tpu.memref_slice %arg7[%mul3A_270] : memref<10240xf32, #tpu.memory_space<vmem_shared>> -> memref<640xf32, #tpu.memory_space<vmem_shared>>
      tpu.enqueue_dma source(%arg6 : memref<640xf32, #tpu.memory_space<vmem>>) target(%dma_start3A_283 : memref<640xf32, #tpu.memory_space<vmem_shared>>) target_semaphore(%run_scoped3A_282 : memref<!tpu.dma_semaphore, #tpu.memory_space<semaphore_mem>>)
      %dma_wait3A = tpu.memref_slice %arg7[%mul3A_270] : memref<10240xf32, #tpu.memory_space<vmem_shared>> -> memref<640xf32, #tpu.memory_space<vmem_shared>>
      %dma_wait3A_284 = tpu.memref_slice %arg7[%mul3A_270] : memref<10240xf32, #tpu.memory_space<vmem_shared>> -> memref<640xf32, #tpu.memory_space<vmem_shared>>
      tpu.wait_dma2 semaphore(%run_scoped3A_282 : memref<!tpu.dma_semaphore, #tpu.memory_space<semaphore_mem>>) src(%arg6 : memref<640xf32, #tpu.memory_space<vmem>>) dst(%dma_wait3A_284 : memref<640xf32, #tpu.memory_space<vmem_shared>>)
      tpu.yield
    }) : () -> ()
    %barrier3A = arith.constant 0 : index
    tpu.barrier barrier_id(%barrier3A)
    %scan3A = arith.constant 0 : i32
    %scan3A_271 = arith.constant 0 : i32
    %scan3A_272 = arith.constant 130 : i32
    %scan3A_273 = arith.addi %scan3A_271, %scan3A_272 : i32
    %scan3A_274 = arith.constant 1 : i32
    %scan3A_275 = scf.for %scan3A_282 = %scan3A_271 to %scan3A_273 step %scan3A_274 iter_args(%scan3A_283 = %scan3A) -> (i32)  : i32 {
      %jit3A = arith.constant 26 : i32
      %div3A = arith.divsi %scan3A_282, %jit3A : i32
      %sign3A = arith.constant 0 : i32
      %sign3A_284 = arith.cmpi sgt, %scan3A_282, %sign3A : i32
      %sign3A_285 = arith.extui %sign3A_284 : i1 to i32
      %sign3A_286 = arith.constant 0 : i32
      %sign3A_287 = arith.cmpi slt, %scan3A_282, %sign3A_286 : i32
      %sign3A_288 = arith.extui %sign3A_287 : i1 to i32
      %sign3A_289 = arith.subi %sign3A_285, %sign3A_288 : i32
      %sign3A_290 = arith.constant 0 : i32
      %sign3A_291 = arith.cmpi sgt, %jit3A, %sign3A_290 : i32
      %sign3A_292 = arith.extui %sign3A_291 : i1 to i32
      %sign3A_293 = arith.constant 0 : i32
      %sign3A_294 = arith.cmpi slt, %jit3A, %sign3A_293 : i32
      %sign3A_295 = arith.extui %sign3A_294 : i1 to i32
      %sign3A_296 = arith.subi %sign3A_292, %sign3A_295 : i32
      %ne3A = arith.cmpi ne, %sign3A_289, %sign3A_296 : i32
      %rem3A = arith.remsi %scan3A_282, %jit3A : i32
      %ne3A_297 = arith.constant 0 : i32
      %ne3A_298 = arith.cmpi ne, %rem3A, %ne3A_297 : i32
      %and3A = arith.andi %ne3A, %ne3A_298 : i1
      %sub3A = arith.constant 1 : i32
      %sub3A_299 = arith.subi %div3A, %sub3A : i32
      %select_n3A = arith.select %and3A, %sub3A_299, %div3A : i32
      %jit3A_300 = arith.constant 26 : i32
      %eq3A = arith.constant 0 : i32
      %eq3A_301 = arith.cmpi eq, %jit3A_300, %eq3A : i32
      %jit3A_302 = arith.constant 1 : i32
      %select_n3A_303 = arith.select %eq3A_301, %jit3A_302, %jit3A_300 : i32
      %rem3A_304 = arith.remsi %scan3A_282, %select_n3A_303 : i32
      %ne3A_305 = arith.constant 0 : i32
      %ne3A_306 = arith.cmpi ne, %rem3A_304, %ne3A_305 : i32
      %lt3A = arith.constant 0 : i32
      %lt3A_307 = arith.cmpi slt, %rem3A_304, %lt3A : i32
      %lt3A_308 = arith.constant 0 : i32
      %lt3A_309 = arith.cmpi slt, %select_n3A_303, %lt3A_308 : i32
      %ne3A_310 = arith.xori %lt3A_307, %lt3A_309 : i1
      %and3A_311 = arith.andi %ne3A_310, %ne3A_306 : i1
      %add3A_312 = arith.addi %rem3A_304, %select_n3A_303 : i32
      %select_n3A_313 = arith.select %and3A_311, %add3A_312, %rem3A_304 : i32
      "tpu.region"() ({
        %run_scoped3A_315 = tpu.sem_alloc : memref<!tpu.dma_semaphore, #tpu.memory_space<semaphore_mem>>
        %dma_start3A = arith.constant 0 : i32
        %dma_start3A_316 = tpu.memref_slice %arg4[%select_n3A, %select_n3A_313, %dma_start3A] : memref<5x26x80xi32, #tpu.memory_space<vmem>> -> memref<1x1x80xi32, #tpu.memory_space<vmem>>
        %dma_start3A_317 = tpu.memref_squeeze %dma_start3A_316 : memref<1x1x80xi32, #tpu.memory_space<vmem>> -> memref<80xi32, #tpu.memory_space<vmem>>
        %dma_start3A_318 = arith.constant 0 : i32
        %dma_start3A_319 = tpu.memref_slice %arg7[%dma_start3A_318] : memref<10240xf32, #tpu.memory_space<vmem_shared>> -> memref<10240xf32, #tpu.memory_space<vmem_shared>>
        tpu.enqueue_indirect_dma source(%arg5 : memref<80xf32, #tpu.memory_space<vmem>>) target(%dma_start3A_319 : memref<10240xf32, #tpu.memory_space<vmem_shared>>) offsets(%dma_start3A_317 : memref<80xi32, #tpu.memory_space<vmem>>) semaphore(%run_scoped3A_315 : memref<!tpu.dma_semaphore, #tpu.memory_space<semaphore_mem>>) {add = true}
        %dma_wait3A = arith.constant 0 : i32
        %dma_wait3A_320 = tpu.memref_slice %arg4[%select_n3A, %select_n3A_313, %dma_wait3A] : memref<5x26x80xi32, #tpu.memory_space<vmem>> -> memref<1x1x80xi32, #tpu.memory_space<vmem>>
        %dma_wait3A_321 = tpu.memref_squeeze %dma_wait3A_320 : memref<1x1x80xi32, #tpu.memory_space<vmem>> -> memref<80xi32, #tpu.memory_space<vmem>>
        %dma_wait3A_322 = arith.constant 0 : i32
        %dma_wait3A_323 = tpu.memref_slice %arg7[%dma_wait3A_322] : memref<10240xf32, #tpu.memory_space<vmem_shared>> -> memref<10240xf32, #tpu.memory_space<vmem_shared>>
        tpu.wait_indirect_dma semaphore(%run_scoped3A_315 : memref<!tpu.dma_semaphore, #tpu.memory_space<semaphore_mem>>) src(%arg5 : memref<80xf32, #tpu.memory_space<vmem>>) dst(%dma_wait3A_323 : memref<10240xf32, #tpu.memory_space<vmem_shared>>)
        tpu.yield
      }) : () -> ()
      %scan3A_314 = arith.constant 0 : i32
      scf.yield %scan3A_314 : i32
    }
    %scan3A_276 = arith.constant 130 : i32
    %barrier3A_277 = arith.constant 0 : index
    tpu.barrier barrier_id(%barrier3A_277)
    %mul3A_278 = arith.constant 640 : i32
    %mul3A_279 = arith.muli %arg1, %mul3A_278 : i32
    %mul3A_280 = arith.constant 640 : i32
    %mul3A_281 = arith.muli %arg1, %mul3A_280 : i32
    %run_scoped3A = arith.constant 0 : i32
    "tpu.region"() ({
      %run_scoped3A_282 = tpu.sem_alloc : memref<!tpu.dma_semaphore, #tpu.memory_space<semaphore_mem>>
      %dma_start3A = tpu.memref_slice %arg3[%arg0, %run_scoped3A, %mul3A_281] : memref<2x1x10240xf32, #tpu.memory_space<hbm>> -> memref<1x1x640xf32, #tpu.memory_space<hbm>>
      %dma_start3A_283 = tpu.memref_squeeze %dma_start3A : memref<1x1x640xf32, #tpu.memory_space<hbm>> -> memref<640xf32, #tpu.memory_space<hbm>>
      %dma_start3A_284 = tpu.memref_slice %arg7[%mul3A_279] : memref<10240xf32, #tpu.memory_space<vmem_shared>> -> memref<640xf32, #tpu.memory_space<vmem_shared>>
      tpu.enqueue_dma source(%dma_start3A_284 : memref<640xf32, #tpu.memory_space<vmem_shared>>) target(%dma_start3A_283 : memref<640xf32, #tpu.memory_space<hbm>>) target_semaphore(%run_scoped3A_282 : memref<!tpu.dma_semaphore, #tpu.memory_space<semaphore_mem>>)
      %dma_wait3A = tpu.memref_slice %arg3[%arg0, %run_scoped3A, %mul3A_281] : memref<2x1x10240xf32, #tpu.memory_space<hbm>> -> memref<1x1x640xf32, #tpu.memory_space<hbm>>
      %dma_wait3A_285 = tpu.memref_squeeze %dma_wait3A : memref<1x1x640xf32, #tpu.memory_space<hbm>> -> memref<640xf32, #tpu.memory_space<hbm>>
      %dma_wait3A_286 = tpu.memref_slice %arg7[%mul3A_279] : memref<10240xf32, #tpu.memory_space<vmem_shared>> -> memref<640xf32, #tpu.memory_space<vmem_shared>>
      tpu.wait_dma2 semaphore(%run_scoped3A_282 : memref<!tpu.dma_semaphore, #tpu.memory_space<semaphore_mem>>) src(%dma_wait3A_286 : memref<640xf32, #tpu.memory_space<vmem_shared>>) dst(%dma_wait3A_285 : memref<640xf32, #tpu.memory_space<hbm>>)
      tpu.yield
    }) : () -> ()
    return
  }
}

#map = affine_map<(d0, d1) -> (0, 0)>
#map1 = affine_map<(d0, d1) -> (0, 0, 0, 0)>
#map2 = affine_map<(d0, d1) -> (0, 0, 0)>
module attributes {stable_mosaic.version = 14 : i64} {
  func.func @_sc_edge(%arg0: i32, %arg1: i32, %arg2: memref<10000x128xf32, #tpu.memory_space<hbm>>, %arg3: memref<32x5x26x80xi32, #tpu.memory_space<hbm>>, %arg4: memref<32x5x26x80xi32, #tpu.memory_space<hbm>>, %arg5: memref<640x128xf32, #tpu.memory_space<hbm>>, %arg6: memref<2x10240x128xf32, #tpu.memory_space<hbm>>, %arg7: memref<26x80xi32, #tpu.memory_space<vmem>>, %arg8: memref<26x80xi32, #tpu.memory_space<vmem>>, %arg9: memref<80x128xf32, #tpu.memory_space<vmem>>, %arg10: memref<80x128xf32, #tpu.memory_space<vmem>>, %arg11: memref<10240x128xf32, #tpu.memory_space<vmem_shared>>, %arg12: memref<!tpu.dma_semaphore, #tpu.memory_space<semaphore_mem>>, %arg13: memref<!tpu.dma_semaphore, #tpu.memory_space<semaphore_mem>>, %arg14: memref<!tpu.dma_semaphore, #tpu.memory_space<semaphore_mem>>, %arg15: memref<!tpu.dma_semaphore, #tpu.memory_space<semaphore_mem>>) attributes {dimension_semantics = [#tpu.dimension_semantics<core_parallel>, #tpu.dimension_semantics<subcore_parallel>], iteration_bounds = array<i64: 2, 16>, scalar_prefetch = 0 : i64, scratch_operands = 9 : i64, tpu.core_type = #tpu.core_type<sc_vector_subcore>, window_params = [{transform_indices = #map}, {transform_indices = #map1}, {transform_indices = #map1}, {transform_indices = #map}, {transform_indices = #map2}]} {
    %mul3A = arith.constant 16 : i32
    %mul3A_0 = arith.muli %arg0, %mul3A : i32
    %add3A = arith.addi %mul3A_0, %arg1 : i32
    %mul3A_1 = arith.constant 640 : i32
    %mul3A_2 = arith.muli %arg1, %mul3A_1 : i32
    "tpu.region"() ({
      %run_scoped3A = tpu.sem_alloc : memref<!tpu.dma_semaphore, #tpu.memory_space<semaphore_mem>>
      %dma_start3A = arith.constant 0 : i32
      %dma_start3A_14 = tpu.memref_slice %arg11[%mul3A_2, %dma_start3A] : memref<10240x128xf32, #tpu.memory_space<vmem_shared>> -> memref<640x128xf32, #tpu.memory_space<vmem_shared>>
      tpu.enqueue_dma source(%arg5 : memref<640x128xf32, #tpu.memory_space<hbm>>) target(%dma_start3A_14 : memref<640x128xf32, #tpu.memory_space<vmem_shared>>) target_semaphore(%run_scoped3A : memref<!tpu.dma_semaphore, #tpu.memory_space<semaphore_mem>>)
      %dma_wait3A = arith.constant 0 : i32
      %dma_wait3A_15 = tpu.memref_slice %arg11[%mul3A_2, %dma_wait3A] : memref<10240x128xf32, #tpu.memory_space<vmem_shared>> -> memref<640x128xf32, #tpu.memory_space<vmem_shared>>
      tpu.wait_dma2 semaphore(%run_scoped3A : memref<!tpu.dma_semaphore, #tpu.memory_space<semaphore_mem>>) src(%arg5 : memref<640x128xf32, #tpu.memory_space<hbm>>) dst(%dma_wait3A_15 : memref<640x128xf32, #tpu.memory_space<vmem_shared>>)
      tpu.yield
    }) : () -> ()
    %barrier3A = arith.constant 0 : index
    tpu.barrier barrier_id(%barrier3A)
    %scan3A = arith.constant 0 : i32
    %scan3A_3 = arith.constant 0 : i32
    %scan3A_4 = arith.constant 5 : i32
    %scan3A_5 = arith.addi %scan3A_3, %scan3A_4 : i32
    %scan3A_6 = arith.constant 1 : i32
    %scan3A_7 = scf.for %scan3A_14 = %scan3A_3 to %scan3A_5 step %scan3A_6 iter_args(%scan3A_15 = %scan3A) -> (i32)  : i32 {
      "tpu.region"() ({
        %run_scoped3A = tpu.sem_alloc : memref<!tpu.dma_semaphore, #tpu.memory_space<semaphore_mem>>
        %dma_start3A_78 = arith.constant 0 : i32
        %dma_start3A_79 = arith.constant 0 : i32
        %dma_start3A_80 = tpu.memref_slice %arg3[%add3A, %scan3A_14, %dma_start3A_78, %dma_start3A_79] : memref<32x5x26x80xi32, #tpu.memory_space<hbm>> -> memref<1x1x26x80xi32, #tpu.memory_space<hbm>>
        %dma_start3A_81 = tpu.memref_squeeze %dma_start3A_80 : memref<1x1x26x80xi32, #tpu.memory_space<hbm>> -> memref<26x80xi32, #tpu.memory_space<hbm>>
        %dma_start3A_82 = arith.constant 0 : i32
        %dma_start3A_83 = arith.constant 0 : i32
        %dma_start3A_84 = tpu.memref_slice %arg3[%add3A, %scan3A_14, %dma_start3A_82, %dma_start3A_83] : memref<32x5x26x80xi32, #tpu.memory_space<hbm>> -> memref<1x1x26x80xi32, #tpu.memory_space<hbm>>
        %dma_start3A_85 = tpu.memref_squeeze %dma_start3A_84 : memref<1x1x26x80xi32, #tpu.memory_space<hbm>> -> memref<26x80xi32, #tpu.memory_space<hbm>>
        tpu.enqueue_dma source(%dma_start3A_85 : memref<26x80xi32, #tpu.memory_space<hbm>>) target(%arg7 : memref<26x80xi32, #tpu.memory_space<vmem>>) target_semaphore(%run_scoped3A : memref<!tpu.dma_semaphore, #tpu.memory_space<semaphore_mem>>)
        %dma_wait3A_86 = arith.constant 0 : i32
        %dma_wait3A_87 = arith.constant 0 : i32
        %dma_wait3A_88 = tpu.memref_slice %arg3[%add3A, %scan3A_14, %dma_wait3A_86, %dma_wait3A_87] : memref<32x5x26x80xi32, #tpu.memory_space<hbm>> -> memref<1x1x26x80xi32, #tpu.memory_space<hbm>>
        %dma_wait3A_89 = tpu.memref_squeeze %dma_wait3A_88 : memref<1x1x26x80xi32, #tpu.memory_space<hbm>> -> memref<26x80xi32, #tpu.memory_space<hbm>>
        %dma_wait3A_90 = arith.constant 0 : i32
        %dma_wait3A_91 = arith.constant 0 : i32
        %dma_wait3A_92 = tpu.memref_slice %arg3[%add3A, %scan3A_14, %dma_wait3A_90, %dma_wait3A_91] : memref<32x5x26x80xi32, #tpu.memory_space<hbm>> -> memref<1x1x26x80xi32, #tpu.memory_space<hbm>>
        %dma_wait3A_93 = tpu.memref_squeeze %dma_wait3A_92 : memref<1x1x26x80xi32, #tpu.memory_space<hbm>> -> memref<26x80xi32, #tpu.memory_space<hbm>>
        tpu.wait_dma2 semaphore(%run_scoped3A : memref<!tpu.dma_semaphore, #tpu.memory_space<semaphore_mem>>) src(%dma_wait3A_93 : memref<26x80xi32, #tpu.memory_space<hbm>>) dst(%arg7 : memref<26x80xi32, #tpu.memory_space<vmem>>)
        tpu.yield
      }) : () -> ()
      "tpu.region"() ({
        %run_scoped3A = tpu.sem_alloc : memref<!tpu.dma_semaphore, #tpu.memory_space<semaphore_mem>>
        %dma_start3A_78 = arith.constant 0 : i32
        %dma_start3A_79 = arith.constant 0 : i32
        %dma_start3A_80 = tpu.memref_slice %arg4[%add3A, %scan3A_14, %dma_start3A_78, %dma_start3A_79] : memref<32x5x26x80xi32, #tpu.memory_space<hbm>> -> memref<1x1x26x80xi32, #tpu.memory_space<hbm>>
        %dma_start3A_81 = tpu.memref_squeeze %dma_start3A_80 : memref<1x1x26x80xi32, #tpu.memory_space<hbm>> -> memref<26x80xi32, #tpu.memory_space<hbm>>
        %dma_start3A_82 = arith.constant 0 : i32
        %dma_start3A_83 = arith.constant 0 : i32
        %dma_start3A_84 = tpu.memref_slice %arg4[%add3A, %scan3A_14, %dma_start3A_82, %dma_start3A_83] : memref<32x5x26x80xi32, #tpu.memory_space<hbm>> -> memref<1x1x26x80xi32, #tpu.memory_space<hbm>>
        %dma_start3A_85 = tpu.memref_squeeze %dma_start3A_84 : memref<1x1x26x80xi32, #tpu.memory_space<hbm>> -> memref<26x80xi32, #tpu.memory_space<hbm>>
        tpu.enqueue_dma source(%dma_start3A_85 : memref<26x80xi32, #tpu.memory_space<hbm>>) target(%arg8 : memref<26x80xi32, #tpu.memory_space<vmem>>) target_semaphore(%run_scoped3A : memref<!tpu.dma_semaphore, #tpu.memory_space<semaphore_mem>>)
        %dma_wait3A_86 = arith.constant 0 : i32
        %dma_wait3A_87 = arith.constant 0 : i32
        %dma_wait3A_88 = tpu.memref_slice %arg4[%add3A, %scan3A_14, %dma_wait3A_86, %dma_wait3A_87] : memref<32x5x26x80xi32, #tpu.memory_space<hbm>> -> memref<1x1x26x80xi32, #tpu.memory_space<hbm>>
        %dma_wait3A_89 = tpu.memref_squeeze %dma_wait3A_88 : memref<1x1x26x80xi32, #tpu.memory_space<hbm>> -> memref<26x80xi32, #tpu.memory_space<hbm>>
        %dma_wait3A_90 = arith.constant 0 : i32
        %dma_wait3A_91 = arith.constant 0 : i32
        %dma_wait3A_92 = tpu.memref_slice %arg4[%add3A, %scan3A_14, %dma_wait3A_90, %dma_wait3A_91] : memref<32x5x26x80xi32, #tpu.memory_space<hbm>> -> memref<1x1x26x80xi32, #tpu.memory_space<hbm>>
        %dma_wait3A_93 = tpu.memref_squeeze %dma_wait3A_92 : memref<1x1x26x80xi32, #tpu.memory_space<hbm>> -> memref<26x80xi32, #tpu.memory_space<hbm>>
        tpu.wait_dma2 semaphore(%run_scoped3A : memref<!tpu.dma_semaphore, #tpu.memory_space<semaphore_mem>>) src(%dma_wait3A_93 : memref<26x80xi32, #tpu.memory_space<hbm>>) dst(%arg8 : memref<26x80xi32, #tpu.memory_space<vmem>>)
        tpu.yield
      }) : () -> ()
      %dma_start3A = arith.constant 0 : i32
      %dma_start3A_16 = arith.constant 0 : i32
      %dma_start3A_17 = tpu.memref_slice %arg7[%dma_start3A, %dma_start3A_16] : memref<26x80xi32, #tpu.memory_space<vmem>> -> memref<1x80xi32, #tpu.memory_space<vmem>>
      %dma_start3A_18 = tpu.memref_squeeze %dma_start3A_17 : memref<1x80xi32, #tpu.memory_space<vmem>> -> memref<80xi32, #tpu.memory_space<vmem>>
      %dma_start3A_19 = arith.constant 0 : i32
      %dma_start3A_20 = arith.constant 0 : i32
      %dma_start3A_21 = tpu.memref_slice %arg2[%dma_start3A_19, %dma_start3A_20] : memref<10000x128xf32, #tpu.memory_space<hbm>> -> memref<10000x128xf32, #tpu.memory_space<hbm>>
      tpu.enqueue_indirect_dma source(%dma_start3A_21 : memref<10000x128xf32, #tpu.memory_space<hbm>>) target(%arg9 : memref<80x128xf32, #tpu.memory_space<vmem>>) offsets(%dma_start3A_18 : memref<80xi32, #tpu.memory_space<vmem>>) semaphore(%arg12 : memref<!tpu.dma_semaphore, #tpu.memory_space<semaphore_mem>>)
      %dma_start3A_22 = arith.constant 1 : i32
      %dma_start3A_23 = arith.constant 0 : i32
      %dma_start3A_24 = tpu.memref_slice %arg7[%dma_start3A_22, %dma_start3A_23] : memref<26x80xi32, #tpu.memory_space<vmem>> -> memref<1x80xi32, #tpu.memory_space<vmem>>
      %dma_start3A_25 = tpu.memref_squeeze %dma_start3A_24 : memref<1x80xi32, #tpu.memory_space<vmem>> -> memref<80xi32, #tpu.memory_space<vmem>>
      %dma_start3A_26 = arith.constant 0 : i32
      %dma_start3A_27 = arith.constant 0 : i32
      %dma_start3A_28 = tpu.memref_slice %arg2[%dma_start3A_26, %dma_start3A_27] : memref<10000x128xf32, #tpu.memory_space<hbm>> -> memref<10000x128xf32, #tpu.memory_space<hbm>>
      tpu.enqueue_indirect_dma source(%dma_start3A_28 : memref<10000x128xf32, #tpu.memory_space<hbm>>) target(%arg10 : memref<80x128xf32, #tpu.memory_space<vmem>>) offsets(%dma_start3A_25 : memref<80xi32, #tpu.memory_space<vmem>>) semaphore(%arg13 : memref<!tpu.dma_semaphore, #tpu.memory_space<semaphore_mem>>)
      %scan3A_29 = arith.constant 0 : i32
      %scan3A_30 = arith.constant 0 : i32
      %scan3A_31 = arith.constant 12 : i32
      %scan3A_32 = arith.addi %scan3A_30, %scan3A_31 : i32
      %scan3A_33 = arith.constant 1 : i32
      %scan3A_34 = scf.for %scan3A_78 = %scan3A_30 to %scan3A_32 step %scan3A_33 iter_args(%scan3A_79 = %scan3A_29) -> (i32)  : i32 {
        %mul3A_80 = arith.constant 2 : i32
        %mul3A_81 = arith.muli %mul3A_80, %scan3A_78 : i32
        %dma_wait3A_82 = arith.constant 0 : i32
        %dma_wait3A_83 = tpu.memref_slice %arg7[%mul3A_81, %dma_wait3A_82] : memref<26x80xi32, #tpu.memory_space<vmem>> -> memref<1x80xi32, #tpu.memory_space<vmem>>
        %dma_wait3A_84 = tpu.memref_squeeze %dma_wait3A_83 : memref<1x80xi32, #tpu.memory_space<vmem>> -> memref<80xi32, #tpu.memory_space<vmem>>
        %dma_wait3A_85 = arith.constant 0 : i32
        %dma_wait3A_86 = arith.constant 0 : i32
        %dma_wait3A_87 = tpu.memref_slice %arg2[%dma_wait3A_85, %dma_wait3A_86] : memref<10000x128xf32, #tpu.memory_space<hbm>> -> memref<10000x128xf32, #tpu.memory_space<hbm>>
        tpu.wait_indirect_dma semaphore(%arg12 : memref<!tpu.dma_semaphore, #tpu.memory_space<semaphore_mem>>) src(%dma_wait3A_87 : memref<10000x128xf32, #tpu.memory_space<hbm>>) dst(%arg9 : memref<80x128xf32, #tpu.memory_space<vmem>>)
        %dma_start3A_88 = arith.constant 0 : i32
        %dma_start3A_89 = tpu.memref_slice %arg8[%mul3A_81, %dma_start3A_88] : memref<26x80xi32, #tpu.memory_space<vmem>> -> memref<1x80xi32, #tpu.memory_space<vmem>>
        %dma_start3A_90 = tpu.memref_squeeze %dma_start3A_89 : memref<1x80xi32, #tpu.memory_space<vmem>> -> memref<80xi32, #tpu.memory_space<vmem>>
        %dma_start3A_91 = arith.constant 0 : i32
        %dma_start3A_92 = arith.constant 0 : i32
        %dma_start3A_93 = tpu.memref_slice %arg11[%dma_start3A_91, %dma_start3A_92] : memref<10240x128xf32, #tpu.memory_space<vmem_shared>> -> memref<10240x128xf32, #tpu.memory_space<vmem_shared>>
        tpu.enqueue_indirect_dma source(%arg9 : memref<80x128xf32, #tpu.memory_space<vmem>>) target(%dma_start3A_93 : memref<10240x128xf32, #tpu.memory_space<vmem_shared>>) offsets(%dma_start3A_90 : memref<80xi32, #tpu.memory_space<vmem>>) semaphore(%arg14 : memref<!tpu.dma_semaphore, #tpu.memory_space<semaphore_mem>>) {add = true}
        %add3A_94 = arith.constant 1 : i32
        %add3A_95 = arith.addi %mul3A_81, %add3A_94 : i32
        %dma_wait3A_96 = arith.constant 0 : i32
        %dma_wait3A_97 = tpu.memref_slice %arg7[%add3A_95, %dma_wait3A_96] : memref<26x80xi32, #tpu.memory_space<vmem>> -> memref<1x80xi32, #tpu.memory_space<vmem>>
        %dma_wait3A_98 = tpu.memref_squeeze %dma_wait3A_97 : memref<1x80xi32, #tpu.memory_space<vmem>> -> memref<80xi32, #tpu.memory_space<vmem>>
        %dma_wait3A_99 = arith.constant 0 : i32
        %dma_wait3A_100 = arith.constant 0 : i32
        %dma_wait3A_101 = tpu.memref_slice %arg2[%dma_wait3A_99, %dma_wait3A_100] : memref<10000x128xf32, #tpu.memory_space<hbm>> -> memref<10000x128xf32, #tpu.memory_space<hbm>>
        tpu.wait_indirect_dma semaphore(%arg13 : memref<!tpu.dma_semaphore, #tpu.memory_space<semaphore_mem>>) src(%dma_wait3A_101 : memref<10000x128xf32, #tpu.memory_space<hbm>>) dst(%arg10 : memref<80x128xf32, #tpu.memory_space<vmem>>)
        %add3A_102 = arith.constant 1 : i32
        %add3A_103 = arith.addi %mul3A_81, %add3A_102 : i32
        %dma_start3A_104 = arith.constant 0 : i32
        %dma_start3A_105 = tpu.memref_slice %arg8[%add3A_103, %dma_start3A_104] : memref<26x80xi32, #tpu.memory_space<vmem>> -> memref<1x80xi32, #tpu.memory_space<vmem>>
        %dma_start3A_106 = tpu.memref_squeeze %dma_start3A_105 : memref<1x80xi32, #tpu.memory_space<vmem>> -> memref<80xi32, #tpu.memory_space<vmem>>
        %dma_start3A_107 = arith.constant 0 : i32
        %dma_start3A_108 = arith.constant 0 : i32
        %dma_start3A_109 = tpu.memref_slice %arg11[%dma_start3A_107, %dma_start3A_108] : memref<10240x128xf32, #tpu.memory_space<vmem_shared>> -> memref<10240x128xf32, #tpu.memory_space<vmem_shared>>
        tpu.enqueue_indirect_dma source(%arg10 : memref<80x128xf32, #tpu.memory_space<vmem>>) target(%dma_start3A_109 : memref<10240x128xf32, #tpu.memory_space<vmem_shared>>) offsets(%dma_start3A_106 : memref<80xi32, #tpu.memory_space<vmem>>) semaphore(%arg15 : memref<!tpu.dma_semaphore, #tpu.memory_space<semaphore_mem>>) {add = true}
        %dma_wait3A_110 = arith.constant 0 : i32
        %dma_wait3A_111 = tpu.memref_slice %arg8[%mul3A_81, %dma_wait3A_110] : memref<26x80xi32, #tpu.memory_space<vmem>> -> memref<1x80xi32, #tpu.memory_space<vmem>>
        %dma_wait3A_112 = tpu.memref_squeeze %dma_wait3A_111 : memref<1x80xi32, #tpu.memory_space<vmem>> -> memref<80xi32, #tpu.memory_space<vmem>>
        %dma_wait3A_113 = arith.constant 0 : i32
        %dma_wait3A_114 = arith.constant 0 : i32
        %dma_wait3A_115 = tpu.memref_slice %arg11[%dma_wait3A_113, %dma_wait3A_114] : memref<10240x128xf32, #tpu.memory_space<vmem_shared>> -> memref<10240x128xf32, #tpu.memory_space<vmem_shared>>
        tpu.wait_indirect_dma semaphore(%arg14 : memref<!tpu.dma_semaphore, #tpu.memory_space<semaphore_mem>>) src(%arg9 : memref<80x128xf32, #tpu.memory_space<vmem>>) dst(%dma_wait3A_115 : memref<10240x128xf32, #tpu.memory_space<vmem_shared>>)
        %add3A_116 = arith.constant 2 : i32
        %add3A_117 = arith.addi %mul3A_81, %add3A_116 : i32
        %dma_start3A_118 = arith.constant 0 : i32
        %dma_start3A_119 = tpu.memref_slice %arg7[%add3A_117, %dma_start3A_118] : memref<26x80xi32, #tpu.memory_space<vmem>> -> memref<1x80xi32, #tpu.memory_space<vmem>>
        %dma_start3A_120 = tpu.memref_squeeze %dma_start3A_119 : memref<1x80xi32, #tpu.memory_space<vmem>> -> memref<80xi32, #tpu.memory_space<vmem>>
        %dma_start3A_121 = arith.constant 0 : i32
        %dma_start3A_122 = arith.constant 0 : i32
        %dma_start3A_123 = tpu.memref_slice %arg2[%dma_start3A_121, %dma_start3A_122] : memref<10000x128xf32, #tpu.memory_space<hbm>> -> memref<10000x128xf32, #tpu.memory_space<hbm>>
        tpu.enqueue_indirect_dma source(%dma_start3A_123 : memref<10000x128xf32, #tpu.memory_space<hbm>>) target(%arg9 : memref<80x128xf32, #tpu.memory_space<vmem>>) offsets(%dma_start3A_120 : memref<80xi32, #tpu.memory_space<vmem>>) semaphore(%arg12 : memref<!tpu.dma_semaphore, #tpu.memory_space<semaphore_mem>>)
        %add3A_124 = arith.constant 1 : i32
        %add3A_125 = arith.addi %mul3A_81, %add3A_124 : i32
        %dma_wait3A_126 = arith.constant 0 : i32
        %dma_wait3A_127 = tpu.memref_slice %arg8[%add3A_125, %dma_wait3A_126] : memref<26x80xi32, #tpu.memory_space<vmem>> -> memref<1x80xi32, #tpu.memory_space<vmem>>
        %dma_wait3A_128 = tpu.memref_squeeze %dma_wait3A_127 : memref<1x80xi32, #tpu.memory_space<vmem>> -> memref<80xi32, #tpu.memory_space<vmem>>
        %dma_wait3A_129 = arith.constant 0 : i32
        %dma_wait3A_130 = arith.constant 0 : i32
        %dma_wait3A_131 = tpu.memref_slice %arg11[%dma_wait3A_129, %dma_wait3A_130] : memref<10240x128xf32, #tpu.memory_space<vmem_shared>> -> memref<10240x128xf32, #tpu.memory_space<vmem_shared>>
        tpu.wait_indirect_dma semaphore(%arg15 : memref<!tpu.dma_semaphore, #tpu.memory_space<semaphore_mem>>) src(%arg10 : memref<80x128xf32, #tpu.memory_space<vmem>>) dst(%dma_wait3A_131 : memref<10240x128xf32, #tpu.memory_space<vmem_shared>>)
        %add3A_132 = arith.constant 3 : i32
        %add3A_133 = arith.addi %mul3A_81, %add3A_132 : i32
        %dma_start3A_134 = arith.constant 0 : i32
        %dma_start3A_135 = tpu.memref_slice %arg7[%add3A_133, %dma_start3A_134] : memref<26x80xi32, #tpu.memory_space<vmem>> -> memref<1x80xi32, #tpu.memory_space<vmem>>
        %dma_start3A_136 = tpu.memref_squeeze %dma_start3A_135 : memref<1x80xi32, #tpu.memory_space<vmem>> -> memref<80xi32, #tpu.memory_space<vmem>>
        %dma_start3A_137 = arith.constant 0 : i32
        %dma_start3A_138 = arith.constant 0 : i32
        %dma_start3A_139 = tpu.memref_slice %arg2[%dma_start3A_137, %dma_start3A_138] : memref<10000x128xf32, #tpu.memory_space<hbm>> -> memref<10000x128xf32, #tpu.memory_space<hbm>>
        tpu.enqueue_indirect_dma source(%dma_start3A_139 : memref<10000x128xf32, #tpu.memory_space<hbm>>) target(%arg10 : memref<80x128xf32, #tpu.memory_space<vmem>>) offsets(%dma_start3A_136 : memref<80xi32, #tpu.memory_space<vmem>>) semaphore(%arg13 : memref<!tpu.dma_semaphore, #tpu.memory_space<semaphore_mem>>)
        %scan3A_140 = arith.constant 0 : i32
        scf.yield %scan3A_140 : i32
      }
      %scan3A_35 = arith.constant 12 : i32
      %dma_wait3A = arith.constant 24 : i32
      %dma_wait3A_36 = arith.constant 0 : i32
      %dma_wait3A_37 = tpu.memref_slice %arg7[%dma_wait3A, %dma_wait3A_36] : memref<26x80xi32, #tpu.memory_space<vmem>> -> memref<1x80xi32, #tpu.memory_space<vmem>>
      %dma_wait3A_38 = tpu.memref_squeeze %dma_wait3A_37 : memref<1x80xi32, #tpu.memory_space<vmem>> -> memref<80xi32, #tpu.memory_space<vmem>>
      %dma_wait3A_39 = arith.constant 0 : i32
      %dma_wait3A_40 = arith.constant 0 : i32
      %dma_wait3A_41 = tpu.memref_slice %arg2[%dma_wait3A_39, %dma_wait3A_40] : memref<10000x128xf32, #tpu.memory_space<hbm>> -> memref<10000x128xf32, #tpu.memory_space<hbm>>
      tpu.wait_indirect_dma semaphore(%arg12 : memref<!tpu.dma_semaphore, #tpu.memory_space<semaphore_mem>>) src(%dma_wait3A_41 : memref<10000x128xf32, #tpu.memory_space<hbm>>) dst(%arg9 : memref<80x128xf32, #tpu.memory_space<vmem>>)
      %dma_start3A_42 = arith.constant 24 : i32
      %dma_start3A_43 = arith.constant 0 : i32
      %dma_start3A_44 = tpu.memref_slice %arg8[%dma_start3A_42, %dma_start3A_43] : memref<26x80xi32, #tpu.memory_space<vmem>> -> memref<1x80xi32, #tpu.memory_space<vmem>>
      %dma_start3A_45 = tpu.memref_squeeze %dma_start3A_44 : memref<1x80xi32, #tpu.memory_space<vmem>> -> memref<80xi32, #tpu.memory_space<vmem>>
      %dma_start3A_46 = arith.constant 0 : i32
      %dma_start3A_47 = arith.constant 0 : i32
      %dma_start3A_48 = tpu.memref_slice %arg11[%dma_start3A_46, %dma_start3A_47] : memref<10240x128xf32, #tpu.memory_space<vmem_shared>> -> memref<10240x128xf32, #tpu.memory_space<vmem_shared>>
      tpu.enqueue_indirect_dma source(%arg9 : memref<80x128xf32, #tpu.memory_space<vmem>>) target(%dma_start3A_48 : memref<10240x128xf32, #tpu.memory_space<vmem_shared>>) offsets(%dma_start3A_45 : memref<80xi32, #tpu.memory_space<vmem>>) semaphore(%arg14 : memref<!tpu.dma_semaphore, #tpu.memory_space<semaphore_mem>>) {add = true}
      %dma_wait3A_49 = arith.constant 25 : i32
      %dma_wait3A_50 = arith.constant 0 : i32
      %dma_wait3A_51 = tpu.memref_slice %arg7[%dma_wait3A_49, %dma_wait3A_50] : memref<26x80xi32, #tpu.memory_space<vmem>> -> memref<1x80xi32, #tpu.memory_space<vmem>>
      %dma_wait3A_52 = tpu.memref_squeeze %dma_wait3A_51 : memref<1x80xi32, #tpu.memory_space<vmem>> -> memref<80xi32, #tpu.memory_space<vmem>>
      %dma_wait3A_53 = arith.constant 0 : i32
      %dma_wait3A_54 = arith.constant 0 : i32
      %dma_wait3A_55 = tpu.memref_slice %arg2[%dma_wait3A_53, %dma_wait3A_54] : memref<10000x128xf32, #tpu.memory_space<hbm>> -> memref<10000x128xf32, #tpu.memory_space<hbm>>
      tpu.wait_indirect_dma semaphore(%arg13 : memref<!tpu.dma_semaphore, #tpu.memory_space<semaphore_mem>>) src(%dma_wait3A_55 : memref<10000x128xf32, #tpu.memory_space<hbm>>) dst(%arg10 : memref<80x128xf32, #tpu.memory_space<vmem>>)
      %dma_start3A_56 = arith.constant 25 : i32
      %dma_start3A_57 = arith.constant 0 : i32
      %dma_start3A_58 = tpu.memref_slice %arg8[%dma_start3A_56, %dma_start3A_57] : memref<26x80xi32, #tpu.memory_space<vmem>> -> memref<1x80xi32, #tpu.memory_space<vmem>>
      %dma_start3A_59 = tpu.memref_squeeze %dma_start3A_58 : memref<1x80xi32, #tpu.memory_space<vmem>> -> memref<80xi32, #tpu.memory_space<vmem>>
      %dma_start3A_60 = arith.constant 0 : i32
      %dma_start3A_61 = arith.constant 0 : i32
      %dma_start3A_62 = tpu.memref_slice %arg11[%dma_start3A_60, %dma_start3A_61] : memref<10240x128xf32, #tpu.memory_space<vmem_shared>> -> memref<10240x128xf32, #tpu.memory_space<vmem_shared>>
      tpu.enqueue_indirect_dma source(%arg10 : memref<80x128xf32, #tpu.memory_space<vmem>>) target(%dma_start3A_62 : memref<10240x128xf32, #tpu.memory_space<vmem_shared>>) offsets(%dma_start3A_59 : memref<80xi32, #tpu.memory_space<vmem>>) semaphore(%arg15 : memref<!tpu.dma_semaphore, #tpu.memory_space<semaphore_mem>>) {add = true}
      %dma_wait3A_63 = arith.constant 24 : i32
      %dma_wait3A_64 = arith.constant 0 : i32
      %dma_wait3A_65 = tpu.memref_slice %arg8[%dma_wait3A_63, %dma_wait3A_64] : memref<26x80xi32, #tpu.memory_space<vmem>> -> memref<1x80xi32, #tpu.memory_space<vmem>>
      %dma_wait3A_66 = tpu.memref_squeeze %dma_wait3A_65 : memref<1x80xi32, #tpu.memory_space<vmem>> -> memref<80xi32, #tpu.memory_space<vmem>>
      %dma_wait3A_67 = arith.constant 0 : i32
      %dma_wait3A_68 = arith.constant 0 : i32
      %dma_wait3A_69 = tpu.memref_slice %arg11[%dma_wait3A_67, %dma_wait3A_68] : memref<10240x128xf32, #tpu.memory_space<vmem_shared>> -> memref<10240x128xf32, #tpu.memory_space<vmem_shared>>
      tpu.wait_indirect_dma semaphore(%arg14 : memref<!tpu.dma_semaphore, #tpu.memory_space<semaphore_mem>>) src(%arg9 : memref<80x128xf32, #tpu.memory_space<vmem>>) dst(%dma_wait3A_69 : memref<10240x128xf32, #tpu.memory_space<vmem_shared>>)
      %dma_wait3A_70 = arith.constant 25 : i32
      %dma_wait3A_71 = arith.constant 0 : i32
      %dma_wait3A_72 = tpu.memref_slice %arg8[%dma_wait3A_70, %dma_wait3A_71] : memref<26x80xi32, #tpu.memory_space<vmem>> -> memref<1x80xi32, #tpu.memory_space<vmem>>
      %dma_wait3A_73 = tpu.memref_squeeze %dma_wait3A_72 : memref<1x80xi32, #tpu.memory_space<vmem>> -> memref<80xi32, #tpu.memory_space<vmem>>
      %dma_wait3A_74 = arith.constant 0 : i32
      %dma_wait3A_75 = arith.constant 0 : i32
      %dma_wait3A_76 = tpu.memref_slice %arg11[%dma_wait3A_74, %dma_wait3A_75] : memref<10240x128xf32, #tpu.memory_space<vmem_shared>> -> memref<10240x128xf32, #tpu.memory_space<vmem_shared>>
      tpu.wait_indirect_dma semaphore(%arg15 : memref<!tpu.dma_semaphore, #tpu.memory_space<semaphore_mem>>) src(%arg10 : memref<80x128xf32, #tpu.memory_space<vmem>>) dst(%dma_wait3A_76 : memref<10240x128xf32, #tpu.memory_space<vmem_shared>>)
      %scan3A_77 = arith.constant 0 : i32
      scf.yield %scan3A_77 : i32
    }
    %scan3A_8 = arith.constant 5 : i32
    %barrier3A_9 = arith.constant 0 : index
    tpu.barrier barrier_id(%barrier3A_9)
    %mul3A_10 = arith.constant 640 : i32
    %mul3A_11 = arith.muli %arg1, %mul3A_10 : i32
    %mul3A_12 = arith.constant 640 : i32
    %mul3A_13 = arith.muli %arg1, %mul3A_12 : i32
    "tpu.region"() ({
      %run_scoped3A = tpu.sem_alloc : memref<!tpu.dma_semaphore, #tpu.memory_space<semaphore_mem>>
      %dma_start3A = arith.constant 0 : i32
      %dma_start3A_14 = tpu.memref_slice %arg6[%arg0, %mul3A_13, %dma_start3A] : memref<2x10240x128xf32, #tpu.memory_space<hbm>> -> memref<1x640x128xf32, #tpu.memory_space<hbm>>
      %dma_start3A_15 = tpu.memref_squeeze %dma_start3A_14 : memref<1x640x128xf32, #tpu.memory_space<hbm>> -> memref<640x128xf32, #tpu.memory_space<hbm>>
      %dma_start3A_16 = arith.constant 0 : i32
      %dma_start3A_17 = tpu.memref_slice %arg11[%mul3A_11, %dma_start3A_16] : memref<10240x128xf32, #tpu.memory_space<vmem_shared>> -> memref<640x128xf32, #tpu.memory_space<vmem_shared>>
      tpu.enqueue_dma source(%dma_start3A_17 : memref<640x128xf32, #tpu.memory_space<vmem_shared>>) target(%dma_start3A_15 : memref<640x128xf32, #tpu.memory_space<hbm>>) target_semaphore(%run_scoped3A : memref<!tpu.dma_semaphore, #tpu.memory_space<semaphore_mem>>)
      %dma_wait3A = arith.constant 0 : i32
      %dma_wait3A_18 = tpu.memref_slice %arg6[%arg0, %mul3A_13, %dma_wait3A] : memref<2x10240x128xf32, #tpu.memory_space<hbm>> -> memref<1x640x128xf32, #tpu.memory_space<hbm>>
      %dma_wait3A_19 = tpu.memref_squeeze %dma_wait3A_18 : memref<1x640x128xf32, #tpu.memory_space<hbm>> -> memref<640x128xf32, #tpu.memory_space<hbm>>
      %dma_wait3A_20 = arith.constant 0 : i32
      %dma_wait3A_21 = tpu.memref_slice %arg11[%mul3A_11, %dma_wait3A_20] : memref<10240x128xf32, #tpu.memory_space<vmem_shared>> -> memref<640x128xf32, #tpu.memory_space<vmem_shared>>
      tpu.wait_dma2 semaphore(%run_scoped3A : memref<!tpu.dma_semaphore, #tpu.memory_space<semaphore_mem>>) src(%dma_wait3A_21 : memref<640x128xf32, #tpu.memory_space<vmem_shared>>) dst(%dma_wait3A_19 : memref<640x128xf32, #tpu.memory_space<hbm>>)
      tpu.yield
    }) : () -> ()
    return
  }
}

#map = affine_map<(d0, d1) -> (0, 0)>
#map1 = affine_map<(d0, d1) -> (0, 0, 0, 0)>
#map2 = affine_map<(d0, d1) -> (0, 0, 0)>
module attributes {stable_mosaic.version = 14 : i64} {
  func.func @_sc_edge(%arg0: i32, %arg1: i32, %arg2: memref<10000x128xf32, #tpu.memory_space<hbm>>, %arg3: memref<32x5x26x80xi32, #tpu.memory_space<hbm>>, %arg4: memref<32x5x26x80xi32, #tpu.memory_space<hbm>>, %arg5: memref<640x128xf32, #tpu.memory_space<hbm>>, %arg6: memref<2x10240x128xf32, #tpu.memory_space<hbm>>, %arg7: memref<26x80xi32, #tpu.memory_space<vmem>>, %arg8: memref<26x80xi32, #tpu.memory_space<vmem>>, %arg9: memref<80x128xf32, #tpu.memory_space<vmem>>, %arg10: memref<80x128xf32, #tpu.memory_space<vmem>>, %arg11: memref<10240x128xf32, #tpu.memory_space<vmem_shared>>, %arg12: memref<!tpu.dma_semaphore, #tpu.memory_space<semaphore_mem>>, %arg13: memref<!tpu.dma_semaphore, #tpu.memory_space<semaphore_mem>>, %arg14: memref<!tpu.dma_semaphore, #tpu.memory_space<semaphore_mem>>, %arg15: memref<!tpu.dma_semaphore, #tpu.memory_space<semaphore_mem>>) attributes {dimension_semantics = [#tpu.dimension_semantics<core_parallel>, #tpu.dimension_semantics<subcore_parallel>], iteration_bounds = array<i64: 2, 16>, scalar_prefetch = 0 : i64, scratch_operands = 9 : i64, tpu.core_type = #tpu.core_type<sc_vector_subcore>, window_params = [{transform_indices = #map}, {transform_indices = #map1}, {transform_indices = #map1}, {transform_indices = #map}, {transform_indices = #map2}]} {
    %mul3A = arith.constant 16 : i32
    %mul3A_0 = arith.muli %arg0, %mul3A : i32
    %add3A = arith.addi %mul3A_0, %arg1 : i32
    %mul3A_1 = arith.constant 640 : i32
    %mul3A_2 = arith.muli %arg1, %mul3A_1 : i32
    "tpu.region"() ({
      %run_scoped3A = tpu.sem_alloc : memref<!tpu.dma_semaphore, #tpu.memory_space<semaphore_mem>>
      %dma_start3A = arith.constant 0 : i32
      %dma_start3A_14 = tpu.memref_slice %arg11[%mul3A_2, %dma_start3A] : memref<10240x128xf32, #tpu.memory_space<vmem_shared>> -> memref<640x128xf32, #tpu.memory_space<vmem_shared>>
      tpu.enqueue_dma source(%arg5 : memref<640x128xf32, #tpu.memory_space<hbm>>) target(%dma_start3A_14 : memref<640x128xf32, #tpu.memory_space<vmem_shared>>) target_semaphore(%run_scoped3A : memref<!tpu.dma_semaphore, #tpu.memory_space<semaphore_mem>>)
      %dma_wait3A = arith.constant 0 : i32
      %dma_wait3A_15 = tpu.memref_slice %arg11[%mul3A_2, %dma_wait3A] : memref<10240x128xf32, #tpu.memory_space<vmem_shared>> -> memref<640x128xf32, #tpu.memory_space<vmem_shared>>
      tpu.wait_dma2 semaphore(%run_scoped3A : memref<!tpu.dma_semaphore, #tpu.memory_space<semaphore_mem>>) src(%arg5 : memref<640x128xf32, #tpu.memory_space<hbm>>) dst(%dma_wait3A_15 : memref<640x128xf32, #tpu.memory_space<vmem_shared>>)
      tpu.yield
    }) : () -> ()
    %barrier3A = arith.constant 0 : index
    tpu.barrier barrier_id(%barrier3A)
    %scan3A = arith.constant 0 : i32
    %scan3A_3 = arith.constant 0 : i32
    %scan3A_4 = arith.constant 5 : i32
    %scan3A_5 = arith.addi %scan3A_3, %scan3A_4 : i32
    %scan3A_6 = arith.constant 1 : i32
    %scan3A_7 = scf.for %scan3A_14 = %scan3A_3 to %scan3A_5 step %scan3A_6 iter_args(%scan3A_15 = %scan3A) -> (i32)  : i32 {
      "tpu.region"() ({
        %run_scoped3A = tpu.sem_alloc : memref<!tpu.dma_semaphore, #tpu.memory_space<semaphore_mem>>
        %dma_start3A_78 = arith.constant 0 : i32
        %dma_start3A_79 = arith.constant 0 : i32
        %dma_start3A_80 = tpu.memref_slice %arg3[%add3A, %scan3A_14, %dma_start3A_78, %dma_start3A_79] : memref<32x5x26x80xi32, #tpu.memory_space<hbm>> -> memref<1x1x26x80xi32, #tpu.memory_space<hbm>>
        %dma_start3A_81 = tpu.memref_squeeze %dma_start3A_80 : memref<1x1x26x80xi32, #tpu.memory_space<hbm>> -> memref<26x80xi32, #tpu.memory_space<hbm>>
        %dma_start3A_82 = arith.constant 0 : i32
        %dma_start3A_83 = arith.constant 0 : i32
        %dma_start3A_84 = tpu.memref_slice %arg3[%add3A, %scan3A_14, %dma_start3A_82, %dma_start3A_83] : memref<32x5x26x80xi32, #tpu.memory_space<hbm>> -> memref<1x1x26x80xi32, #tpu.memory_space<hbm>>
        %dma_start3A_85 = tpu.memref_squeeze %dma_start3A_84 : memref<1x1x26x80xi32, #tpu.memory_space<hbm>> -> memref<26x80xi32, #tpu.memory_space<hbm>>
        tpu.enqueue_dma source(%dma_start3A_85 : memref<26x80xi32, #tpu.memory_space<hbm>>) target(%arg7 : memref<26x80xi32, #tpu.memory_space<vmem>>) target_semaphore(%run_scoped3A : memref<!tpu.dma_semaphore, #tpu.memory_space<semaphore_mem>>)
        %dma_wait3A_86 = arith.constant 0 : i32
        %dma_wait3A_87 = arith.constant 0 : i32
        %dma_wait3A_88 = tpu.memref_slice %arg3[%add3A, %scan3A_14, %dma_wait3A_86, %dma_wait3A_87] : memref<32x5x26x80xi32, #tpu.memory_space<hbm>> -> memref<1x1x26x80xi32, #tpu.memory_space<hbm>>
        %dma_wait3A_89 = tpu.memref_squeeze %dma_wait3A_88 : memref<1x1x26x80xi32, #tpu.memory_space<hbm>> -> memref<26x80xi32, #tpu.memory_space<hbm>>
        %dma_wait3A_90 = arith.constant 0 : i32
        %dma_wait3A_91 = arith.constant 0 : i32
        %dma_wait3A_92 = tpu.memref_slice %arg3[%add3A, %scan3A_14, %dma_wait3A_90, %dma_wait3A_91] : memref<32x5x26x80xi32, #tpu.memory_space<hbm>> -> memref<1x1x26x80xi32, #tpu.memory_space<hbm>>
        %dma_wait3A_93 = tpu.memref_squeeze %dma_wait3A_92 : memref<1x1x26x80xi32, #tpu.memory_space<hbm>> -> memref<26x80xi32, #tpu.memory_space<hbm>>
        tpu.wait_dma2 semaphore(%run_scoped3A : memref<!tpu.dma_semaphore, #tpu.memory_space<semaphore_mem>>) src(%dma_wait3A_93 : memref<26x80xi32, #tpu.memory_space<hbm>>) dst(%arg7 : memref<26x80xi32, #tpu.memory_space<vmem>>)
        tpu.yield
      }) : () -> ()
      "tpu.region"() ({
        %run_scoped3A = tpu.sem_alloc : memref<!tpu.dma_semaphore, #tpu.memory_space<semaphore_mem>>
        %dma_start3A_78 = arith.constant 0 : i32
        %dma_start3A_79 = arith.constant 0 : i32
        %dma_start3A_80 = tpu.memref_slice %arg4[%add3A, %scan3A_14, %dma_start3A_78, %dma_start3A_79] : memref<32x5x26x80xi32, #tpu.memory_space<hbm>> -> memref<1x1x26x80xi32, #tpu.memory_space<hbm>>
        %dma_start3A_81 = tpu.memref_squeeze %dma_start3A_80 : memref<1x1x26x80xi32, #tpu.memory_space<hbm>> -> memref<26x80xi32, #tpu.memory_space<hbm>>
        %dma_start3A_82 = arith.constant 0 : i32
        %dma_start3A_83 = arith.constant 0 : i32
        %dma_start3A_84 = tpu.memref_slice %arg4[%add3A, %scan3A_14, %dma_start3A_82, %dma_start3A_83] : memref<32x5x26x80xi32, #tpu.memory_space<hbm>> -> memref<1x1x26x80xi32, #tpu.memory_space<hbm>>
        %dma_start3A_85 = tpu.memref_squeeze %dma_start3A_84 : memref<1x1x26x80xi32, #tpu.memory_space<hbm>> -> memref<26x80xi32, #tpu.memory_space<hbm>>
        tpu.enqueue_dma source(%dma_start3A_85 : memref<26x80xi32, #tpu.memory_space<hbm>>) target(%arg8 : memref<26x80xi32, #tpu.memory_space<vmem>>) target_semaphore(%run_scoped3A : memref<!tpu.dma_semaphore, #tpu.memory_space<semaphore_mem>>)
        %dma_wait3A_86 = arith.constant 0 : i32
        %dma_wait3A_87 = arith.constant 0 : i32
        %dma_wait3A_88 = tpu.memref_slice %arg4[%add3A, %scan3A_14, %dma_wait3A_86, %dma_wait3A_87] : memref<32x5x26x80xi32, #tpu.memory_space<hbm>> -> memref<1x1x26x80xi32, #tpu.memory_space<hbm>>
        %dma_wait3A_89 = tpu.memref_squeeze %dma_wait3A_88 : memref<1x1x26x80xi32, #tpu.memory_space<hbm>> -> memref<26x80xi32, #tpu.memory_space<hbm>>
        %dma_wait3A_90 = arith.constant 0 : i32
        %dma_wait3A_91 = arith.constant 0 : i32
        %dma_wait3A_92 = tpu.memref_slice %arg4[%add3A, %scan3A_14, %dma_wait3A_90, %dma_wait3A_91] : memref<32x5x26x80xi32, #tpu.memory_space<hbm>> -> memref<1x1x26x80xi32, #tpu.memory_space<hbm>>
        %dma_wait3A_93 = tpu.memref_squeeze %dma_wait3A_92 : memref<1x1x26x80xi32, #tpu.memory_space<hbm>> -> memref<26x80xi32, #tpu.memory_space<hbm>>
        tpu.wait_dma2 semaphore(%run_scoped3A : memref<!tpu.dma_semaphore, #tpu.memory_space<semaphore_mem>>) src(%dma_wait3A_93 : memref<26x80xi32, #tpu.memory_space<hbm>>) dst(%arg8 : memref<26x80xi32, #tpu.memory_space<vmem>>)
        tpu.yield
      }) : () -> ()
      %dma_start3A = arith.constant 0 : i32
      %dma_start3A_16 = arith.constant 0 : i32
      %dma_start3A_17 = tpu.memref_slice %arg7[%dma_start3A, %dma_start3A_16] : memref<26x80xi32, #tpu.memory_space<vmem>> -> memref<1x80xi32, #tpu.memory_space<vmem>>
      %dma_start3A_18 = tpu.memref_squeeze %dma_start3A_17 : memref<1x80xi32, #tpu.memory_space<vmem>> -> memref<80xi32, #tpu.memory_space<vmem>>
      %dma_start3A_19 = arith.constant 0 : i32
      %dma_start3A_20 = arith.constant 0 : i32
      %dma_start3A_21 = tpu.memref_slice %arg2[%dma_start3A_19, %dma_start3A_20] : memref<10000x128xf32, #tpu.memory_space<hbm>> -> memref<10000x128xf32, #tpu.memory_space<hbm>>
      tpu.enqueue_indirect_dma source(%dma_start3A_21 : memref<10000x128xf32, #tpu.memory_space<hbm>>) target(%arg9 : memref<80x128xf32, #tpu.memory_space<vmem>>) offsets(%dma_start3A_18 : memref<80xi32, #tpu.memory_space<vmem>>) semaphore(%arg12 : memref<!tpu.dma_semaphore, #tpu.memory_space<semaphore_mem>>)
      %dma_start3A_22 = arith.constant 1 : i32
      %dma_start3A_23 = arith.constant 0 : i32
      %dma_start3A_24 = tpu.memref_slice %arg7[%dma_start3A_22, %dma_start3A_23] : memref<26x80xi32, #tpu.memory_space<vmem>> -> memref<1x80xi32, #tpu.memory_space<vmem>>
      %dma_start3A_25 = tpu.memref_squeeze %dma_start3A_24 : memref<1x80xi32, #tpu.memory_space<vmem>> -> memref<80xi32, #tpu.memory_space<vmem>>
      %dma_start3A_26 = arith.constant 0 : i32
      %dma_start3A_27 = arith.constant 0 : i32
      %dma_start3A_28 = tpu.memref_slice %arg2[%dma_start3A_26, %dma_start3A_27] : memref<10000x128xf32, #tpu.memory_space<hbm>> -> memref<10000x128xf32, #tpu.memory_space<hbm>>
      tpu.enqueue_indirect_dma source(%dma_start3A_28 : memref<10000x128xf32, #tpu.memory_space<hbm>>) target(%arg10 : memref<80x128xf32, #tpu.memory_space<vmem>>) offsets(%dma_start3A_25 : memref<80xi32, #tpu.memory_space<vmem>>) semaphore(%arg13 : memref<!tpu.dma_semaphore, #tpu.memory_space<semaphore_mem>>)
      %scan3A_29 = arith.constant 0 : i32
      %scan3A_30 = arith.constant 0 : i32
      %scan3A_31 = arith.constant 12 : i32
      %scan3A_32 = arith.addi %scan3A_30, %scan3A_31 : i32
      %scan3A_33 = arith.constant 1 : i32
      %scan3A_34 = scf.for %scan3A_78 = %scan3A_30 to %scan3A_32 step %scan3A_33 iter_args(%scan3A_79 = %scan3A_29) -> (i32)  : i32 {
        %mul3A_80 = arith.constant 2 : i32
        %mul3A_81 = arith.muli %mul3A_80, %scan3A_78 : i32
        %dma_wait3A_82 = arith.constant 0 : i32
        %dma_wait3A_83 = tpu.memref_slice %arg7[%mul3A_81, %dma_wait3A_82] : memref<26x80xi32, #tpu.memory_space<vmem>> -> memref<1x80xi32, #tpu.memory_space<vmem>>
        %dma_wait3A_84 = tpu.memref_squeeze %dma_wait3A_83 : memref<1x80xi32, #tpu.memory_space<vmem>> -> memref<80xi32, #tpu.memory_space<vmem>>
        %dma_wait3A_85 = arith.constant 0 : i32
        %dma_wait3A_86 = arith.constant 0 : i32
        %dma_wait3A_87 = tpu.memref_slice %arg2[%dma_wait3A_85, %dma_wait3A_86] : memref<10000x128xf32, #tpu.memory_space<hbm>> -> memref<10000x128xf32, #tpu.memory_space<hbm>>
        tpu.wait_indirect_dma semaphore(%arg12 : memref<!tpu.dma_semaphore, #tpu.memory_space<semaphore_mem>>) src(%dma_wait3A_87 : memref<10000x128xf32, #tpu.memory_space<hbm>>) dst(%arg9 : memref<80x128xf32, #tpu.memory_space<vmem>>)
        %dma_start3A_88 = arith.constant 0 : i32
        %dma_start3A_89 = tpu.memref_slice %arg8[%mul3A_81, %dma_start3A_88] : memref<26x80xi32, #tpu.memory_space<vmem>> -> memref<1x80xi32, #tpu.memory_space<vmem>>
        %dma_start3A_90 = tpu.memref_squeeze %dma_start3A_89 : memref<1x80xi32, #tpu.memory_space<vmem>> -> memref<80xi32, #tpu.memory_space<vmem>>
        %dma_start3A_91 = arith.constant 0 : i32
        %dma_start3A_92 = arith.constant 0 : i32
        %dma_start3A_93 = tpu.memref_slice %arg11[%dma_start3A_91, %dma_start3A_92] : memref<10240x128xf32, #tpu.memory_space<vmem_shared>> -> memref<10240x128xf32, #tpu.memory_space<vmem_shared>>
        tpu.enqueue_indirect_dma source(%arg9 : memref<80x128xf32, #tpu.memory_space<vmem>>) target(%dma_start3A_93 : memref<10240x128xf32, #tpu.memory_space<vmem_shared>>) offsets(%dma_start3A_90 : memref<80xi32, #tpu.memory_space<vmem>>) semaphore(%arg14 : memref<!tpu.dma_semaphore, #tpu.memory_space<semaphore_mem>>) {add = true}
        %add3A_94 = arith.constant 1 : i32
        %add3A_95 = arith.addi %mul3A_81, %add3A_94 : i32
        %dma_wait3A_96 = arith.constant 0 : i32
        %dma_wait3A_97 = tpu.memref_slice %arg7[%add3A_95, %dma_wait3A_96] : memref<26x80xi32, #tpu.memory_space<vmem>> -> memref<1x80xi32, #tpu.memory_space<vmem>>
        %dma_wait3A_98 = tpu.memref_squeeze %dma_wait3A_97 : memref<1x80xi32, #tpu.memory_space<vmem>> -> memref<80xi32, #tpu.memory_space<vmem>>
        %dma_wait3A_99 = arith.constant 0 : i32
        %dma_wait3A_100 = arith.constant 0 : i32
        %dma_wait3A_101 = tpu.memref_slice %arg2[%dma_wait3A_99, %dma_wait3A_100] : memref<10000x128xf32, #tpu.memory_space<hbm>> -> memref<10000x128xf32, #tpu.memory_space<hbm>>
        tpu.wait_indirect_dma semaphore(%arg13 : memref<!tpu.dma_semaphore, #tpu.memory_space<semaphore_mem>>) src(%dma_wait3A_101 : memref<10000x128xf32, #tpu.memory_space<hbm>>) dst(%arg10 : memref<80x128xf32, #tpu.memory_space<vmem>>)
        %add3A_102 = arith.constant 1 : i32
        %add3A_103 = arith.addi %mul3A_81, %add3A_102 : i32
        %dma_start3A_104 = arith.constant 0 : i32
        %dma_start3A_105 = tpu.memref_slice %arg8[%add3A_103, %dma_start3A_104] : memref<26x80xi32, #tpu.memory_space<vmem>> -> memref<1x80xi32, #tpu.memory_space<vmem>>
        %dma_start3A_106 = tpu.memref_squeeze %dma_start3A_105 : memref<1x80xi32, #tpu.memory_space<vmem>> -> memref<80xi32, #tpu.memory_space<vmem>>
        %dma_start3A_107 = arith.constant 0 : i32
        %dma_start3A_108 = arith.constant 0 : i32
        %dma_start3A_109 = tpu.memref_slice %arg11[%dma_start3A_107, %dma_start3A_108] : memref<10240x128xf32, #tpu.memory_space<vmem_shared>> -> memref<10240x128xf32, #tpu.memory_space<vmem_shared>>
        tpu.enqueue_indirect_dma source(%arg10 : memref<80x128xf32, #tpu.memory_space<vmem>>) target(%dma_start3A_109 : memref<10240x128xf32, #tpu.memory_space<vmem_shared>>) offsets(%dma_start3A_106 : memref<80xi32, #tpu.memory_space<vmem>>) semaphore(%arg15 : memref<!tpu.dma_semaphore, #tpu.memory_space<semaphore_mem>>) {add = true}
        %dma_wait3A_110 = arith.constant 0 : i32
        %dma_wait3A_111 = tpu.memref_slice %arg8[%mul3A_81, %dma_wait3A_110] : memref<26x80xi32, #tpu.memory_space<vmem>> -> memref<1x80xi32, #tpu.memory_space<vmem>>
        %dma_wait3A_112 = tpu.memref_squeeze %dma_wait3A_111 : memref<1x80xi32, #tpu.memory_space<vmem>> -> memref<80xi32, #tpu.memory_space<vmem>>
        %dma_wait3A_113 = arith.constant 0 : i32
        %dma_wait3A_114 = arith.constant 0 : i32
        %dma_wait3A_115 = tpu.memref_slice %arg11[%dma_wait3A_113, %dma_wait3A_114] : memref<10240x128xf32, #tpu.memory_space<vmem_shared>> -> memref<10240x128xf32, #tpu.memory_space<vmem_shared>>
        tpu.wait_indirect_dma semaphore(%arg14 : memref<!tpu.dma_semaphore, #tpu.memory_space<semaphore_mem>>) src(%arg9 : memref<80x128xf32, #tpu.memory_space<vmem>>) dst(%dma_wait3A_115 : memref<10240x128xf32, #tpu.memory_space<vmem_shared>>)
        %add3A_116 = arith.constant 2 : i32
        %add3A_117 = arith.addi %mul3A_81, %add3A_116 : i32
        %dma_start3A_118 = arith.constant 0 : i32
        %dma_start3A_119 = tpu.memref_slice %arg7[%add3A_117, %dma_start3A_118] : memref<26x80xi32, #tpu.memory_space<vmem>> -> memref<1x80xi32, #tpu.memory_space<vmem>>
        %dma_start3A_120 = tpu.memref_squeeze %dma_start3A_119 : memref<1x80xi32, #tpu.memory_space<vmem>> -> memref<80xi32, #tpu.memory_space<vmem>>
        %dma_start3A_121 = arith.constant 0 : i32
        %dma_start3A_122 = arith.constant 0 : i32
        %dma_start3A_123 = tpu.memref_slice %arg2[%dma_start3A_121, %dma_start3A_122] : memref<10000x128xf32, #tpu.memory_space<hbm>> -> memref<10000x128xf32, #tpu.memory_space<hbm>>
        tpu.enqueue_indirect_dma source(%dma_start3A_123 : memref<10000x128xf32, #tpu.memory_space<hbm>>) target(%arg9 : memref<80x128xf32, #tpu.memory_space<vmem>>) offsets(%dma_start3A_120 : memref<80xi32, #tpu.memory_space<vmem>>) semaphore(%arg12 : memref<!tpu.dma_semaphore, #tpu.memory_space<semaphore_mem>>)
        %add3A_124 = arith.constant 1 : i32
        %add3A_125 = arith.addi %mul3A_81, %add3A_124 : i32
        %dma_wait3A_126 = arith.constant 0 : i32
        %dma_wait3A_127 = tpu.memref_slice %arg8[%add3A_125, %dma_wait3A_126] : memref<26x80xi32, #tpu.memory_space<vmem>> -> memref<1x80xi32, #tpu.memory_space<vmem>>
        %dma_wait3A_128 = tpu.memref_squeeze %dma_wait3A_127 : memref<1x80xi32, #tpu.memory_space<vmem>> -> memref<80xi32, #tpu.memory_space<vmem>>
        %dma_wait3A_129 = arith.constant 0 : i32
        %dma_wait3A_130 = arith.constant 0 : i32
        %dma_wait3A_131 = tpu.memref_slice %arg11[%dma_wait3A_129, %dma_wait3A_130] : memref<10240x128xf32, #tpu.memory_space<vmem_shared>> -> memref<10240x128xf32, #tpu.memory_space<vmem_shared>>
        tpu.wait_indirect_dma semaphore(%arg15 : memref<!tpu.dma_semaphore, #tpu.memory_space<semaphore_mem>>) src(%arg10 : memref<80x128xf32, #tpu.memory_space<vmem>>) dst(%dma_wait3A_131 : memref<10240x128xf32, #tpu.memory_space<vmem_shared>>)
        %add3A_132 = arith.constant 3 : i32
        %add3A_133 = arith.addi %mul3A_81, %add3A_132 : i32
        %dma_start3A_134 = arith.constant 0 : i32
        %dma_start3A_135 = tpu.memref_slice %arg7[%add3A_133, %dma_start3A_134] : memref<26x80xi32, #tpu.memory_space<vmem>> -> memref<1x80xi32, #tpu.memory_space<vmem>>
        %dma_start3A_136 = tpu.memref_squeeze %dma_start3A_135 : memref<1x80xi32, #tpu.memory_space<vmem>> -> memref<80xi32, #tpu.memory_space<vmem>>
        %dma_start3A_137 = arith.constant 0 : i32
        %dma_start3A_138 = arith.constant 0 : i32
        %dma_start3A_139 = tpu.memref_slice %arg2[%dma_start3A_137, %dma_start3A_138] : memref<10000x128xf32, #tpu.memory_space<hbm>> -> memref<10000x128xf32, #tpu.memory_space<hbm>>
        tpu.enqueue_indirect_dma source(%dma_start3A_139 : memref<10000x128xf32, #tpu.memory_space<hbm>>) target(%arg10 : memref<80x128xf32, #tpu.memory_space<vmem>>) offsets(%dma_start3A_136 : memref<80xi32, #tpu.memory_space<vmem>>) semaphore(%arg13 : memref<!tpu.dma_semaphore, #tpu.memory_space<semaphore_mem>>)
        %scan3A_140 = arith.constant 0 : i32
        scf.yield %scan3A_140 : i32
      }
      %scan3A_35 = arith.constant 12 : i32
      %dma_wait3A = arith.constant 24 : i32
      %dma_wait3A_36 = arith.constant 0 : i32
      %dma_wait3A_37 = tpu.memref_slice %arg7[%dma_wait3A, %dma_wait3A_36] : memref<26x80xi32, #tpu.memory_space<vmem>> -> memref<1x80xi32, #tpu.memory_space<vmem>>
      %dma_wait3A_38 = tpu.memref_squeeze %dma_wait3A_37 : memref<1x80xi32, #tpu.memory_space<vmem>> -> memref<80xi32, #tpu.memory_space<vmem>>
      %dma_wait3A_39 = arith.constant 0 : i32
      %dma_wait3A_40 = arith.constant 0 : i32
      %dma_wait3A_41 = tpu.memref_slice %arg2[%dma_wait3A_39, %dma_wait3A_40] : memref<10000x128xf32, #tpu.memory_space<hbm>> -> memref<10000x128xf32, #tpu.memory_space<hbm>>
      tpu.wait_indirect_dma semaphore(%arg12 : memref<!tpu.dma_semaphore, #tpu.memory_space<semaphore_mem>>) src(%dma_wait3A_41 : memref<10000x128xf32, #tpu.memory_space<hbm>>) dst(%arg9 : memref<80x128xf32, #tpu.memory_space<vmem>>)
      %dma_start3A_42 = arith.constant 24 : i32
      %dma_start3A_43 = arith.constant 0 : i32
      %dma_start3A_44 = tpu.memref_slice %arg8[%dma_start3A_42, %dma_start3A_43] : memref<26x80xi32, #tpu.memory_space<vmem>> -> memref<1x80xi32, #tpu.memory_space<vmem>>
      %dma_start3A_45 = tpu.memref_squeeze %dma_start3A_44 : memref<1x80xi32, #tpu.memory_space<vmem>> -> memref<80xi32, #tpu.memory_space<vmem>>
      %dma_start3A_46 = arith.constant 0 : i32
      %dma_start3A_47 = arith.constant 0 : i32
      %dma_start3A_48 = tpu.memref_slice %arg11[%dma_start3A_46, %dma_start3A_47] : memref<10240x128xf32, #tpu.memory_space<vmem_shared>> -> memref<10240x128xf32, #tpu.memory_space<vmem_shared>>
      tpu.enqueue_indirect_dma source(%arg9 : memref<80x128xf32, #tpu.memory_space<vmem>>) target(%dma_start3A_48 : memref<10240x128xf32, #tpu.memory_space<vmem_shared>>) offsets(%dma_start3A_45 : memref<80xi32, #tpu.memory_space<vmem>>) semaphore(%arg14 : memref<!tpu.dma_semaphore, #tpu.memory_space<semaphore_mem>>) {add = true}
      %dma_wait3A_49 = arith.constant 25 : i32
      %dma_wait3A_50 = arith.constant 0 : i32
      %dma_wait3A_51 = tpu.memref_slice %arg7[%dma_wait3A_49, %dma_wait3A_50] : memref<26x80xi32, #tpu.memory_space<vmem>> -> memref<1x80xi32, #tpu.memory_space<vmem>>
      %dma_wait3A_52 = tpu.memref_squeeze %dma_wait3A_51 : memref<1x80xi32, #tpu.memory_space<vmem>> -> memref<80xi32, #tpu.memory_space<vmem>>
      %dma_wait3A_53 = arith.constant 0 : i32
      %dma_wait3A_54 = arith.constant 0 : i32
      %dma_wait3A_55 = tpu.memref_slice %arg2[%dma_wait3A_53, %dma_wait3A_54] : memref<10000x128xf32, #tpu.memory_space<hbm>> -> memref<10000x128xf32, #tpu.memory_space<hbm>>
      tpu.wait_indirect_dma semaphore(%arg13 : memref<!tpu.dma_semaphore, #tpu.memory_space<semaphore_mem>>) src(%dma_wait3A_55 : memref<10000x128xf32, #tpu.memory_space<hbm>>) dst(%arg10 : memref<80x128xf32, #tpu.memory_space<vmem>>)
      %dma_start3A_56 = arith.constant 25 : i32
      %dma_start3A_57 = arith.constant 0 : i32
      %dma_start3A_58 = tpu.memref_slice %arg8[%dma_start3A_56, %dma_start3A_57] : memref<26x80xi32, #tpu.memory_space<vmem>> -> memref<1x80xi32, #tpu.memory_space<vmem>>
      %dma_start3A_59 = tpu.memref_squeeze %dma_start3A_58 : memref<1x80xi32, #tpu.memory_space<vmem>> -> memref<80xi32, #tpu.memory_space<vmem>>
      %dma_start3A_60 = arith.constant 0 : i32
      %dma_start3A_61 = arith.constant 0 : i32
      %dma_start3A_62 = tpu.memref_slice %arg11[%dma_start3A_60, %dma_start3A_61] : memref<10240x128xf32, #tpu.memory_space<vmem_shared>> -> memref<10240x128xf32, #tpu.memory_space<vmem_shared>>
      tpu.enqueue_indirect_dma source(%arg10 : memref<80x128xf32, #tpu.memory_space<vmem>>) target(%dma_start3A_62 : memref<10240x128xf32, #tpu.memory_space<vmem_shared>>) offsets(%dma_start3A_59 : memref<80xi32, #tpu.memory_space<vmem>>) semaphore(%arg15 : memref<!tpu.dma_semaphore, #tpu.memory_space<semaphore_mem>>) {add = true}
      %dma_wait3A_63 = arith.constant 24 : i32
      %dma_wait3A_64 = arith.constant 0 : i32
      %dma_wait3A_65 = tpu.memref_slice %arg8[%dma_wait3A_63, %dma_wait3A_64] : memref<26x80xi32, #tpu.memory_space<vmem>> -> memref<1x80xi32, #tpu.memory_space<vmem>>
      %dma_wait3A_66 = tpu.memref_squeeze %dma_wait3A_65 : memref<1x80xi32, #tpu.memory_space<vmem>> -> memref<80xi32, #tpu.memory_space<vmem>>
      %dma_wait3A_67 = arith.constant 0 : i32
      %dma_wait3A_68 = arith.constant 0 : i32
      %dma_wait3A_69 = tpu.memref_slice %arg11[%dma_wait3A_67, %dma_wait3A_68] : memref<10240x128xf32, #tpu.memory_space<vmem_shared>> -> memref<10240x128xf32, #tpu.memory_space<vmem_shared>>
      tpu.wait_indirect_dma semaphore(%arg14 : memref<!tpu.dma_semaphore, #tpu.memory_space<semaphore_mem>>) src(%arg9 : memref<80x128xf32, #tpu.memory_space<vmem>>) dst(%dma_wait3A_69 : memref<10240x128xf32, #tpu.memory_space<vmem_shared>>)
      %dma_wait3A_70 = arith.constant 25 : i32
      %dma_wait3A_71 = arith.constant 0 : i32
      %dma_wait3A_72 = tpu.memref_slice %arg8[%dma_wait3A_70, %dma_wait3A_71] : memref<26x80xi32, #tpu.memory_space<vmem>> -> memref<1x80xi32, #tpu.memory_space<vmem>>
      %dma_wait3A_73 = tpu.memref_squeeze %dma_wait3A_72 : memref<1x80xi32, #tpu.memory_space<vmem>> -> memref<80xi32, #tpu.memory_space<vmem>>
      %dma_wait3A_74 = arith.constant 0 : i32
      %dma_wait3A_75 = arith.constant 0 : i32
      %dma_wait3A_76 = tpu.memref_slice %arg11[%dma_wait3A_74, %dma_wait3A_75] : memref<10240x128xf32, #tpu.memory_space<vmem_shared>> -> memref<10240x128xf32, #tpu.memory_space<vmem_shared>>
      tpu.wait_indirect_dma semaphore(%arg15 : memref<!tpu.dma_semaphore, #tpu.memory_space<semaphore_mem>>) src(%arg10 : memref<80x128xf32, #tpu.memory_space<vmem>>) dst(%dma_wait3A_76 : memref<10240x128xf32, #tpu.memory_space<vmem_shared>>)
      %scan3A_77 = arith.constant 0 : i32
      scf.yield %scan3A_77 : i32
    }
    %scan3A_8 = arith.constant 5 : i32
    %barrier3A_9 = arith.constant 0 : index
    tpu.barrier barrier_id(%barrier3A_9)
    %mul3A_10 = arith.constant 640 : i32
    %mul3A_11 = arith.muli %arg1, %mul3A_10 : i32
    %mul3A_12 = arith.constant 640 : i32
    %mul3A_13 = arith.muli %arg1, %mul3A_12 : i32
    "tpu.region"() ({
      %run_scoped3A = tpu.sem_alloc : memref<!tpu.dma_semaphore, #tpu.memory_space<semaphore_mem>>
      %dma_start3A = arith.constant 0 : i32
      %dma_start3A_14 = tpu.memref_slice %arg6[%arg0, %mul3A_13, %dma_start3A] : memref<2x10240x128xf32, #tpu.memory_space<hbm>> -> memref<1x640x128xf32, #tpu.memory_space<hbm>>
      %dma_start3A_15 = tpu.memref_squeeze %dma_start3A_14 : memref<1x640x128xf32, #tpu.memory_space<hbm>> -> memref<640x128xf32, #tpu.memory_space<hbm>>
      %dma_start3A_16 = arith.constant 0 : i32
      %dma_start3A_17 = tpu.memref_slice %arg11[%mul3A_11, %dma_start3A_16] : memref<10240x128xf32, #tpu.memory_space<vmem_shared>> -> memref<640x128xf32, #tpu.memory_space<vmem_shared>>
      tpu.enqueue_dma source(%dma_start3A_17 : memref<640x128xf32, #tpu.memory_space<vmem_shared>>) target(%dma_start3A_15 : memref<640x128xf32, #tpu.memory_space<hbm>>) target_semaphore(%run_scoped3A : memref<!tpu.dma_semaphore, #tpu.memory_space<semaphore_mem>>)
      %dma_wait3A = arith.constant 0 : i32
      %dma_wait3A_18 = tpu.memref_slice %arg6[%arg0, %mul3A_13, %dma_wait3A] : memref<2x10240x128xf32, #tpu.memory_space<hbm>> -> memref<1x640x128xf32, #tpu.memory_space<hbm>>
      %dma_wait3A_19 = tpu.memref_squeeze %dma_wait3A_18 : memref<1x640x128xf32, #tpu.memory_space<hbm>> -> memref<640x128xf32, #tpu.memory_space<hbm>>
      %dma_wait3A_20 = arith.constant 0 : i32
      %dma_wait3A_21 = tpu.memref_slice %arg11[%mul3A_11, %dma_wait3A_20] : memref<10240x128xf32, #tpu.memory_space<vmem_shared>> -> memref<640x128xf32, #tpu.memory_space<vmem_shared>>
      tpu.wait_dma2 semaphore(%run_scoped3A : memref<!tpu.dma_semaphore, #tpu.memory_space<semaphore_mem>>) src(%dma_wait3A_21 : memref<640x128xf32, #tpu.memory_space<vmem_shared>>) dst(%dma_wait3A_19 : memref<640x128xf32, #tpu.memory_space<hbm>>)
      tpu.yield
    }) : () -> ()
    return
  }
}

module attributes {stable_mosaic.version = 14 : i64} {
  func.func @_tc_deg_body(%arg0: memref<2x80x128xf32, #tpu.memory_space<vmem>>, %arg1: memref<80x128xf32, #tpu.memory_space<vmem>>) attributes {dimension_semantics = [], scalar_prefetch = 0 : i64, scratch_operands = 0 : i64, tpu.core_type = #tpu.core_type<tc>} {
    %get3A = arith.constant 0 : index
    %get3A_0 = arith.constant 0 : index
    %get3A_1 = arith.constant 0 : index
    %get3A_2 = vector.load %arg0[%get3A, %get3A_0, %get3A_1] : memref<2x80x128xf32, #tpu.memory_space<vmem>>, vector<1x80x128xf32>
    %get3A_3 = vector.shape_cast %get3A_2 : vector<1x80x128xf32> to vector<80x128xf32>
    %get3A_4 = arith.constant 1 : index
    %get3A_5 = arith.constant 0 : index
    %get3A_6 = arith.constant 0 : index
    %get3A_7 = vector.load %arg0[%get3A_4, %get3A_5, %get3A_6] : memref<2x80x128xf32, #tpu.memory_space<vmem>>, vector<1x80x128xf32>
    %get3A_8 = vector.shape_cast %get3A_7 : vector<1x80x128xf32> to vector<80x128xf32>
    %add3A = arith.addf %get3A_3, %get3A_8 : vector<80x128xf32>
    %add3A_9 = arith.constant 1.000000e+00 : f32
    %add3A_10 = vector.broadcast %add3A_9 : f32 to vector<80x128xf32>
    %add3A_11 = arith.addf %add3A, %add3A_10 : vector<80x128xf32>
    %rsqrt3A = math.rsqrt %add3A_11 : vector<80x128xf32>
    %swap3A = arith.constant 0 : index
    %swap3A_12 = arith.constant 0 : index
    %swap3A_13 = vector.load %arg1[%swap3A, %swap3A_12] : memref<80x128xf32, #tpu.memory_space<vmem>>, vector<80x128xf32>
    tpu.vector_store %arg1[%swap3A, %swap3A_12], %rsqrt3A {strides = array<i32>} : memref<80x128xf32, #tpu.memory_space<vmem>>, vector<80x128xf32>,
    return
  }
}

module attributes {stable_mosaic.version = 14 : i64} {
  func.func @_tc_pre_body(%arg0: memref<10000x128xf32, #tpu.memory_space<vmem>>, %arg1: memref<128x128xf32, #tpu.memory_space<vmem>>, %arg2: memref<10000x1xf32, #tpu.memory_space<vmem>>, %arg3: memref<10000x128xf32, #tpu.memory_space<vmem>>) attributes {dimension_semantics = [], scalar_prefetch = 0 : i64, scratch_operands = 0 : i64, tpu.core_type = #tpu.core_type<tc>} {
    %get3A = arith.constant 0 : index
    %get3A_0 = arith.constant 0 : index
    %get3A_1 = vector.load %arg0[%get3A, %get3A_0] : memref<10000x128xf32, #tpu.memory_space<vmem>>, vector<10000x128xf32>
    %get3A_2 = arith.constant 0 : index
    %get3A_3 = arith.constant 0 : index
    %get3A_4 = vector.load %arg1[%get3A_2, %get3A_3] : memref<128x128xf32, #tpu.memory_space<vmem>>, vector<128x128xf32>
    %dot_general3A = arith.constant dense<0.000000e+00> : vector<10000x128xf32>
    %dot_general3A_5 = tpu.matmul %get3A_1, %get3A_4, %dot_general3A {dimension_numbers = #tpu.dot_dimension_numbers<[1], [0], [0], [1], [0, 0, 1, 1], [], []>, transpose_lhs_hint = false} : vector<10000x128xf32>, vector<128x128xf32>, vector<10000x128xf32> -> vector<10000x128xf32>
    %get3A_6 = arith.constant 0 : index
    %get3A_7 = arith.constant 0 : index
    %get3A_8 = vector.load %arg2[%get3A_6, %get3A_7] : memref<10000x1xf32, #tpu.memory_space<vmem>>, vector<10000x1xf32>
    %mul3A = vector.broadcast %get3A_8 : vector<10000x1xf32> to vector<10000x128xf32>
    %mul3A_9 = arith.mulf %dot_general3A_5, %mul3A : vector<10000x128xf32>
    %swap3A = arith.constant 0 : index
    %swap3A_10 = arith.constant 0 : index
    %swap3A_11 = vector.load %arg3[%swap3A, %swap3A_10] : memref<10000x128xf32, #tpu.memory_space<vmem>>, vector<10000x128xf32>
    tpu.vector_store %arg3[%swap3A, %swap3A_10], %mul3A_9 {strides = array<i32>} : memref<10000x128xf32, #tpu.memory_space<vmem>>, vector<10000x128xf32>,
    return
  }
}

module attributes {stable_mosaic.version = 14 : i64} {
  func.func @_tc_post_body(%arg0: memref<2x10240x128xf32, #tpu.memory_space<vmem>>, %arg1: memref<10000x128xf32, #tpu.memory_space<vmem>>, %arg2: memref<10000x128xf32, #tpu.memory_space<vmem>>, %arg3: memref<10000x1xf32, #tpu.memory_space<vmem>>, %arg4: memref<1x128xf32, #tpu.memory_space<vmem>>, %arg5: memref<1x128xf32, #tpu.memory_space<vmem>>, %arg6: memref<1x128xf32, #tpu.memory_space<vmem>>, %arg7: memref<128x128xf32, #tpu.memory_space<vmem>>, %arg8: memref<10000x128xf32, #tpu.memory_space<vmem>>, %arg9: memref<10000x128xf32, #tpu.memory_space<vmem>>) attributes {dimension_semantics = [], scalar_prefetch = 0 : i64, scratch_operands = 0 : i64, tpu.core_type = #tpu.core_type<tc>} {
    %get3A = arith.constant 0 : index
    %get3A_0 = arith.constant 0 : index
    %get3A_1 = vector.load %arg3[%get3A, %get3A_0] : memref<10000x1xf32, #tpu.memory_space<vmem>>, vector<10000x1xf32>
    %get3A_2 = arith.constant 0 : index
    %get3A_3 = arith.constant 0 : index
    %get3A_4 = arith.constant 0 : index
    %get3A_5 = vector.load %arg0[%get3A_2, %get3A_3, %get3A_4] : memref<2x10240x128xf32, #tpu.memory_space<vmem>>, vector<1x10000x128xf32>
    %get3A_6 = vector.shape_cast %get3A_5 : vector<1x10000x128xf32> to vector<10000x128xf32>
    %get3A_7 = arith.constant 1 : index
    %get3A_8 = arith.constant 0 : index
    %get3A_9 = arith.constant 0 : index
    %get3A_10 = vector.load %arg0[%get3A_7, %get3A_8, %get3A_9] : memref<2x10240x128xf32, #tpu.memory_space<vmem>>, vector<1x10000x128xf32>
    %get3A_11 = vector.shape_cast %get3A_10 : vector<1x10000x128xf32> to vector<10000x128xf32>
    %add3A = arith.addf %get3A_6, %get3A_11 : vector<10000x128xf32>
    %get3A_12 = arith.constant 0 : index
    %get3A_13 = arith.constant 0 : index
    %get3A_14 = vector.load %arg1[%get3A_12, %get3A_13] : memref<10000x128xf32, #tpu.memory_space<vmem>>, vector<10000x128xf32>
    %add3A_15 = arith.addf %add3A, %get3A_14 : vector<10000x128xf32>
    %mul3A = vector.broadcast %get3A_1 : vector<10000x1xf32> to vector<10000x128xf32>
    %mul3A_16 = arith.mulf %mul3A, %add3A_15 : vector<10000x128xf32>
    %get3A_17 = arith.constant 0 : index
    %get3A_18 = arith.constant 0 : index
    %get3A_19 = vector.load %arg4[%get3A_17, %get3A_18] : memref<1x128xf32, #tpu.memory_space<vmem>>, vector<1x128xf32>
    %add3A_20 = vector.broadcast %get3A_19 : vector<1x128xf32> to vector<10000x128xf32>
    %add3A_21 = arith.addf %mul3A_16, %add3A_20 : vector<10000x128xf32>
    %reduce_sum3A = arith.constant dense<0.000000e+00> : vector<128xf32>
    %reduce_sum3A_22 = vector.multi_reduction <add>, %add3A_21, %reduce_sum3A [0] : vector<10000x128xf32> to vector<128xf32>
    %broadcast_in_dim3A = vector.shape_cast %reduce_sum3A_22 : vector<128xf32> to vector<1x128xf32>
    %div3A = arith.constant 1.000000e+04 : f32
    %div3A_23 = vector.broadcast %div3A : f32 to vector<1x128xf32>
    %div3A_24 = arith.divf %broadcast_in_dim3A, %div3A_23 : vector<1x128xf32>
    %sub3A = vector.broadcast %div3A_24 : vector<1x128xf32> to vector<10000x128xf32>
    %sub3A_25 = arith.subf %add3A_21, %sub3A : vector<10000x128xf32>
    %integer_pow3A = arith.mulf %sub3A_25, %sub3A_25 : vector<10000x128xf32>
    %reduce_sum3A_26 = arith.constant dense<0.000000e+00> : vector<128xf32>
    %reduce_sum3A_27 = vector.multi_reduction <add>, %integer_pow3A, %reduce_sum3A_26 [0] : vector<10000x128xf32> to vector<128xf32>
    %broadcast_in_dim3A_28 = vector.shape_cast %reduce_sum3A_27 : vector<128xf32> to vector<1x128xf32>
    %div3A_29 = arith.constant 1.000000e+04 : f32
    %div3A_30 = vector.broadcast %div3A_29 : f32 to vector<1x128xf32>
    %div3A_31 = arith.divf %broadcast_in_dim3A_28, %div3A_30 : vector<1x128xf32>
    %sub3A_32 = vector.broadcast %div3A_24 : vector<1x128xf32> to vector<10000x128xf32>
    %sub3A_33 = arith.subf %add3A_21, %sub3A_32 : vector<10000x128xf32>
    %add3A_34 = arith.constant 9.99999974E-6 : f32
    %add3A_35 = vector.broadcast %add3A_34 : f32 to vector<1x128xf32>
    %add3A_36 = arith.addf %div3A_31, %add3A_35 : vector<1x128xf32>
    %rsqrt3A = math.rsqrt %add3A_36 : vector<1x128xf32>
    %mul3A_37 = vector.broadcast %rsqrt3A : vector<1x128xf32> to vector<10000x128xf32>
    %mul3A_38 = arith.mulf %sub3A_33, %mul3A_37 : vector<10000x128xf32>
    %get3A_39 = arith.constant 0 : index
    %get3A_40 = arith.constant 0 : index
    %get3A_41 = vector.load %arg5[%get3A_39, %get3A_40] : memref<1x128xf32, #tpu.memory_space<vmem>>, vector<1x128xf32>
    %mul3A_42 = vector.broadcast %get3A_41 : vector<1x128xf32> to vector<10000x128xf32>
    %mul3A_43 = arith.mulf %mul3A_38, %mul3A_42 : vector<10000x128xf32>
    %get3A_44 = arith.constant 0 : index
    %get3A_45 = arith.constant 0 : index
    %get3A_46 = vector.load %arg6[%get3A_44, %get3A_45] : memref<1x128xf32, #tpu.memory_space<vmem>>, vector<1x128xf32>
    %add3A_47 = vector.broadcast %get3A_46 : vector<1x128xf32> to vector<10000x128xf32>
    %add3A_48 = arith.addf %mul3A_43, %add3A_47 : vector<10000x128xf32>
    %gt3A = arith.constant 0.000000e+00 : f32
    %gt3A_49 = vector.broadcast %gt3A : f32 to vector<10000x128xf32>
    %gt3A_50 = arith.cmpf ogt, %add3A_48, %gt3A_49 : vector<10000x128xf32>
    %min3A = arith.constant 0.000000e+00 : f32
    %min3A_51 = vector.broadcast %min3A : f32 to vector<10000x128xf32>
    %min3A_52 = arith.minimumf %add3A_48, %min3A_51 : vector<10000x128xf32>
    %exp3A = math.exp %min3A_52 : vector<10000x128xf32>
    %sub3A_53 = arith.constant 1.000000e+00 : f32
    %sub3A_54 = vector.broadcast %sub3A_53 : f32 to vector<10000x128xf32>
    %sub3A_55 = arith.subf %exp3A, %sub3A_54 : vector<10000x128xf32>
    %select_n3A = arith.select %gt3A_50, %add3A_48, %sub3A_55 : vector<10000x128xi1>, vector<10000x128xf32>
    %swap3A = arith.constant 0 : index
    %swap3A_56 = arith.constant 0 : index
    %swap3A_57 = vector.load %arg8[%swap3A, %swap3A_56] : memref<10000x128xf32, #tpu.memory_space<vmem>>, vector<10000x128xf32>
    tpu.vector_store %arg8[%swap3A, %swap3A_56], %select_n3A {strides = array<i32>} : memref<10000x128xf32, #tpu.memory_space<vmem>>, vector<10000x128xf32>,
    %get3A_58 = arith.constant 0 : index
    %get3A_59 = arith.constant 0 : index
    %get3A_60 = vector.load %arg7[%get3A_58, %get3A_59] : memref<128x128xf32, #tpu.memory_space<vmem>>, vector<128x128xf32>
    %dot_general3A = arith.constant dense<0.000000e+00> : vector<10000x128xf32>
    %dot_general3A_61 = tpu.matmul %select_n3A, %get3A_60, %dot_general3A {dimension_numbers = #tpu.dot_dimension_numbers<[1], [0], [0], [1], [0, 0, 1, 1], [], []>, transpose_lhs_hint = false} : vector<10000x128xf32>, vector<128x128xf32>, vector<10000x128xf32> -> vector<10000x128xf32>
    %mul3A_62 = vector.broadcast %get3A_1 : vector<10000x1xf32> to vector<10000x128xf32>
    %mul3A_63 = arith.mulf %dot_general3A_61, %mul3A_62 : vector<10000x128xf32>
    %swap3A_64 = arith.constant 0 : index
    %swap3A_65 = arith.constant 0 : index
    %swap3A_66 = vector.load %arg9[%swap3A_64, %swap3A_65] : memref<10000x128xf32, #tpu.memory_space<vmem>>, vector<10000x128xf32>
    tpu.vector_store %arg9[%swap3A_64, %swap3A_65], %mul3A_63 {strides = array<i32>} : memref<10000x128xf32, #tpu.memory_space<vmem>>, vector<10000x128xf32>,
    return
  }
}

module attributes {stable_mosaic.version = 14 : i64} {
  func.func @_tc_post_body(%arg0: memref<2x10240x128xf32, #tpu.memory_space<vmem>>, %arg1: memref<10000x128xf32, #tpu.memory_space<vmem>>, %arg2: memref<10000x128xf32, #tpu.memory_space<vmem>>, %arg3: memref<10000x1xf32, #tpu.memory_space<vmem>>, %arg4: memref<1x128xf32, #tpu.memory_space<vmem>>, %arg5: memref<1x128xf32, #tpu.memory_space<vmem>>, %arg6: memref<1x128xf32, #tpu.memory_space<vmem>>, %arg7: memref<128x128xf32, #tpu.memory_space<vmem>>, %arg8: memref<10000x128xf32, #tpu.memory_space<vmem>>, %arg9: memref<10000x128xf32, #tpu.memory_space<vmem>>) attributes {dimension_semantics = [], scalar_prefetch = 0 : i64, scratch_operands = 0 : i64, tpu.core_type = #tpu.core_type<tc>} {
    %get3A = arith.constant 0 : index
    %get3A_0 = arith.constant 0 : index
    %get3A_1 = vector.load %arg3[%get3A, %get3A_0] : memref<10000x1xf32, #tpu.memory_space<vmem>>, vector<10000x1xf32>
    %get3A_2 = arith.constant 0 : index
    %get3A_3 = arith.constant 0 : index
    %get3A_4 = arith.constant 0 : index
    %get3A_5 = vector.load %arg0[%get3A_2, %get3A_3, %get3A_4] : memref<2x10240x128xf32, #tpu.memory_space<vmem>>, vector<1x10000x128xf32>
    %get3A_6 = vector.shape_cast %get3A_5 : vector<1x10000x128xf32> to vector<10000x128xf32>
    %get3A_7 = arith.constant 1 : index
    %get3A_8 = arith.constant 0 : index
    %get3A_9 = arith.constant 0 : index
    %get3A_10 = vector.load %arg0[%get3A_7, %get3A_8, %get3A_9] : memref<2x10240x128xf32, #tpu.memory_space<vmem>>, vector<1x10000x128xf32>
    %get3A_11 = vector.shape_cast %get3A_10 : vector<1x10000x128xf32> to vector<10000x128xf32>
    %add3A = arith.addf %get3A_6, %get3A_11 : vector<10000x128xf32>
    %get3A_12 = arith.constant 0 : index
    %get3A_13 = arith.constant 0 : index
    %get3A_14 = vector.load %arg1[%get3A_12, %get3A_13] : memref<10000x128xf32, #tpu.memory_space<vmem>>, vector<10000x128xf32>
    %add3A_15 = arith.addf %add3A, %get3A_14 : vector<10000x128xf32>
    %mul3A = vector.broadcast %get3A_1 : vector<10000x1xf32> to vector<10000x128xf32>
    %mul3A_16 = arith.mulf %mul3A, %add3A_15 : vector<10000x128xf32>
    %get3A_17 = arith.constant 0 : index
    %get3A_18 = arith.constant 0 : index
    %get3A_19 = vector.load %arg4[%get3A_17, %get3A_18] : memref<1x128xf32, #tpu.memory_space<vmem>>, vector<1x128xf32>
    %add3A_20 = vector.broadcast %get3A_19 : vector<1x128xf32> to vector<10000x128xf32>
    %add3A_21 = arith.addf %mul3A_16, %add3A_20 : vector<10000x128xf32>
    %get3A_22 = arith.constant 0 : index
    %get3A_23 = arith.constant 0 : index
    %get3A_24 = vector.load %arg2[%get3A_22, %get3A_23] : memref<10000x128xf32, #tpu.memory_space<vmem>>, vector<10000x128xf32>
    %add3A_25 = arith.addf %add3A_21, %get3A_24 : vector<10000x128xf32>
    %reduce_sum3A = arith.constant dense<0.000000e+00> : vector<128xf32>
    %reduce_sum3A_26 = vector.multi_reduction <add>, %add3A_25, %reduce_sum3A [0] : vector<10000x128xf32> to vector<128xf32>
    %broadcast_in_dim3A = vector.shape_cast %reduce_sum3A_26 : vector<128xf32> to vector<1x128xf32>
    %div3A = arith.constant 1.000000e+04 : f32
    %div3A_27 = vector.broadcast %div3A : f32 to vector<1x128xf32>
    %div3A_28 = arith.divf %broadcast_in_dim3A, %div3A_27 : vector<1x128xf32>
    %sub3A = vector.broadcast %div3A_28 : vector<1x128xf32> to vector<10000x128xf32>
    %sub3A_29 = arith.subf %add3A_25, %sub3A : vector<10000x128xf32>
    %integer_pow3A = arith.mulf %sub3A_29, %sub3A_29 : vector<10000x128xf32>
    %reduce_sum3A_30 = arith.constant dense<0.000000e+00> : vector<128xf32>
    %reduce_sum3A_31 = vector.multi_reduction <add>, %integer_pow3A, %reduce_sum3A_30 [0] : vector<10000x128xf32> to vector<128xf32>
    %broadcast_in_dim3A_32 = vector.shape_cast %reduce_sum3A_31 : vector<128xf32> to vector<1x128xf32>
    %div3A_33 = arith.constant 1.000000e+04 : f32
    %div3A_34 = vector.broadcast %div3A_33 : f32 to vector<1x128xf32>
    %div3A_35 = arith.divf %broadcast_in_dim3A_32, %div3A_34 : vector<1x128xf32>
    %sub3A_36 = vector.broadcast %div3A_28 : vector<1x128xf32> to vector<10000x128xf32>
    %sub3A_37 = arith.subf %add3A_25, %sub3A_36 : vector<10000x128xf32>
    %add3A_38 = arith.constant 9.99999974E-6 : f32
    %add3A_39 = vector.broadcast %add3A_38 : f32 to vector<1x128xf32>
    %add3A_40 = arith.addf %div3A_35, %add3A_39 : vector<1x128xf32>
    %rsqrt3A = math.rsqrt %add3A_40 : vector<1x128xf32>
    %mul3A_41 = vector.broadcast %rsqrt3A : vector<1x128xf32> to vector<10000x128xf32>
    %mul3A_42 = arith.mulf %sub3A_37, %mul3A_41 : vector<10000x128xf32>
    %get3A_43 = arith.constant 0 : index
    %get3A_44 = arith.constant 0 : index
    %get3A_45 = vector.load %arg5[%get3A_43, %get3A_44] : memref<1x128xf32, #tpu.memory_space<vmem>>, vector<1x128xf32>
    %mul3A_46 = vector.broadcast %get3A_45 : vector<1x128xf32> to vector<10000x128xf32>
    %mul3A_47 = arith.mulf %mul3A_42, %mul3A_46 : vector<10000x128xf32>
    %get3A_48 = arith.constant 0 : index
    %get3A_49 = arith.constant 0 : index
    %get3A_50 = vector.load %arg6[%get3A_48, %get3A_49] : memref<1x128xf32, #tpu.memory_space<vmem>>, vector<1x128xf32>
    %add3A_51 = vector.broadcast %get3A_50 : vector<1x128xf32> to vector<10000x128xf32>
    %add3A_52 = arith.addf %mul3A_47, %add3A_51 : vector<10000x128xf32>
    %gt3A = arith.constant 0.000000e+00 : f32
    %gt3A_53 = vector.broadcast %gt3A : f32 to vector<10000x128xf32>
    %gt3A_54 = arith.cmpf ogt, %add3A_52, %gt3A_53 : vector<10000x128xf32>
    %min3A = arith.constant 0.000000e+00 : f32
    %min3A_55 = vector.broadcast %min3A : f32 to vector<10000x128xf32>
    %min3A_56 = arith.minimumf %add3A_52, %min3A_55 : vector<10000x128xf32>
    %exp3A = math.exp %min3A_56 : vector<10000x128xf32>
    %sub3A_57 = arith.constant 1.000000e+00 : f32
    %sub3A_58 = vector.broadcast %sub3A_57 : f32 to vector<10000x128xf32>
    %sub3A_59 = arith.subf %exp3A, %sub3A_58 : vector<10000x128xf32>
    %select_n3A = arith.select %gt3A_54, %add3A_52, %sub3A_59 : vector<10000x128xi1>, vector<10000x128xf32>
    %swap3A = arith.constant 0 : index
    %swap3A_60 = arith.constant 0 : index
    %swap3A_61 = vector.load %arg8[%swap3A, %swap3A_60] : memref<10000x128xf32, #tpu.memory_space<vmem>>, vector<10000x128xf32>
    tpu.vector_store %arg8[%swap3A, %swap3A_60], %select_n3A {strides = array<i32>} : memref<10000x128xf32, #tpu.memory_space<vmem>>, vector<10000x128xf32>,
    %get3A_62 = arith.constant 0 : index
    %get3A_63 = arith.constant 0 : index
    %get3A_64 = vector.load %arg7[%get3A_62, %get3A_63] : memref<128x128xf32, #tpu.memory_space<vmem>>, vector<128x128xf32>
    %dot_general3A = arith.constant dense<0.000000e+00> : vector<10000x128xf32>
    %dot_general3A_65 = tpu.matmul %select_n3A, %get3A_64, %dot_general3A {dimension_numbers = #tpu.dot_dimension_numbers<[1], [0], [0], [1], [0, 0, 1, 1], [], []>, transpose_lhs_hint = false} : vector<10000x128xf32>, vector<128x128xf32>, vector<10000x128xf32> -> vector<10000x128xf32>
    %mul3A_66 = vector.broadcast %get3A_1 : vector<10000x1xf32> to vector<10000x128xf32>
    %mul3A_67 = arith.mulf %dot_general3A_65, %mul3A_66 : vector<10000x128xf32>
    %swap3A_68 = arith.constant 0 : index
    %swap3A_69 = arith.constant 0 : index
    %swap3A_70 = vector.load %arg9[%swap3A_68, %swap3A_69] : memref<10000x128xf32, #tpu.memory_space<vmem>>, vector<10000x128xf32>
    tpu.vector_store %arg9[%swap3A_68, %swap3A_69], %mul3A_67 {strides = array<i32>} : memref<10000x128xf32, #tpu.memory_space<vmem>>, vector<10000x128xf32>,
    return
  }
}

module attributes {stable_mosaic.version = 14 : i64} {
  func.func @_tc_final_body(%arg0: memref<2x10240x128xf32, #tpu.memory_space<vmem>>, %arg1: memref<10000x128xf32, #tpu.memory_space<vmem>>, %arg2: memref<10000x128xf32, #tpu.memory_space<vmem>>, %arg3: memref<10000x1xf32, #tpu.memory_space<vmem>>, %arg4: memref<1x128xf32, #tpu.memory_space<vmem>>, %arg5: memref<1x128xf32, #tpu.memory_space<vmem>>, %arg6: memref<1x128xf32, #tpu.memory_space<vmem>>, %arg7: memref<10000x1xi32, #tpu.memory_space<vmem>>, %arg8: memref<128x2xf32, #tpu.memory_space<vmem>>, %arg9: memref<1x2xf32, #tpu.memory_space<vmem>>, %arg10: memref<128x2xf32, #tpu.memory_space<vmem>>) attributes {dimension_semantics = [], scalar_prefetch = 0 : i64, scratch_operands = 0 : i64, tpu.core_type = #tpu.core_type<tc>} {
    %get3A = arith.constant 0 : index
    %get3A_0 = arith.constant 0 : index
    %get3A_1 = vector.load %arg3[%get3A, %get3A_0] : memref<10000x1xf32, #tpu.memory_space<vmem>>, vector<10000x1xf32>
    %get3A_2 = arith.constant 0 : index
    %get3A_3 = arith.constant 0 : index
    %get3A_4 = arith.constant 0 : index
    %get3A_5 = vector.load %arg0[%get3A_2, %get3A_3, %get3A_4] : memref<2x10240x128xf32, #tpu.memory_space<vmem>>, vector<1x10000x128xf32>
    %get3A_6 = vector.shape_cast %get3A_5 : vector<1x10000x128xf32> to vector<10000x128xf32>
    %get3A_7 = arith.constant 1 : index
    %get3A_8 = arith.constant 0 : index
    %get3A_9 = arith.constant 0 : index
    %get3A_10 = vector.load %arg0[%get3A_7, %get3A_8, %get3A_9] : memref<2x10240x128xf32, #tpu.memory_space<vmem>>, vector<1x10000x128xf32>
    %get3A_11 = vector.shape_cast %get3A_10 : vector<1x10000x128xf32> to vector<10000x128xf32>
    %add3A = arith.addf %get3A_6, %get3A_11 : vector<10000x128xf32>
    %get3A_12 = arith.constant 0 : index
    %get3A_13 = arith.constant 0 : index
    %get3A_14 = vector.load %arg1[%get3A_12, %get3A_13] : memref<10000x128xf32, #tpu.memory_space<vmem>>, vector<10000x128xf32>
    %add3A_15 = arith.addf %add3A, %get3A_14 : vector<10000x128xf32>
    %mul3A = vector.broadcast %get3A_1 : vector<10000x1xf32> to vector<10000x128xf32>
    %mul3A_16 = arith.mulf %mul3A, %add3A_15 : vector<10000x128xf32>
    %get3A_17 = arith.constant 0 : index
    %get3A_18 = arith.constant 0 : index
    %get3A_19 = vector.load %arg4[%get3A_17, %get3A_18] : memref<1x128xf32, #tpu.memory_space<vmem>>, vector<1x128xf32>
    %add3A_20 = vector.broadcast %get3A_19 : vector<1x128xf32> to vector<10000x128xf32>
    %add3A_21 = arith.addf %mul3A_16, %add3A_20 : vector<10000x128xf32>
    %get3A_22 = arith.constant 0 : index
    %get3A_23 = arith.constant 0 : index
    %get3A_24 = vector.load %arg2[%get3A_22, %get3A_23] : memref<10000x128xf32, #tpu.memory_space<vmem>>, vector<10000x128xf32>
    %add3A_25 = arith.addf %add3A_21, %get3A_24 : vector<10000x128xf32>
    %reduce_sum3A = arith.constant dense<0.000000e+00> : vector<128xf32>
    %reduce_sum3A_26 = vector.multi_reduction <add>, %add3A_25, %reduce_sum3A [0] : vector<10000x128xf32> to vector<128xf32>
    %broadcast_in_dim3A = vector.shape_cast %reduce_sum3A_26 : vector<128xf32> to vector<1x128xf32>
    %div3A = arith.constant 1.000000e+04 : f32
    %div3A_27 = vector.broadcast %div3A : f32 to vector<1x128xf32>
    %div3A_28 = arith.divf %broadcast_in_dim3A, %div3A_27 : vector<1x128xf32>
    %sub3A = vector.broadcast %div3A_28 : vector<1x128xf32> to vector<10000x128xf32>
    %sub3A_29 = arith.subf %add3A_25, %sub3A : vector<10000x128xf32>
    %integer_pow3A = arith.mulf %sub3A_29, %sub3A_29 : vector<10000x128xf32>
    %reduce_sum3A_30 = arith.constant dense<0.000000e+00> : vector<128xf32>
    %reduce_sum3A_31 = vector.multi_reduction <add>, %integer_pow3A, %reduce_sum3A_30 [0] : vector<10000x128xf32> to vector<128xf32>
    %broadcast_in_dim3A_32 = vector.shape_cast %reduce_sum3A_31 : vector<128xf32> to vector<1x128xf32>
    %div3A_33 = arith.constant 1.000000e+04 : f32
    %div3A_34 = vector.broadcast %div3A_33 : f32 to vector<1x128xf32>
    %div3A_35 = arith.divf %broadcast_in_dim3A_32, %div3A_34 : vector<1x128xf32>
    %sub3A_36 = vector.broadcast %div3A_28 : vector<1x128xf32> to vector<10000x128xf32>
    %sub3A_37 = arith.subf %add3A_25, %sub3A_36 : vector<10000x128xf32>
    %add3A_38 = arith.constant 9.99999974E-6 : f32
    %add3A_39 = vector.broadcast %add3A_38 : f32 to vector<1x128xf32>
    %add3A_40 = arith.addf %div3A_35, %add3A_39 : vector<1x128xf32>
    %rsqrt3A = math.rsqrt %add3A_40 : vector<1x128xf32>
    %mul3A_41 = vector.broadcast %rsqrt3A : vector<1x128xf32> to vector<10000x128xf32>
    %mul3A_42 = arith.mulf %sub3A_37, %mul3A_41 : vector<10000x128xf32>
    %get3A_43 = arith.constant 0 : index
    %get3A_44 = arith.constant 0 : index
    %get3A_45 = vector.load %arg5[%get3A_43, %get3A_44] : memref<1x128xf32, #tpu.memory_space<vmem>>, vector<1x128xf32>
    %mul3A_46 = vector.broadcast %get3A_45 : vector<1x128xf32> to vector<10000x128xf32>
    %mul3A_47 = arith.mulf %mul3A_42, %mul3A_46 : vector<10000x128xf32>
    %get3A_48 = arith.constant 0 : index
    %get3A_49 = arith.constant 0 : index
    %get3A_50 = vector.load %arg6[%get3A_48, %get3A_49] : memref<1x128xf32, #tpu.memory_space<vmem>>, vector<1x128xf32>
    %add3A_51 = vector.broadcast %get3A_50 : vector<1x128xf32> to vector<10000x128xf32>
    %add3A_52 = arith.addf %mul3A_47, %add3A_51 : vector<10000x128xf32>
    %gt3A = arith.constant 0.000000e+00 : f32
    %gt3A_53 = vector.broadcast %gt3A : f32 to vector<10000x128xf32>
    %gt3A_54 = arith.cmpf ogt, %add3A_52, %gt3A_53 : vector<10000x128xf32>
    %min3A = arith.constant 0.000000e+00 : f32
    %min3A_55 = vector.broadcast %min3A : f32 to vector<10000x128xf32>
    %min3A_56 = arith.minimumf %add3A_52, %min3A_55 : vector<10000x128xf32>
    %exp3A = math.exp %min3A_56 : vector<10000x128xf32>
    %sub3A_57 = arith.constant 1.000000e+00 : f32
    %sub3A_58 = vector.broadcast %sub3A_57 : f32 to vector<10000x128xf32>
    %sub3A_59 = arith.subf %exp3A, %sub3A_58 : vector<10000x128xf32>
    %select_n3A = arith.select %gt3A_54, %add3A_52, %sub3A_59 : vector<10000x128xi1>, vector<10000x128xf32>
    %iota3A = tpu.iota {dimensions = array<i32: 1>} : vector<1x128xi32>
    %get3A_60 = arith.constant 0 : index
    %get3A_61 = arith.constant 0 : index
    %get3A_62 = vector.load %arg7[%get3A_60, %get3A_61] : memref<10000x1xi32, #tpu.memory_space<vmem>>, vector<10000x1xi32>
    %eq3A = vector.broadcast %get3A_62 : vector<10000x1xi32> to vector<10000x128xi32>
    %eq3A_63 = vector.broadcast %iota3A : vector<1x128xi32> to vector<10000x128xi32>
    %eq3A_64 = arith.cmpi eq, %eq3A, %eq3A_63 : vector<10000x128xi32>
    %convert_element_type3A = arith.extui %eq3A_64 : vector<10000x128xi1> to vector<10000x128xi32>
    %convert_element_type3A_65 = arith.sitofp %convert_element_type3A : vector<10000x128xi32> to vector<10000x128xf32>
    %reduce_sum3A_66 = arith.constant dense<0.000000e+00> : vector<128xf32>
    %reduce_sum3A_67 = vector.multi_reduction <add>, %convert_element_type3A_65, %reduce_sum3A_66 [0] : vector<10000x128xf32> to vector<128xf32>
    %broadcast_in_dim3A_68 = vector.shape_cast %reduce_sum3A_67 : vector<128xf32> to vector<1x128xf32>
    %max3A = arith.constant 1.000000e+00 : f32
    %max3A_69 = vector.broadcast %max3A : f32 to vector<1x128xf32>
    %max3A_70 = arith.maximumf %broadcast_in_dim3A_68, %max3A_69 : vector<1x128xf32>
    %div3A_71 = vector.broadcast %max3A_70 : vector<1x128xf32> to vector<10000x128xf32>
    %div3A_72 = arith.divf %convert_element_type3A_65, %div3A_71 : vector<10000x128xf32>
    %dot_general3A = arith.constant dense<0.000000e+00> : vector<128x128xf32>
    %dot_general3A_73 = tpu.matmul %div3A_72, %select_n3A, %dot_general3A {dimension_numbers = #tpu.dot_dimension_numbers<[0], [0], [1], [1], [0, 1, 1, 1], [], []>, transpose_lhs_hint = false} : vector<10000x128xf32>, vector<10000x128xf32>, vector<128x128xf32> -> vector<128x128xf32>
    %get3A_74 = arith.constant 0 : index
    %get3A_75 = arith.constant 0 : index
    %get3A_76 = vector.load %arg8[%get3A_74, %get3A_75] : memref<128x2xf32, #tpu.memory_space<vmem>>, vector<128x2xf32>
    %dot_general3A_77 = arith.constant dense<0.000000e+00> : vector<128x2xf32>
    %dot_general3A_78 = tpu.matmul %dot_general3A_73, %get3A_76, %dot_general3A_77 {dimension_numbers = #tpu.dot_dimension_numbers<[1], [0], [0], [1], [0, 0, 1, 1], [], []>, transpose_lhs_hint = false} : vector<128x128xf32>, vector<128x2xf32>, vector<128x2xf32> -> vector<128x2xf32>
    %get3A_79 = arith.constant 0 : index
    %get3A_80 = arith.constant 0 : index
    %get3A_81 = vector.load %arg9[%get3A_79, %get3A_80] : memref<1x2xf32, #tpu.memory_space<vmem>>, vector<1x2xf32>
    %add3A_82 = vector.broadcast %get3A_81 : vector<1x2xf32> to vector<128x2xf32>
    %add3A_83 = arith.addf %dot_general3A_78, %add3A_82 : vector<128x2xf32>
    %swap3A = arith.constant 0 : index
    %swap3A_84 = arith.constant 0 : index
    %swap3A_85 = vector.load %arg10[%swap3A, %swap3A_84] : memref<128x2xf32, #tpu.memory_space<vmem>>, vector<128x2xf32>
    tpu.vector_store %arg10[%swap3A, %swap3A_84], %add3A_83 {strides = array<i32>} : memref<128x2xf32, #tpu.memory_space<vmem>>, vector<128x2xf32>,
    return
  }
}

</mosaic_0001>

<sc_bundles>
// kernel: kernel.11.cloned.1.call-start
scs
__scs_entry_jumppad:
0x0: {  	(pc) =	sbr.rel $0x88, $3  }
0x1: {  	(tag) =	ssettag $0x0;
	lr =	simm.s32 $0x1  }
0x2: {  	[smem:$0x3F90] =	sst lr;
	_ =	strace $0xD0000000  }
0x3: {  	_ = 	snop  }
0x4: {  	_ = 	snop  }
0x5: {  	_ = 	snop  }
0x6: {  	_ = 	snop  }
0x7: {  	_ = 	snop  }
__scs_overlays_trampoline_lowered:
0x8: {  	[smem:$0x3F9F] =	sst s0  }
0x9: {  	[smem:$0x3FA0] =	sst s1  }
0xa: {  	[smem:$0x3FA1] =	sst s2  }
0xb: {  	[smem:$0x3FA2] =	sst s3  }
0xc: {  	[smem:$0x3FA3] =	sst s4  }
0xd: {  	[smem:$0x3FA4] =	sst s5  }
0xe: {  	[smem:$0x3FA5] =	sst s6  }
0xf: {  	[smem:$0x3FA6] =	sst s7  }
0x10: {  	[smem:$0x3FA7] =	sst s8  }
0x11: {  	[smem:$0x3FA8] =	sst s9;
	s0 =	simm.s32 @!p0 $0x0  }
0x12: {  	s1 =	sld [smem:$0x3F8E];
	s0 =	simm.s32 @p0 $0x1  }
0x13: {  	[smem:$0x3FA9] =	sst s0;
	s0 =	simm.s32 @!p1 $0x0  }
0x14: {  	s2 =	sld [smem:$0x3F8D];
	s0 =	simm.s32 @p1 $0x1  }
0x15: {  	[smem:$0x3FAA] =	sst s0;
	s0 =	simm.s32 @!p2 $0x0  }
0x16: {  	s3 =	sld [smem:$0x3FDB];
	s0 =	simm.s32 @p2 $0x1  }
0x17: {  	s4 =	simm.s32 $0x1BF5;
	[smem:$0x3FAC] =	sst s0  }
0x18: {  	s0 =	sld [smem:$0x3F8F];
	_ =	swait.ge [sflag:s4], $0x0  }
0x19: {  	s7 =	sld [smem:$0x3F90]  }
0x1a: {  	s8 =	sadd.s32 $0xFFFFE003, lr  }
0x1b: {  	s9 =	sadd.s32 $0xFFFFFEF7, lr;
	s5 =	simm.s32 $0xFFFFFFFF;
	p2 =	slt.u32 s8, $0xFFFFF086  }
0x1c: {  	p1 =	slt.u32 s9, $0xF7A;
	s5 =	simm.s32 @!p2 $0x0  }
0x1d: {  	s5 =	simm.s32 @p1 $0x1;
	p0 =	seq.s32 s7, s2  }
0x1e: {  	s7 =	smul.u32 @!p0 $0xF7A, s2;
	p2 =	seq.s32 @!p0 s5, $0x0  }
0x1f: {  	s9 =	smul.u32 $0xF7A, s1;
	s8 =	simm.s32 @!p0 $0x1BF5;
	p2 =	por !p2, p0  }
0x20: {  	[sflag:s8] =	ssyncset.s32 @!p0 $0xFFFFF086;
	s6 =	sadd.s32 @!p0 s3, s7;
	s7 =	simm.s32 @!p0 $0x108  }
0x21: {  	s3 =	sadd.s32 s3, s9;
	s6 =	sadd.s32 @!p0 $0x88, s6;
	s7 =	simm.s32 @p2 $0x1082  }
0x22: {  	[simem:s7], [sflag:s8] =	dma.local @!p0 [hbm:s6], $0xF7A  }
0x23: {  	s9 =	sor.u32 $0xD0000000, s2;
	s6 =	simm.s32 $0x108;
	_ =	swait.ge @!p0 [sflag:s8], $0x0  }
0x24: {  	s3 =	sadd.s32 $0x88, s3;
	s6 =	simm.s32 @!p1 $0x1082;
	[sflag:s4] =	ssyncset.s32 $0xFFFFF086  }
0x25: {  	[simem:s6], [sflag:s4] =	dma.local [hbm:s3], $0xF7A  }
0x26: {  	[smem:$0x3F90] =	sst s1;
	(tag) =	ssettag s2;
	_ =	strace s9  }
0x27: {  	s1 =	sld [smem:$0x3FA0]  }
0x28: {  	s2 =	sld [smem:$0x3FA1]  }
0x29: {  	s4 =	sld [smem:$0x3FA3]  }
0x2a: {  	p0 =	seq.s32 s5, $0x0;
	s5 =	sld [smem:$0x3FA4]  }
0x2b: {  	s6 =	sld [smem:$0x3FA5]  }
0x2c: {  	s7 =	sld [smem:$0x3FA6]  }
0x2d: {  	s3 =	simm.s32 $0x108;
	s8 =	sld [smem:$0x3FA7]  }
0x2e: {  	s3 =	simm.s32 @!p0 $0x1082;
	s9 =	sld [smem:$0x3FA8]  }
0x2f: {  	lr =	sadd.s32 s0, s3;
	s0 =	sld [smem:$0x3F9F]  }
0x30: {  	s3 =	sld [smem:$0x3FA2]  }
0x31: {  	[smem:$0x3FAB] =	sst s10  }
0x32: {  	s10 =	sld [smem:$0x3FA9];
	_ =	sdelay $0x3  }
0x33: {  	p0 =	seq.s32 s10, $0x1;
	s10 =	sld [smem:$0x3FAB];
	_ =	sdelay $0x3  }
0x34: {  	[smem:$0x3FAB] =	sst s10  }
0x35: {  	s10 =	sld [smem:$0x3FAA];
	_ =	sdelay $0x3  }
0x36: {  	p1 =	seq.s32 s10, $0x1;
	s10 =	sld [smem:$0x3FAB];
	_ =	sdelay $0x3  }
0x37: {  	[smem:$0x3FAB] =	sst s10  }
0x38: {  	s10 =	sld [smem:$0x3FAC]  }
0x39: {  	_ = 	snop;
	(pc) =	sbr.ind lr, $3  }
0x3a: {  	_ = 	snop  }
0x3b: {  	_ = 	snop  }
0x3c: {  	p2 =	seq.s32 s10, $0x1;
	s10 =	sld [smem:$0x3FAB]  }
0x3d: {  	_ =	shalt  }
0x3e: {  	_ =	shalt  }
0x3f: {  	_ =	shalt  }
0x40: {  	_ =	shalt  }
0x41: {  	_ =	shalt  }
0x42: {  	_ =	shalt  }
0x43: {  	_ =	shalt  }
0x44: {  	_ =	shalt  }
0x45: {  	_ =	shalt  }
0x46: {  	_ =	shalt  }
0x47: {  	_ =	shalt  }
0x48: {  	_ =	shalt  }
0x49: {  	_ =	shalt  }
0x4a: {  	_ =	shalt  }
0x4b: {  	_ =	shalt  }
0x4c: {  	_ =	shalt  }
0x4d: {  	_ =	shalt  }
0x4e: {  	_ =	shalt  }
0x4f: {  	_ =	shalt  }
0x50: {  	_ =	shalt  }
0x51: {  	_ =	shalt  }
0x52: {  	_ =	shalt  }
0x53: {  	_ =	shalt  }
0x54: {  	_ =	shalt  }
0x55: {  	_ =	shalt  }
0x56: {  	_ =	shalt  }
0x57: {  	_ =	shalt  }
0x58: {  	_ =	shalt  }
0x59: {  	_ =	shalt  }
0x5a: {  	_ =	shalt  }
0x5b: {  	_ =	shalt  }
0x5c: {  	_ =	shalt  }
0x5d: {  	_ =	shalt  }
0x5e: {  	_ =	shalt  }
0x5f: {  	_ =	shalt  }
0x60: {  	_ =	shalt  }
0x61: {  	_ =	shalt  }
0x62: {  	_ =	shalt  }
0x63: {  	_ =	shalt  }
0x64: {  	_ =	shalt  }
0x65: {  	_ =	shalt  }
0x66: {  	_ =	shalt  }
0x67: {  	_ =	shalt  }
0x68: {  	_ =	shalt  }
0x69: {  	_ =	shalt  }
0x6a: {  	_ =	shalt  }
0x6b: {  	_ =	shalt  }
0x6c: {  	_ =	shalt  }
0x6d: {  	_ =	shalt  }
0x6e: {  	_ =	shalt  }
0x6f: {  	_ =	shalt  }
0x70: {  	_ =	shalt  }
0x71: {  	_ =	shalt  }
0x72: {  	_ =	shalt  }
0x73: {  	_ =	shalt  }
0x74: {  	_ =	shalt  }
0x75: {  	_ =	shalt  }
0x76: {  	_ =	shalt  }
0x77: {  	_ =	shalt  }
0x78: {  	_ =	shalt  }
0x79: {  	_ =	shalt  }
0x7a: {  	_ =	shalt  }
0x7b: {  	_ =	shalt  }
0x7c: {  	_ =	shalt  }
0x7d: {  	_ =	shalt  }
0x7e: {  	_ =	shalt  }
0x7f: {  	_ =	shalt  }
0x80: {  	_ =	shalt  }
0x81: {  	_ =	shalt  }
0x82: {  	_ =	shalt  }
0x83: {  	_ =	shalt  }
0x84: {  	_ =	shalt  }
0x85: {  	_ =	shalt  }
0x86: {  	_ =	shalt  }
0x87: {  	_ =	shalt  }
.Lfunc_end0:
.L_simem_size_0:
called_computation_lowered:
.L_overlay_start_0:
0x88: {  	s2 =	sld [smem:$0x3FD9]  }
0x89: {  	s3 =	sld [smem:$0x3FFE];
	_ =	sdelay $0x1  }
0x8a: {  	s1 =	srdreg.scid  }
0x8b: {  	s0 =	sand.u32 $0x1, s1  }
0x8c: {  	s16 =	sshll.u32 s0, $0xA;
	s2 =	sadd.s32 s3, s2  }
0x8d: {  	s2 =	sadd.s32 s2, s16  }
0x8e: {  	[smem:$0x3FB7] =	sst s2  }
0x8f: {  	_ = 	snop  }
0x90: {  	(tm) =	ssettm $0x1  }
0x91: {  	s17 =	sld [smem:$0x3FFB];
	_ =	sdelay $0x3  }
0x92: {  	_ =	strace s17  }
0x93: {  	s2 =	sld [smem:$0x3FFC];
	_ =	sdelay $0x3  }
0x94: {  	_ =	strace s2  }
0x95: {  	s2 =	sld [smem:$0x3FFD];
	_ =	sdelay $0x3  }
0x96: {  	_ =	strace s2  }
0x97: {  	_ =	strace $0x8FFFFFFF  }
0x98: {  	s18 =	sld [smem:$0x3FDB];
	_ =	sdelay $0x1  }
0x99: {  	s19 =	simm.s32 $_scs_section_size  }
0x9a: {  	s4 =	simm.s32 $_size__tile_overlayer_lowered;
	s5 =	simm.s32 $_tile_overlayer_lowered  }
0x9b: {  	s22 =	simm.s32 $0x1BFF;
	s21 =	sshll.u32 s5, $0x1;
	s2 =	sadd.s32 s19, s18  }
0x9c: {  	s6 =	simm.s32 $0x0;
	s20 =	sshll.u32 s4, $0x1;
	s4 =	sadd.s32 s21, s2  }
0x9d: {  	[timem:s6], [sflag:s22] =	dma.local [hbm:s4], s20  }
0x9e: {  	_ =	swait.ge [sflag:s22], s20  }
0x9f: {  	s3 =	ssub.s32 $0x0, s20;
	[sflag:s22] =	ssyncset.done $0x0  }
0xa0: {  	[sflag:s22] =	ssyncadd.s32 s3;
	_ =	sdelay $0x1  }
0xa1: {  	s23 =	simm.s32 $0x1B8B  }
0xa2: {  	_ =	swait.ge [sflag:s23], $0x1  }
0xa3: {  	[sflag:s23] =	ssyncset.done $0x0  }
0xa4: {  	s25 =	simm.s32 $0x1B8E;
	s24 =	sld [smem:$0x3FFE];
	[sflag:s23] =	ssyncadd.s32 $0xFFFFFFFF  }
0xa5: {  	s26 =	simm.s32 $execute0_lowered;
	[smem:$0x3FD2] =	sst s25  }
0xa6: {  	s4 =	sshll.u32 s26, $0x1;
	_ =	strace $0x80000046;
	[dreg:$0x1] =	wrdreg $0xFFFFFFFF  }
0xa7: {  	s28 =	simm.s32 $_size_execute0_lowered;
	s2 =	sadd.s32 s2, s4;
	[dreg:$0x0] =	wrdreg $0x0  }
0xa8: {  	s4 =	sshll.u32 s28, $0x1;
	[dreg:$0x2] =	wrdreg s2  }
0xa9: {  	[dreg:$0x3] =	wrdreg s4  }
0xaa: {  	[dreg:$0x4] =	wrdreg $0xC0  }
0xab: {  	_ =	task [dreg:s6], $0x5FFFF  }
0xac: {  	[dreg:$0x1] =	wrdreg $0xFFFFFFFF  }
0xad: {  	[dreg:$0x0] =	wrdreg $0x60  }
0xae: {  	[dreg:$0x2] =	wrdreg s24  }
0xaf: {  	[dreg:$0x3] =	wrdreg $0x53000  }
0xb0: {  	[dreg:$0x4] =	wrdreg $0x9  }
0xb1: {  	_ =	task.clear_ibuf [dreg:s6], $0x5FFFF;
	_ =	strace $0x90000046  }
0xb2: {  	s29 =	simm.s32 $0x9;
	_ =	strace $0x80000048  }
0xb3: {  	_ =	swait.ge [sflag:s29], $0x1  }
0xb4: {  	[sflag:s29] =	ssyncadd.s32 $0xFFFFFFFF  }
0xb5: {  	_ =	strace $0x90000048  }
0xb6: {  	_ =	sfence  }
0xb7: {  	s30 =	sld [smem:$0x0];
	_ =	sdelay $0x2  }
0xb8: {  	s31 =	sshll.u32 s1, $0xD;
	s1 =	sshrl.u32 s1, $0x2  }
0xb9: {  	s3 =	sand.u32 $0x4000, s31;
	s1 =	sadd.s32 s1, s30  }
0xba: {  	s0 =	sor.u32 s3, s0;
	s1 =	sshll.u32 s1, $0x11  }
0xbb: {  	s0 =	sor.u32 s1, s0  }
0xbc: {  	s0 =	sadd.s32 $0x8F2B, s0  }
0xbd: {  	[sflag:s0] =	ssyncadd.remote.s32 $0x1  }
0xbe: {  	_ =	sfence.sel $0xFFFF  }
0xbf: {  	[dreg:$0x0] =	wrdreg $0xFFFFFFFF;
	(pc) =	sbr.abs _section_cstart, $3  }
0xc0: {  	[dreg:$0x1] =	wrdreg $0xFFFFFFFF  }
0xc1: {  	_ =	task.clear_ibuf [dreg:s6], $0x2FFFF;
	_ =	strace $0x9FFFFFFF  }
0xc2: {  	(tm) =	ssettm $0x7FFFFFFF  }
0xc3: {  	_ =	shalt  }
tec
execute0_lowered:
.L_overlay_start_1:
0x0: {  	(tag) =	ssettag $0x1  }
0x1: {  	s1 =	srdreg.scid;
	s4 =	rddreg [dreg:$0x0]  }
0x2: {  	s0 =	stileid.u32;
	s2 =	rddreg [dreg:$0x1];
	s3 =	simm.s32 $0x0  }
0x3: {  	s12 =	simm.s32 $0x1000;
	s13 =	simm.s32 $0x2000;
	s14 =	simm.s32 $0x3000  }
0x4: {  	s15 =	simm.s32 $0x4000;
	s16 =	simm.s32 $0x1;
	s17 =	simm.s32 $0x5080  }
0x5: {  	s18 =	simm.s32 $0x50;
	s19 =	simm.s32 $0x5000;
	s22 =	simm.s32 $0x0  }
0x6: {  	s5 =	sand.u32 $0x1, s1;
	s6 =	smul.u32 $0x280, s0;
	s1 =	rddreg [dreg:$0x2]  }
0x7: {  	[smem:$0x7FF] =	sst s3;
	s20 =	sshll.u32 s0, $0x6;
	s7 =	sshll.u32 s5, $0x4  }
0x8: {  	s8 =	smul.u32 $0x2800, s5;
	s5 =	ssub.s32 $0x2, s5;
	s7 =	sor.u32 s0, s7  }
0x9: {  	_ =	strace $0x80000047;
	s30 =	sshrl.u32 s5, $0x1;
	s7 =	smul.u32 $0xA00, s7  }
0xa: {  	s8 =	sadd.s32 s6, s8;
	s31 =	ssub.s32 s5, s30;
	s5 =	sadd.s32 s6, s2  }
0xb: {  	s20 =	sor.u32 $0x1C01, s20;
	s8 =	sshrl.u32 s8, $0x3;
	s21 =	sshrl.u32 s5, $0x3  }
0xc: {  	s11 =	sadd.s32 s7, s4;
	s29 =	sadd.s32 s8, s4;
	s7 =	smax.u32 s31, $0x1  }
0xd: {  	s4 =	sadd.s32 $0x5E00, s11;
	s6 =	sadd.s32 $0x19E00, s29;
	s8 =	sadd.s32 $0x6000, s11  }
0xe: {  	v0 =	vimm.f32 $1.000000000e+00;
	v1 =	vimm.f32 $0.0e+00;
	s9 =	sadd.s32 $0x6200, s11;
	s10 =	sadd.s32 $0x6400, s11;
	s11 =	sadd.s32 $0x6600, s11  }
.LBB2_1:
0xf: {  	[tilespmem:s3], [sflag:$0x1] =	stream.linear.gather [hbm4b:s4+s3], $0xD00, $0x38;
	[tilespmem:$0x5580] =	vst v63  }
0x10: {  	_ = 	snop  }
0x11: {  	[tilespmem:s12], [sflag:$0x1] =	stream.linear.gather [hbm4b:s8+s3], $0xD00, $0x38;
	[tilespmem:$0x5580] =	vst v63  }
0x12: {  	_ = 	snop  }
0x13: {  	[tilespmem:s13], [sflag:$0x1] =	stream.linear.gather [hbm4b:s9+s3], $0xD00, $0x38;
	[tilespmem:$0x5580] =	vst v63  }
0x14: {  	_ = 	snop  }
0x15: {  	[tilespmem:s14], [sflag:$0x1] =	stream.linear.gather [hbm4b:s10+s3], $0xD00, $0x38;
	[tilespmem:$0x5580] =	vst v63  }
0x16: {  	_ = 	snop  }
0x17: {  	[tilespmem:s15], [sflag:$0x1] =	stream.linear.gather [hbm4b:s11+s3], $0xD00, $0x38;
	[tilespmem:$0x5580] =	vst v63  }
0x18: {  	_ =	swait.ge [sflag:s16], $0x4100  }
0x19: {  	[sflag:s16] =	ssyncset.done $0x0  }
0x1a: {  	[sflag:s16] =	ssyncadd.s32 $0xFFFFBF00  }
0x1b: {  	[tilespmem:$0x5000] =	vst v0  }
0x1c: {  	[tilespmem:$0x5010] =	vst v0  }
0x1d: {  	[tilespmem:$0x5020] =	vst v0  }
0x1e: {  	[tilespmem:$0x5030] =	vst v0  }
0x1f: {  	[tilespmem:$0x5040] =	vst v0  }
0x20: {  	[tilespmem:$0x5080] =	vst v1  }
0x21: {  	[tilespmem:$0x5090] =	vst v1  }
0x22: {  	[tilespmem:$0x50A0] =	vst v1  }
0x23: {  	[tilespmem:$0x50B0] =	vst v1  }
0x24: {  	[tilespmem:$0x50C0] =	vst v1  }
0x25: {  	[tilespmem:$0x50D0] =	vst v1  }
0x26: {  	[tilespmem:$0x50E0] =	vst v1  }
0x27: {  	[tilespmem:$0x50F0] =	vst v1  }
0x28: {  	[tilespmem:$0x5100] =	vst v1  }
0x29: {  	[tilespmem:$0x5110] =	vst v1  }
0x2a: {  	[tilespmem:$0x5120] =	vst v1  }
0x2b: {  	[tilespmem:$0x5130] =	vst v1  }
0x2c: {  	[tilespmem:$0x5140] =	vst v1  }
0x2d: {  	[tilespmem:$0x5150] =	vst v1  }
0x2e: {  	[tilespmem:$0x5160] =	vst v1  }
0x2f: {  	[tilespmem:$0x5170] =	vst v1  }
0x30: {  	[tilespmem:$0x5180] =	vst v1  }
0x31: {  	[tilespmem:$0x5190] =	vst v1  }
0x32: {  	[tilespmem:$0x51A0] =	vst v1  }
0x33: {  	[tilespmem:$0x51B0] =	vst v1  }
0x34: {  	[tilespmem:$0x51C0] =	vst v1  }
0x35: {  	[tilespmem:$0x51D0] =	vst v1  }
0x36: {  	[tilespmem:$0x51E0] =	vst v1  }
0x37: {  	[tilespmem:$0x51F0] =	vst v1  }
0x38: {  	[tilespmem:$0x5200] =	vst v1  }
0x39: {  	[tilespmem:$0x5210] =	vst v1  }
0x3a: {  	[tilespmem:$0x5220] =	vst v1  }
0x3b: {  	[tilespmem:$0x5230] =	vst v1  }
0x3c: {  	[tilespmem:$0x5240] =	vst v1  }
0x3d: {  	[tilespmem:$0x5250] =	vst v1  }
0x3e: {  	[tilespmem:$0x5260] =	vst v1  }
0x3f: {  	[tilespmem:$0x5270] =	vst v1  }
0x40: {  	[tilespmem:$0x5280] =	vst v1  }
0x41: {  	[tilespmem:$0x5290] =	vst v1  }
0x42: {  	[tilespmem:$0x52A0] =	vst v1  }
0x43: {  	s24 =	smul.u32 $0x4F, s3;
	[tilespmem:$0x52B0] =	vst v1  }
0x44: {  	[tilespmem:$0x52C0] =	vst v1  }
0x45: {  	s23 =	sshrl.u32 s24, $0xB;
	[tilespmem:$0x52D0] =	vst v1  }
0x46: {  	s23 =	sand.u32 $0x1F, s23;
	[tilespmem:$0x52E0] =	vst v1  }
0x47: {  	s24 =	sshll.u32 s24, $0x1;
	s25 =	smul.u32 $0x1A, s23;
	s23 =	simm.s32 $0x1;
	[tilespmem:$0x52F0] =	vst v1  }
0x48: {  	[spmem:s5] =	stream.linear.scatter [tilespmem:s17], [sflag:$0x1], $0x280, $0x38;
	[tilespmem:$0x5580] =	vst v63  }
0x49: {  	s26 =	ssub.s32 $0x0, s25;
	s25 =	smul.u32 $0x4F, s23;
	_ =	swait.ge [sflag:s16], $0x280  }
0x4a: {  	s24 =	sand.u32 $0x1F000, s24;
	s26 =	sand.u32 $0xFF, s26;
	[sflag:s16] =	ssyncset.done $0x0  }
0x4b: {  	s26 =	sshll.u32 s26, $0x7;
	s28 =	sshrl.u32 s25, $0xB;
	[sflag:s16] =	ssyncadd.s32 $0xFFFFFD80  }
0x4c: {  	s24 =	sor.u32 s26, s24;
	s31 =	sand.u32 $0x1F, s28;
	[bflag:$0x0] =	sbarrier.arrive $0xFFFF  }
0x4d: {  	[spmem:s2] =	stream.indirect.scatter.add.f32 [tilespmem:s19], [sflag:$0x1], $0x1, s24, s18, $0xb8;
	[tilespmem:$0x5580] =	vst v63  }
0x4e: {  	s26 =	smul.u32 $0x1A, s31;
	s24 =	simm.s32 $0x2  }
.LBB2_2:
0x4f: {  	s28 =	smul.u32 $0x4F, s24  }
0x50: {  	p0 =	sne.s32 s24, $0x81;
	s25 =	sshll.u32 s25, $0x1  }
0x51: {  	s26 =	ssub.s32 s23, s26;
	s23 =	smov.u32 s24;
	s29 =	sshrl.u32 s28, $0xB  }
.Ltmp0:
0x52: {  	s26 =	sand.u32 $0xFF, s26;
	_ =	swait.ge [sflag:s16], $0x50;
	(pc) =	sbr.rel @p0 .LBB2_2-.Ltmp0, $4  }
0x53: {  	s25 =	sand.u32 $0x1F000, s25;
	s26 =	sshll.u32 s26, $0x7;
	[sflag:s16] =	ssyncset.done $0x0  }
0x54: {  	s29 =	sand.u32 $0x1F, s29;
	s25 =	sor.u32 s26, s25;
	[sflag:s16] =	ssyncadd.s32 $0xFFFFFFB0  }
0x55: {  	[spmem:s2] =	stream.indirect.scatter.add.f32 [tilespmem:s19], [sflag:$0x1], $0x1, s25, s18, $0xb8;
	[tilespmem:$0x5580] =	vst v63  }
0x56: {  	s24 =	sadd.s32 $0x1, s24;
	s26 =	smul.u32 $0x1A, s29;
	s25 =	smov.u32 s28  }
0x57: {  	_ = 	snop  }
0x58: {  	s23 =	ssub.s32 s23, s26  }
0x59: {  	s24 =	sshll.u32 s25, $0x1;
	_ =	swait.ge [sflag:s16], $0x50;
	s23 =	sand.u32 $0xFF, s23  }
0x5a: {  	s24 =	sand.u32 $0x1F000, s24;
	[sflag:s16] =	ssyncset.done $0x0;
	s23 =	sshll.u32 s23, $0x7  }
0x5b: {  	[sflag:s16] =	ssyncadd.s32 $0xFFFFFFB0;
	s23 =	sor.u32 s23, s24  }
0x5c: {  	[spmem:s2] =	stream.indirect.scatter.add.f32 [tilespmem:s19], [sflag:$0x1], $0x1, s23, s18, $0xb8;
	[tilespmem:$0x5580] =	vst v63  }
0x5d: {  	_ =	swait.ge [sflag:s16], $0x50  }
0x5e: {  	s22 =	sadd.s32 $0x1, s22;
	[sflag:s16] =	ssyncset.done $0x0  }
0x5f: {  	p0 =	sne.s32 s22, s7;
	[sflag:s16] =	ssyncadd.s32 $0xFFFFFFB0  }
.Ltmp1:
0x60: {  	[bflag:$0x0] =	sbarrier.arrive $0xFFFF;
	(pc) =	sbr.rel @p0 .LBB2_1-.Ltmp1, $4  }
0x61: {  	[hbm:s6], [sflag:s20] =	dma.local [spmem:s21], $0x50  }
0x62: {  	_ =	swait.ge [sflag:s16], $0x50  }
0x63: {  	[sflag:s16] =	ssyncset.done $0x0  }
0x64: {  	[sflag:s16] =	ssyncadd.s32 $0xFFFFFFB0  }
0x65: {  	_ =	sfence.sel $0x180000  }
0x66: {  	[bflag:$0x0] =	sbarrier.arrive $0xFFFF  }
0x67: {  	p0 =	sne.s32 s0, $0x0;
	_ =	strace $0x90000047  }
0x68: {  	s0 =	sadd.s32 @!p0 $0x100000, s1;
	[bflag:$0x2] =	sbarrier.arrive $0xFFFF  }
0x69: {  	[sflag:s0] =	ssyncadd.tile.s32 @!p0 $0x1;
	_ =	shalt  }
.Lfunc_end2:
_tile_overlayer_lowered:
.L_overlay_start_2:
0x6a: {  	(tag) =	ssettag $0x2  }
0x6b: {  	s0 =	rddreg [dreg:$0x0];
	s2 =	stileid.u32  }
0x6c: {  	s1 =	rddreg [dreg:$0x1];
	p0 =	sne.s32 s2, $0x0  }
0x6d: {  	s3 =	rddreg [dreg:$0x2];
	[bflag:$0x3] =	sbarrier.arrive $0xFFFF;
	s2 =	simm.s32 @!p0 $0x1C01  }
0x6e: {  	[timem:s3], [sflag:s2] =	dma.local @!p0 [hbm:s0], s1  }
0x6f: {  	s0 =	simm.s32 @!p0 $0x1  }
0x70: {  	_ =	swait.ge @!p0 [sflag:s0], s1  }
0x71: {  	s1 =	ssub.s32 @!p0 $0x0, s1;
	[sflag:s0] =	ssyncset.done @!p0 $0x0  }
0x72: {  	[sflag:s0] =	ssyncadd.s32 @!p0 s1  }
0x73: {  	[bflag:$0x3] =	sbarrier.arrive $0xFFFF  }
0x74: {  	_ =	shalt  }

// kernel: kernel.14.cloned.1.call-start
scs
__scs_entry_jumppad:
0x0: {  	(pc) =	sbr.rel $0x88, $3  }
0x1: {  	(tag) =	ssettag $0x0;
	lr =	simm.s32 $0x1  }
0x2: {  	[smem:$0x3F90] =	sst lr;
	_ =	strace $0xD0000000  }
0x3: {  	_ = 	snop  }
0x4: {  	_ = 	snop  }
0x5: {  	_ = 	snop  }
0x6: {  	_ = 	snop  }
0x7: {  	_ = 	snop  }
__scs_overlays_trampoline_lowered:
0x8: {  	[smem:$0x3F9F] =	sst s0  }
0x9: {  	[smem:$0x3FA0] =	sst s1  }
0xa: {  	[smem:$0x3FA1] =	sst s2  }
0xb: {  	[smem:$0x3FA2] =	sst s3  }
0xc: {  	[smem:$0x3FA3] =	sst s4  }
0xd: {  	[smem:$0x3FA4] =	sst s5  }
0xe: {  	[smem:$0x3FA5] =	sst s6  }
0xf: {  	[smem:$0x3FA6] =	sst s7  }
0x10: {  	[smem:$0x3FA7] =	sst s8  }
0x11: {  	[smem:$0x3FA8] =	sst s9;
	s0 =	simm.s32 @!p0 $0x0  }
0x12: {  	s1 =	sld [smem:$0x3F8E];
	s0 =	simm.s32 @p0 $0x1  }
0x13: {  	[smem:$0x3FA9] =	sst s0;
	s0 =	simm.s32 @!p1 $0x0  }
0x14: {  	s2 =	sld [smem:$0x3F8D];
	s0 =	simm.s32 @p1 $0x1  }
0x15: {  	[smem:$0x3FAA] =	sst s0;
	s0 =	simm.s32 @!p2 $0x0  }
0x16: {  	s3 =	sld [smem:$0x3FDB];
	s0 =	simm.s32 @p2 $0x1  }
0x17: {  	s4 =	simm.s32 $0x1BF5;
	[smem:$0x3FAC] =	sst s0  }
0x18: {  	s0 =	sld [smem:$0x3F8F];
	_ =	swait.ge [sflag:s4], $0x0  }
0x19: {  	s7 =	sld [smem:$0x3F90]  }
0x1a: {  	s8 =	sadd.s32 $0xFFFFE003, lr  }
0x1b: {  	s9 =	sadd.s32 $0xFFFFFEF7, lr;
	s5 =	simm.s32 $0xFFFFFFFF;
	p2 =	slt.u32 s8, $0xFFFFF086  }
0x1c: {  	p1 =	slt.u32 s9, $0xF7A;
	s5 =	simm.s32 @!p2 $0x0  }
0x1d: {  	s5 =	simm.s32 @p1 $0x1;
	p0 =	seq.s32 s7, s2  }
0x1e: {  	s7 =	smul.u32 @!p0 $0xF7A, s2;
	p2 =	seq.s32 @!p0 s5, $0x0  }
0x1f: {  	s9 =	smul.u32 $0xF7A, s1;
	s8 =	simm.s32 @!p0 $0x1BF5;
	p2 =	por !p2, p0  }
0x20: {  	[sflag:s8] =	ssyncset.s32 @!p0 $0xFFFFF086;
	s6 =	sadd.s32 @!p0 s3, s7;
	s7 =	simm.s32 @!p0 $0x108  }
0x21: {  	s3 =	sadd.s32 s3, s9;
	s6 =	sadd.s32 @!p0 $0x88, s6;
	s7 =	simm.s32 @p2 $0x1082  }
0x22: {  	[simem:s7], [sflag:s8] =	dma.local @!p0 [hbm:s6], $0xF7A  }
0x23: {  	s9 =	sor.u32 $0xD0000000, s2;
	s6 =	simm.s32 $0x108;
	_ =	swait.ge @!p0 [sflag:s8], $0x0  }
0x24: {  	s3 =	sadd.s32 $0x88, s3;
	s6 =	simm.s32 @!p1 $0x1082;
	[sflag:s4] =	ssyncset.s32 $0xFFFFF086  }
0x25: {  	[simem:s6], [sflag:s4] =	dma.local [hbm:s3], $0xF7A  }
0x26: {  	[smem:$0x3F90] =	sst s1;
	(tag) =	ssettag s2;
	_ =	strace s9  }
0x27: {  	s1 =	sld [smem:$0x3FA0]  }
0x28: {  	s2 =	sld [smem:$0x3FA1]  }
0x29: {  	s4 =	sld [smem:$0x3FA3]  }
0x2a: {  	p0 =	seq.s32 s5, $0x0;
	s5 =	sld [smem:$0x3FA4]  }
0x2b: {  	s6 =	sld [smem:$0x3FA5]  }
0x2c: {  	s7 =	sld [smem:$0x3FA6]  }
0x2d: {  	s3 =	simm.s32 $0x108;
	s8 =	sld [smem:$0x3FA7]  }
0x2e: {  	s3 =	simm.s32 @!p0 $0x1082;
	s9 =	sld [smem:$0x3FA8]  }
0x2f: {  	lr =	sadd.s32 s0, s3;
	s0 =	sld [smem:$0x3F9F]  }
0x30: {  	s3 =	sld [smem:$0x3FA2]  }
0x31: {  	[smem:$0x3FAB] =	sst s10  }
0x32: {  	s10 =	sld [smem:$0x3FA9];
	_ =	sdelay $0x3  }
0x33: {  	p0 =	seq.s32 s10, $0x1;
	s10 =	sld [smem:$0x3FAB];
	_ =	sdelay $0x3  }
0x34: {  	[smem:$0x3FAB] =	sst s10  }
0x35: {  	s10 =	sld [smem:$0x3FAA];
	_ =	sdelay $0x3  }
0x36: {  	p1 =	seq.s32 s10, $0x1;
	s10 =	sld [smem:$0x3FAB];
	_ =	sdelay $0x3  }
0x37: {  	[smem:$0x3FAB] =	sst s10  }
0x38: {  	s10 =	sld [smem:$0x3FAC]  }
0x39: {  	_ = 	snop;
	(pc) =	sbr.ind lr, $3  }
0x3a: {  	_ = 	snop  }
0x3b: {  	_ = 	snop  }
0x3c: {  	p2 =	seq.s32 s10, $0x1;
	s10 =	sld [smem:$0x3FAB]  }
0x3d: {  	_ =	shalt  }
0x3e: {  	_ =	shalt  }
0x3f: {  	_ =	shalt  }
0x40: {  	_ =	shalt  }
0x41: {  	_ =	shalt  }
0x42: {  	_ =	shalt  }
0x43: {  	_ =	shalt  }
0x44: {  	_ =	shalt  }
0x45: {  	_ =	shalt  }
0x46: {  	_ =	shalt  }
0x47: {  	_ =	shalt  }
0x48: {  	_ =	shalt  }
0x49: {  	_ =	shalt  }
0x4a: {  	_ =	shalt  }
0x4b: {  	_ =	shalt  }
0x4c: {  	_ =	shalt  }
0x4d: {  	_ =	shalt  }
0x4e: {  	_ =	shalt  }
0x4f: {  	_ =	shalt  }
0x50: {  	_ =	shalt  }
0x51: {  	_ =	shalt  }
0x52: {  	_ =	shalt  }
0x53: {  	_ =	shalt  }
0x54: {  	_ =	shalt  }
0x55: {  	_ =	shalt  }
0x56: {  	_ =	shalt  }
0x57: {  	_ =	shalt  }
0x58: {  	_ =	shalt  }
0x59: {  	_ =	shalt  }
0x5a: {  	_ =	shalt  }
0x5b: {  	_ =	shalt  }
0x5c: {  	_ =	shalt  }
0x5d: {  	_ =	shalt  }
0x5e: {  	_ =	shalt  }
0x5f: {  	_ =	shalt  }
0x60: {  	_ =	shalt  }
0x61: {  	_ =	shalt  }
0x62: {  	_ =	shalt  }
0x63: {  	_ =	shalt  }
0x64: {  	_ =	shalt  }
0x65: {  	_ =	shalt  }
0x66: {  	_ =	shalt  }
0x67: {  	_ =	shalt  }
0x68: {  	_ =	shalt  }
0x69: {  	_ =	shalt  }
0x6a: {  	_ =	shalt  }
0x6b: {  	_ =	shalt  }
0x6c: {  	_ =	shalt  }
0x6d: {  	_ =	shalt  }
0x6e: {  	_ =	shalt  }
0x6f: {  	_ =	shalt  }
0x70: {  	_ =	shalt  }
0x71: {  	_ =	shalt  }
0x72: {  	_ =	shalt  }
0x73: {  	_ =	shalt  }
0x74: {  	_ =	shalt  }
0x75: {  	_ =	shalt  }
0x76: {  	_ =	shalt  }
0x77: {  	_ =	shalt  }
0x78: {  	_ =	shalt  }
0x79: {  	_ =	shalt  }
0x7a: {  	_ =	shalt  }
0x7b: {  	_ =	shalt  }
0x7c: {  	_ =	shalt  }
0x7d: {  	_ =	shalt  }
0x7e: {  	_ =	shalt  }
0x7f: {  	_ =	shalt  }
0x80: {  	_ =	shalt  }
0x81: {  	_ =	shalt  }
0x82: {  	_ =	shalt  }
0x83: {  	_ =	shalt  }
0x84: {  	_ =	shalt  }
0x85: {  	_ =	shalt  }
0x86: {  	_ =	shalt  }
0x87: {  	_ =	shalt  }
.Lfunc_end0:
.L_simem_size_0:
called_computation.1_lowered:
.L_overlay_start_0:
0x88: {  	s2 =	sld [smem:$0x3FD9]  }
0x89: {  	s3 =	sld [smem:$0x3FFE];
	_ =	sdelay $0x1  }
0x8a: {  	s1 =	srdreg.scid  }
0x8b: {  	s0 =	sand.u32 $0x1, s1  }
0x8c: {  	s16 =	sshll.u32 s0, $0xA;
	s2 =	sadd.s32 s3, s2  }
0x8d: {  	s2 =	sadd.s32 s2, s16  }
0x8e: {  	[smem:$0x3FB7] =	sst s2  }
0x8f: {  	_ = 	snop  }
0x90: {  	(tm) =	ssettm $0x1  }
0x91: {  	s17 =	sld [smem:$0x3FFB];
	_ =	sdelay $0x3  }
0x92: {  	_ =	strace s17  }
0x93: {  	s2 =	sld [smem:$0x3FFC];
	_ =	sdelay $0x3  }
0x94: {  	_ =	strace s2  }
0x95: {  	s2 =	sld [smem:$0x3FFD];
	_ =	sdelay $0x3  }
0x96: {  	_ =	strace s2  }
0x97: {  	_ =	strace $0x8FFFFFFF  }
0x98: {  	s18 =	sld [smem:$0x3FDB];
	_ =	sdelay $0x1  }
0x99: {  	s19 =	simm.s32 $_scs_section_size  }
0x9a: {  	s4 =	simm.s32 $_size__tile_overlayer_lowered;
	s5 =	simm.s32 $_tile_overlayer_lowered  }
0x9b: {  	s22 =	simm.s32 $0x1BFF;
	s21 =	sshll.u32 s5, $0x1;
	s2 =	sadd.s32 s19, s18  }
0x9c: {  	s6 =	simm.s32 $0x0;
	s20 =	sshll.u32 s4, $0x1;
	s4 =	sadd.s32 s21, s2  }
0x9d: {  	[timem:s6], [sflag:s22] =	dma.local [hbm:s4], s20  }
0x9e: {  	_ =	swait.ge [sflag:s22], s20  }
0x9f: {  	s3 =	ssub.s32 $0x0, s20;
	[sflag:s22] =	ssyncset.done $0x0  }
0xa0: {  	[sflag:s22] =	ssyncadd.s32 s3;
	_ =	sdelay $0x1  }
0xa1: {  	s23 =	simm.s32 $0x1B8B  }
0xa2: {  	_ =	swait.ge [sflag:s23], $0x1  }
0xa3: {  	[sflag:s23] =	ssyncset.done $0x0  }
0xa4: {  	s25 =	simm.s32 $0x1B8E;
	s24 =	sld [smem:$0x3FFE];
	[sflag:s23] =	ssyncadd.s32 $0xFFFFFFFF  }
0xa5: {  	s26 =	simm.s32 $execute0_lowered;
	[smem:$0x3FD2] =	sst s25  }
0xa6: {  	s4 =	sshll.u32 s26, $0x1;
	_ =	strace $0x80000049;
	[dreg:$0x1] =	wrdreg $0xFFFFFFFF  }
0xa7: {  	s28 =	simm.s32 $_size_execute0_lowered;
	s2 =	sadd.s32 s2, s4;
	[dreg:$0x0] =	wrdreg $0x0  }
0xa8: {  	s4 =	sshll.u32 s28, $0x1;
	[dreg:$0x2] =	wrdreg s2  }
0xa9: {  	[dreg:$0x3] =	wrdreg s4  }
0xaa: {  	[dreg:$0x4] =	wrdreg $0xC0  }
0xab: {  	_ =	task [dreg:s6], $0x5FFFF  }
0xac: {  	[dreg:$0x1] =	wrdreg $0xFFFFFFFF  }
0xad: {  	[dreg:$0x0] =	wrdreg $0x60  }
0xae: {  	[dreg:$0x2] =	wrdreg s24  }
0xaf: {  	[dreg:$0x3] =	wrdreg $0x70000  }
0xb0: {  	[dreg:$0x4] =	wrdreg $0x9  }
0xb1: {  	_ =	task.clear_ibuf [dreg:s6], $0x5FFFF;
	_ =	strace $0x90000049  }
0xb2: {  	s29 =	simm.s32 $0x9;
	_ =	strace $0x8000004B  }
0xb3: {  	_ =	swait.ge [sflag:s29], $0x1  }
0xb4: {  	[sflag:s29] =	ssyncadd.s32 $0xFFFFFFFF  }
0xb5: {  	_ =	strace $0x9000004B  }
0xb6: {  	_ =	sfence  }
0xb7: {  	s30 =	sld [smem:$0x0];
	_ =	sdelay $0x2  }
0xb8: {  	s31 =	sshll.u32 s1, $0xD;
	s1 =	sshrl.u32 s1, $0x2  }
0xb9: {  	s3 =	sand.u32 $0x4000, s31;
	s1 =	sadd.s32 s1, s30  }
0xba: {  	s0 =	sor.u32 s3, s0;
	s1 =	sshll.u32 s1, $0x11  }
0xbb: {  	s0 =	sor.u32 s1, s0  }
0xbc: {  	s0 =	sadd.s32 $0x8F2B, s0  }
0xbd: {  	[sflag:s0] =	ssyncadd.remote.s32 $0x1  }
0xbe: {  	_ =	sfence.sel $0xFFFF  }
0xbf: {  	[dreg:$0x0] =	wrdreg $0xFFFFFFFF;
	(pc) =	sbr.abs _section_cstart, $3  }
0xc0: {  	[dreg:$0x1] =	wrdreg $0xFFFFFFFF  }
0xc1: {  	_ =	task.clear_ibuf [dreg:s6], $0x2FFFF;
	_ =	strace $0x9FFFFFFF  }
0xc2: {  	(tm) =	ssettm $0x7FFFFFFF  }
0xc3: {  	_ =	shalt  }
tec
execute0_lowered:
.L_overlay_start_1:
0x0: {  	(tag) =	ssettag $0x1  }
0x1: {  	s8 =	rddreg [dreg:$0x0]  }
0x2: {  	s1 =	rddreg [dreg:$0x1]  }
0x3: {  	s0 =	rddreg [dreg:$0x2];
	s3 =	simm.s32 $0x0;
	s2 =	srdreg.scid  }
0x4: {  	s14 =	simm.s32 $0x1000;
	s15 =	simm.s32 $0x50;
	s16 =	simm.s32 $0x2000  }
0x5: {  	s17 =	simm.s32 $0x80;
	s18 =	simm.s32 $0x4800;
	s19 =	simm.s32 $0x1  }
0x6: {  	s20 =	simm.s32 $0x2;
	s21 =	simm.s32 $0x3;
	s22 =	simm.s32 $0x4  }
0x7: {  	s23 =	simm.s32 $0x1C00;
	s24 =	simm.s32 $0x1C80;
	[smem:$0x7FF] =	sst s3  }
0x8: {  	s9 =	sand.u32 $0x1, s2;
	s2 =	stileid.u32;
	s4 =	sadd.s32 $0x55A00, s8  }
0x9: {  	s5 =	sadd.s32 $0x1A800, s8;
	s6 =	sadd.s32 $0x5E00, s8;
	s10 =	smul.u32 $0x140000, s9  }
0xa: {  	s7 =	sadd.s32 $0x7CC00, s8;
	_ =	strace $0x8000004A;
	s11 =	smul.u32 $0x14000, s2  }
0xb: {  	s28 =	ssub.s32 $0x2, s9;
	s13 =	smul.u32 $0x50000, s2;
	s29 =	sshll.u32 s9, $0x4  }
0xc: {  	s31 =	sshll.u32 s2, $0x6;
	s12 =	sshrl.u32 s28, $0x1;
	s9 =	sor.u32 s2, s29  }
0xd: {  	s10 =	sadd.s32 s11, s10;
	s11 =	ssub.s32 s28, s12;
	s30 =	sshrl.u32 s13, $0x2  }
0xe: {  	s9 =	smul.u32 $0x5000, s9;
	s10 =	sshrl.u32 s10, $0x3;
	s13 =	sadd.s32 s30, s1  }
0xf: {  	s11 =	smax.u32 s11, $0x1;
	s10 =	sadd.s32 s10, s8;
	s8 =	sor.u32 $0x1C05, s31  }
0x10: {  	s12 =	sshrl.u32 s13, $0x3;
	s13 =	simm.s32 $0x5;
	s10 =	sadd.s32 $0x7F400, s10  }
.LBB2_1:
0x11: {  	[spmem:s12], [sflag:s8] =	dma.local [hbm:s7], $0x2800  }
0x12: {  	_ =	swait.ge [sflag:s13], $0x2800  }
0x13: {  	[sflag:s13] =	ssyncset.done $0x0  }
0x14: {  	[sflag:s13] =	ssyncadd.s32 $0xFFFFD800  }
0x15: {  	s25 =	simm.s32 $0x0;
	[bflag:$0x0] =	sbarrier.arrive $0xFFFF  }
.LBB2_2:
0x16: {  	s26 =	sshll.u32 s25, $0xC  }
0x17: {  	s26 =	sadd.s32 s9, s26  }
0x18: {  	s26 =	sshrl.u32 s26, $0x3  }
0x19: {  	s29 =	simm.s32 $0x0;
	s28 =	sadd.s32 s5, s26  }
0x1a: {  	[tilespmem:s29], [sflag:$0x5] =	stream.linear.gather [hbm4b:s28+s29], $0xD00, $0x38;
	[tilespmem:$0x1B000] =	vst v63  }
0x1b: {  	_ =	swait.ge [sflag:s13], $0xD00  }
0x1c: {  	[sflag:s13] =	ssyncset.done $0x0  }
0x1d: {  	s26 =	sadd.s32 s6, s26;
	[sflag:s13] =	ssyncadd.s32 $0xFFFFF300  }
0x1e: {  	[tilespmem:s14], [sflag:$0x5] =	stream.linear.gather [hbm4b:s26+s29], $0xD00, $0x38;
	[tilespmem:$0x1B000] =	vst v63  }
0x1f: {  	_ =	swait.ge [sflag:s13], $0xD00  }
0x20: {  	[sflag:s13] =	ssyncset.done $0x0  }
0x21: {  	[sflag:s13] =	ssyncadd.s32 $0xFFFFF300  }
0x22: {  	[tilespmem:s16], [sflag:$0x1] =	stream.indirect.gather [hbm4b:s4+s15], $0x80, s29, s15, $0xb8;
	[tilespmem:$0x1B000] =	vst v63  }
0x23: {  	_ = 	snop  }
0x24: {  	[tilespmem:s18], [sflag:$0x2] =	stream.indirect.gather [hbm4b:s4+s15], $0x80, s17, s15, $0xb8;
	[tilespmem:$0x1B000] =	vst v63  }
0x25: {  	_ =	swait.ge [sflag:s19], $0x2800  }
0x26: {  	[sflag:s19] =	ssyncset.done $0x0  }
0x27: {  	s29 =	simm.s32 $0x1000;
	[sflag:s19] =	ssyncadd.s32 $0xFFFFD800  }
0x28: {  	[spmem:s1] =	stream.indirect.scatter.add.f32 [tilespmem:s16], [sflag:$0x3], $0x80, s29, s15, $0xb8;
	[tilespmem:$0x1B000] =	vst v63  }
0x29: {  	_ =	swait.ge [sflag:s20], $0x2800  }
0x2a: {  	[sflag:s20] =	ssyncset.done $0x0  }
0x2b: {  	s30 =	simm.s32 $0x1080;
	[sflag:s20] =	ssyncadd.s32 $0xFFFFD800  }
0x2c: {  	[spmem:s1] =	stream.indirect.scatter.add.f32 [tilespmem:s18], [sflag:$0x4], $0x80, s30, s15, $0xb8;
	[tilespmem:$0x1B000] =	vst v63  }
0x2d: {  	_ =	swait.ge [sflag:s21], $0x2800  }
0x2e: {  	[sflag:s21] =	ssyncset.done $0x0  }
0x2f: {  	s31 =	simm.s32 $0x100;
	[sflag:s21] =	ssyncadd.s32 $0xFFFFD800  }
0x30: {  	[tilespmem:s16], [sflag:$0x1] =	stream.indirect.gather [hbm4b:s4+s15], $0x80, s31, s15, $0xb8;
	[tilespmem:$0x1B000] =	vst v63  }
0x31: {  	_ =	swait.ge [sflag:s22], $0x2800  }
0x32: {  	[sflag:s22] =	ssyncset.done $0x0  }
0x33: {  	s28 =	simm.s32 $0x180;
	s26 =	simm.s32 $0x400;
	[sflag:s22] =	ssyncadd.s32 $0xFFFFD800  }
.LBB2_3:
0x34: {  	[tilespmem:s18], [sflag:$0x2] =	stream.indirect.gather [hbm4b:s4+s15], $0x80, s28, s15, $0xb8;
	[tilespmem:$0x1B000] =	vst v63  }
0x35: {  	s28 =	smov.u32 s26  }
0x36: {  	p0 =	sne.s32 s26, $0x2C00;
	s26 =	sadd.s32 $0x400, s26;
	_ =	swait.ge [sflag:s19], $0x2800  }
0x37: {  	s28 =	sshra.s32 s28, $0x2;
	[sflag:s19] =	ssyncset.done $0x0  }
0x38: {  	s29 =	sadd.s32 $0x1000, s28;
	[sflag:s19] =	ssyncadd.s32 $0xFFFFD800  }
0x39: {  	[spmem:s1] =	stream.indirect.scatter.add.f32 [tilespmem:s16], [sflag:$0x3], $0x80, s29, s15, $0xb8;
	[tilespmem:$0x1B000] =	vst v63  }
0x3a: {  	_ =	swait.ge [sflag:s20], $0x2800  }
0x3b: {  	[sflag:s20] =	ssyncset.done $0x0  }
0x3c: {  	s29 =	sadd.s32 $0x1080, s28;
	[sflag:s20] =	ssyncadd.s32 $0xFFFFD800  }
0x3d: {  	[spmem:s1] =	stream.indirect.scatter.add.f32 [tilespmem:s18], [sflag:$0x4], $0x80, s29, s15, $0xb8;
	[tilespmem:$0x1B000] =	vst v63  }
0x3e: {  	_ =	swait.ge [sflag:s21], $0x2800  }
0x3f: {  	[sflag:s21] =	ssyncset.done $0x0  }
.Ltmp0:
0x40: {  	s29 =	sadd.s32 $0x100, s28;
	[sflag:s21] =	ssyncadd.s32 $0xFFFFD800;
	(pc) =	sbr.rel @p0 .LBB2_3-.Ltmp0, $4  }
0x41: {  	[tilespmem:s16], [sflag:$0x1] =	stream.indirect.gather [hbm4b:s4+s15], $0x80, s29, s15, $0xb8;
	[tilespmem:$0x1B000] =	vst v63  }
0x42: {  	_ =	swait.ge [sflag:s22], $0x2800  }
0x43: {  	[sflag:s22] =	ssyncset.done $0x0  }
0x44: {  	s28 =	sadd.s32 $0x180, s28;
	[sflag:s22] =	ssyncadd.s32 $0xFFFFD800  }
0x45: {  	[tilespmem:s18], [sflag:$0x2] =	stream.indirect.gather [hbm4b:s4+s15], $0x80, s28, s15, $0xb8;
	[tilespmem:$0x1B000] =	vst v63  }
0x46: {  	_ =	swait.ge [sflag:s19], $0x2800  }
0x47: {  	[sflag:s19] =	ssyncset.done $0x0  }
0x48: {  	[sflag:s19] =	ssyncadd.s32 $0xFFFFD800  }
0x49: {  	[spmem:s1] =	stream.indirect.scatter.add.f32 [tilespmem:s16], [sflag:$0x3], $0x80, s23, s15, $0xb8;
	[tilespmem:$0x1B000] =	vst v63  }
0x4a: {  	_ =	swait.ge [sflag:s20], $0x2800  }
0x4b: {  	[sflag:s20] =	ssyncset.done $0x0  }
0x4c: {  	s25 =	sadd.s32 $0x1, s25;
	[sflag:s20] =	ssyncadd.s32 $0xFFFFD800  }
0x4d: {  	[spmem:s1] =	stream.indirect.scatter.add.f32 [tilespmem:s18], [sflag:$0x4], $0x80, s24, s15, $0xb8;
	[tilespmem:$0x1B000] =	vst v63  }
0x4e: {  	p0 =	sne.s32 s25, $0x5;
	_ =	swait.ge [sflag:s21], $0x2800  }
.Ltmp1:
0x4f: {  	[sflag:s21] =	ssyncset.done $0x0;
	(pc) =	sbr.rel @p0 .LBB2_2-.Ltmp1, $4  }
0x50: {  	[sflag:s21] =	ssyncadd.s32 $0xFFFFD800  }
0x51: {  	_ =	swait.ge [sflag:s22], $0x2800  }
0x52: {  	[sflag:s22] =	ssyncset.done $0x0  }
0x53: {  	[sflag:s22] =	ssyncadd.s32 $0xFFFFD800  }
0x54: {  	s3 =	sadd.s32 $0x1, s3  }
0x55: {  	p0 =	sne.s32 s3, s11  }
.Ltmp2:
0x56: {  	[bflag:$0x0] =	sbarrier.arrive $0xFFFF;
	(pc) =	sbr.rel @p0 .LBB2_1-.Ltmp2, $4  }
0x57: {  	[hbm:s10], [sflag:s8] =	dma.local [spmem:s12], $0x2800  }
0x58: {  	_ =	swait.ge [sflag:s13], $0x2800  }
0x59: {  	[sflag:s13] =	ssyncset.done $0x0  }
0x5a: {  	[sflag:s13] =	ssyncadd.s32 $0xFFFFD800  }
0x5b: {  	_ =	sfence.sel $0x180000  }
0x5c: {  	[bflag:$0x0] =	sbarrier.arrive $0xFFFF  }
0x5d: {  	p0 =	sne.s32 s2, $0x0;
	_ =	strace $0x9000004A  }
0x5e: {  	s0 =	sadd.s32 @!p0 $0x100000, s0;
	[bflag:$0x2] =	sbarrier.arrive $0xFFFF  }
0x5f: {  	[sflag:s0] =	ssyncadd.tile.s32 @!p0 $0x1;
	_ =	shalt  }
.Lfunc_end2:
_tile_overlayer_lowered:
.L_overlay_start_2:
0x60: {  	(tag) =	ssettag $0x2  }
0x61: {  	s0 =	rddreg [dreg:$0x0];
	s2 =	stileid.u32  }
0x62: {  	s1 =	rddreg [dreg:$0x1];
	p0 =	sne.s32 s2, $0x0  }
0x63: {  	s3 =	rddreg [dreg:$0x2];
	[bflag:$0x3] =	sbarrier.arrive $0xFFFF;
	s2 =	simm.s32 @!p0 $0x1C05  }
0x64: {  	[timem:s3], [sflag:s2] =	dma.local @!p0 [hbm:s0], s1  }
0x65: {  	s0 =	simm.s32 @!p0 $0x5  }
0x66: {  	_ =	swait.ge @!p0 [sflag:s0], s1  }
0x67: {  	s1 =	ssub.s32 @!p0 $0x0, s1;
	[sflag:s0] =	ssyncset.done @!p0 $0x0  }
0x68: {  	[sflag:s0] =	ssyncadd.s32 @!p0 s1  }
0x69: {  	[bflag:$0x3] =	sbarrier.arrive $0xFFFF  }
0x6a: {  	_ =	shalt  }

// kernel: kernel.17.cloned.1.call-start
scs
__scs_entry_jumppad:
0x0: {  	(pc) =	sbr.rel $0x88, $3  }
0x1: {  	(tag) =	ssettag $0x0;
	lr =	simm.s32 $0x1  }
0x2: {  	[smem:$0x3F90] =	sst lr;
	_ =	strace $0xD0000000  }
0x3: {  	_ = 	snop  }
0x4: {  	_ = 	snop  }
0x5: {  	_ = 	snop  }
0x6: {  	_ = 	snop  }
0x7: {  	_ = 	snop  }
__scs_overlays_trampoline_lowered:
0x8: {  	[smem:$0x3F9F] =	sst s0  }
0x9: {  	[smem:$0x3FA0] =	sst s1  }
0xa: {  	[smem:$0x3FA1] =	sst s2  }
0xb: {  	[smem:$0x3FA2] =	sst s3  }
0xc: {  	[smem:$0x3FA3] =	sst s4  }
0xd: {  	[smem:$0x3FA4] =	sst s5  }
0xe: {  	[smem:$0x3FA5] =	sst s6  }
0xf: {  	[smem:$0x3FA6] =	sst s7  }
0x10: {  	[smem:$0x3FA7] =	sst s8  }
0x11: {  	[smem:$0x3FA8] =	sst s9;
	s0 =	simm.s32 @!p0 $0x0  }
0x12: {  	s1 =	sld [smem:$0x3F8E];
	s0 =	simm.s32 @p0 $0x1  }
0x13: {  	[smem:$0x3FA9] =	sst s0;
	s0 =	simm.s32 @!p1 $0x0  }
0x14: {  	s2 =	sld [smem:$0x3F8D];
	s0 =	simm.s32 @p1 $0x1  }
0x15: {  	[smem:$0x3FAA] =	sst s0;
	s0 =	simm.s32 @!p2 $0x0  }
0x16: {  	s3 =	sld [smem:$0x3FDB];
	s0 =	simm.s32 @p2 $0x1  }
0x17: {  	s4 =	simm.s32 $0x1BF5;
	[smem:$0x3FAC] =	sst s0  }
0x18: {  	s0 =	sld [smem:$0x3F8F];
	_ =	swait.ge [sflag:s4], $0x0  }
0x19: {  	s7 =	sld [smem:$0x3F90]  }
0x1a: {  	s8 =	sadd.s32 $0xFFFFE003, lr  }
0x1b: {  	s9 =	sadd.s32 $0xFFFFFEF7, lr;
	s5 =	simm.s32 $0xFFFFFFFF;
	p2 =	slt.u32 s8, $0xFFFFF086  }
0x1c: {  	p1 =	slt.u32 s9, $0xF7A;
	s5 =	simm.s32 @!p2 $0x0  }
0x1d: {  	s5 =	simm.s32 @p1 $0x1;
	p0 =	seq.s32 s7, s2  }
0x1e: {  	s7 =	smul.u32 @!p0 $0xF7A, s2;
	p2 =	seq.s32 @!p0 s5, $0x0  }
0x1f: {  	s9 =	smul.u32 $0xF7A, s1;
	s8 =	simm.s32 @!p0 $0x1BF5;
	p2 =	por !p2, p0  }
0x20: {  	[sflag:s8] =	ssyncset.s32 @!p0 $0xFFFFF086;
	s6 =	sadd.s32 @!p0 s3, s7;
	s7 =	simm.s32 @!p0 $0x108  }
0x21: {  	s3 =	sadd.s32 s3, s9;
	s6 =	sadd.s32 @!p0 $0x88, s6;
	s7 =	simm.s32 @p2 $0x1082  }
0x22: {  	[simem:s7], [sflag:s8] =	dma.local @!p0 [hbm:s6], $0xF7A  }
0x23: {  	s9 =	sor.u32 $0xD0000000, s2;
	s6 =	simm.s32 $0x108;
	_ =	swait.ge @!p0 [sflag:s8], $0x0  }
0x24: {  	s3 =	sadd.s32 $0x88, s3;
	s6 =	simm.s32 @!p1 $0x1082;
	[sflag:s4] =	ssyncset.s32 $0xFFFFF086  }
0x25: {  	[simem:s6], [sflag:s4] =	dma.local [hbm:s3], $0xF7A  }
0x26: {  	[smem:$0x3F90] =	sst s1;
	(tag) =	ssettag s2;
	_ =	strace s9  }
0x27: {  	s1 =	sld [smem:$0x3FA0]  }
0x28: {  	s2 =	sld [smem:$0x3FA1]  }
0x29: {  	s4 =	sld [smem:$0x3FA3]  }
0x2a: {  	p0 =	seq.s32 s5, $0x0;
	s5 =	sld [smem:$0x3FA4]  }
0x2b: {  	s6 =	sld [smem:$0x3FA5]  }
0x2c: {  	s7 =	sld [smem:$0x3FA6]  }
0x2d: {  	s3 =	simm.s32 $0x108;
	s8 =	sld [smem:$0x3FA7]  }
0x2e: {  	s3 =	simm.s32 @!p0 $0x1082;
	s9 =	sld [smem:$0x3FA8]  }
0x2f: {  	lr =	sadd.s32 s0, s3;
	s0 =	sld [smem:$0x3F9F]  }
0x30: {  	s3 =	sld [smem:$0x3FA2]  }
0x31: {  	[smem:$0x3FAB] =	sst s10  }
0x32: {  	s10 =	sld [smem:$0x3FA9];
	_ =	sdelay $0x3  }
0x33: {  	p0 =	seq.s32 s10, $0x1;
	s10 =	sld [smem:$0x3FAB];
	_ =	sdelay $0x3  }
0x34: {  	[smem:$0x3FAB] =	sst s10  }
0x35: {  	s10 =	sld [smem:$0x3FAA];
	_ =	sdelay $0x3  }
0x36: {  	p1 =	seq.s32 s10, $0x1;
	s10 =	sld [smem:$0x3FAB];
	_ =	sdelay $0x3  }
0x37: {  	[smem:$0x3FAB] =	sst s10  }
0x38: {  	s10 =	sld [smem:$0x3FAC]  }
0x39: {  	_ = 	snop;
	(pc) =	sbr.ind lr, $3  }
0x3a: {  	_ = 	snop  }
0x3b: {  	_ = 	snop  }
0x3c: {  	p2 =	seq.s32 s10, $0x1;
	s10 =	sld [smem:$0x3FAB]  }
0x3d: {  	_ =	shalt  }
0x3e: {  	_ =	shalt  }
0x3f: {  	_ =	shalt  }
0x40: {  	_ =	shalt  }
0x41: {  	_ =	shalt  }
0x42: {  	_ =	shalt  }
0x43: {  	_ =	shalt  }
0x44: {  	_ =	shalt  }
0x45: {  	_ =	shalt  }
0x46: {  	_ =	shalt  }
0x47: {  	_ =	shalt  }
0x48: {  	_ =	shalt  }
0x49: {  	_ =	shalt  }
0x4a: {  	_ =	shalt  }
0x4b: {  	_ =	shalt  }
0x4c: {  	_ =	shalt  }
0x4d: {  	_ =	shalt  }
0x4e: {  	_ =	shalt  }
0x4f: {  	_ =	shalt  }
0x50: {  	_ =	shalt  }
0x51: {  	_ =	shalt  }
0x52: {  	_ =	shalt  }
0x53: {  	_ =	shalt  }
0x54: {  	_ =	shalt  }
0x55: {  	_ =	shalt  }
0x56: {  	_ =	shalt  }
0x57: {  	_ =	shalt  }
0x58: {  	_ =	shalt  }
0x59: {  	_ =	shalt  }
0x5a: {  	_ =	shalt  }
0x5b: {  	_ =	shalt  }
0x5c: {  	_ =	shalt  }
0x5d: {  	_ =	shalt  }
0x5e: {  	_ =	shalt  }
0x5f: {  	_ =	shalt  }
0x60: {  	_ =	shalt  }
0x61: {  	_ =	shalt  }
0x62: {  	_ =	shalt  }
0x63: {  	_ =	shalt  }
0x64: {  	_ =	shalt  }
0x65: {  	_ =	shalt  }
0x66: {  	_ =	shalt  }
0x67: {  	_ =	shalt  }
0x68: {  	_ =	shalt  }
0x69: {  	_ =	shalt  }
0x6a: {  	_ =	shalt  }
0x6b: {  	_ =	shalt  }
0x6c: {  	_ =	shalt  }
0x6d: {  	_ =	shalt  }
0x6e: {  	_ =	shalt  }
0x6f: {  	_ =	shalt  }
0x70: {  	_ =	shalt  }
0x71: {  	_ =	shalt  }
0x72: {  	_ =	shalt  }
0x73: {  	_ =	shalt  }
0x74: {  	_ =	shalt  }
0x75: {  	_ =	shalt  }
0x76: {  	_ =	shalt  }
0x77: {  	_ =	shalt  }
0x78: {  	_ =	shalt  }
0x79: {  	_ =	shalt  }
0x7a: {  	_ =	shalt  }
0x7b: {  	_ =	shalt  }
0x7c: {  	_ =	shalt  }
0x7d: {  	_ =	shalt  }
0x7e: {  	_ =	shalt  }
0x7f: {  	_ =	shalt  }
0x80: {  	_ =	shalt  }
0x81: {  	_ =	shalt  }
0x82: {  	_ =	shalt  }
0x83: {  	_ =	shalt  }
0x84: {  	_ =	shalt  }
0x85: {  	_ =	shalt  }
0x86: {  	_ =	shalt  }
0x87: {  	_ =	shalt  }
.Lfunc_end0:
.L_simem_size_0:
called_computation.2_lowered:
.L_overlay_start_0:
0x88: {  	s2 =	sld [smem:$0x3FD9]  }
0x89: {  	s3 =	sld [smem:$0x3FFE];
	_ =	sdelay $0x1  }
0x8a: {  	s1 =	srdreg.scid  }
0x8b: {  	s0 =	sand.u32 $0x1, s1  }
0x8c: {  	s16 =	sshll.u32 s0, $0xA;
	s2 =	sadd.s32 s3, s2  }
0x8d: {  	s2 =	sadd.s32 s2, s16  }
0x8e: {  	[smem:$0x3FB7] =	sst s2  }
0x8f: {  	_ = 	snop  }
0x90: {  	(tm) =	ssettm $0x1  }
0x91: {  	s17 =	sld [smem:$0x3FFB];
	_ =	sdelay $0x3  }
0x92: {  	_ =	strace s17  }
0x93: {  	s2 =	sld [smem:$0x3FFC];
	_ =	sdelay $0x3  }
0x94: {  	_ =	strace s2  }
0x95: {  	s2 =	sld [smem:$0x3FFD];
	_ =	sdelay $0x3  }
0x96: {  	_ =	strace s2  }
0x97: {  	_ =	strace $0x8FFFFFFF  }
0x98: {  	s18 =	sld [smem:$0x3FDB];
	_ =	sdelay $0x1  }
0x99: {  	s19 =	simm.s32 $_scs_section_size  }
0x9a: {  	s4 =	simm.s32 $_size__tile_overlayer_lowered;
	s5 =	simm.s32 $_tile_overlayer_lowered  }
0x9b: {  	s22 =	simm.s32 $0x1BFF;
	s21 =	sshll.u32 s5, $0x1;
	s2 =	sadd.s32 s19, s18  }
0x9c: {  	s6 =	simm.s32 $0x0;
	s20 =	sshll.u32 s4, $0x1;
	s4 =	sadd.s32 s21, s2  }
0x9d: {  	[timem:s6], [sflag:s22] =	dma.local [hbm:s4], s20  }
0x9e: {  	_ =	swait.ge [sflag:s22], s20  }
0x9f: {  	s3 =	ssub.s32 $0x0, s20;
	[sflag:s22] =	ssyncset.done $0x0  }
0xa0: {  	[sflag:s22] =	ssyncadd.s32 s3;
	_ =	sdelay $0x1  }
0xa1: {  	s23 =	simm.s32 $0x1B8B  }
0xa2: {  	_ =	swait.ge [sflag:s23], $0x1  }
0xa3: {  	[sflag:s23] =	ssyncset.done $0x0  }
0xa4: {  	s25 =	simm.s32 $0x1B8E;
	s24 =	sld [smem:$0x3FFE];
	[sflag:s23] =	ssyncadd.s32 $0xFFFFFFFF  }
0xa5: {  	s26 =	simm.s32 $execute0_lowered;
	[smem:$0x3FD2] =	sst s25  }
0xa6: {  	s4 =	sshll.u32 s26, $0x1;
	_ =	strace $0x8000004C;
	[dreg:$0x1] =	wrdreg $0xFFFFFFFF  }
0xa7: {  	s28 =	simm.s32 $_size_execute0_lowered;
	s2 =	sadd.s32 s2, s4;
	[dreg:$0x0] =	wrdreg $0x0  }
0xa8: {  	s4 =	sshll.u32 s28, $0x1;
	[dreg:$0x2] =	wrdreg s2  }
0xa9: {  	[dreg:$0x3] =	wrdreg s4  }
0xaa: {  	[dreg:$0x4] =	wrdreg $0xC0  }
0xab: {  	_ =	task [dreg:s6], $0x5FFFF  }
0xac: {  	[dreg:$0x1] =	wrdreg $0xFFFFFFFF  }
0xad: {  	[dreg:$0x0] =	wrdreg $0x60  }
0xae: {  	[dreg:$0x2] =	wrdreg s24  }
0xaf: {  	[dreg:$0x3] =	wrdreg $0x70000  }
0xb0: {  	[dreg:$0x4] =	wrdreg $0x9  }
0xb1: {  	_ =	task.clear_ibuf [dreg:s6], $0x5FFFF;
	_ =	strace $0x9000004C  }
0xb2: {  	s29 =	simm.s32 $0x9;
	_ =	strace $0x8000004E  }
0xb3: {  	_ =	swait.ge [sflag:s29], $0x1  }
0xb4: {  	[sflag:s29] =	ssyncadd.s32 $0xFFFFFFFF  }
0xb5: {  	_ =	strace $0x9000004E  }
0xb6: {  	_ =	sfence  }
0xb7: {  	s30 =	sld [smem:$0x0];
	_ =	sdelay $0x2  }
0xb8: {  	s31 =	sshll.u32 s1, $0xD;
	s1 =	sshrl.u32 s1, $0x2  }
0xb9: {  	s3 =	sand.u32 $0x4000, s31;
	s1 =	sadd.s32 s1, s30  }
0xba: {  	s0 =	sor.u32 s3, s0;
	s1 =	sshll.u32 s1, $0x11  }
0xbb: {  	s0 =	sor.u32 s1, s0  }
0xbc: {  	s0 =	sadd.s32 $0x8F2B, s0  }
0xbd: {  	[sflag:s0] =	ssyncadd.remote.s32 $0x1  }
0xbe: {  	_ =	sfence.sel $0xFFFF  }
0xbf: {  	[dreg:$0x0] =	wrdreg $0xFFFFFFFF;
	(pc) =	sbr.abs _section_cstart, $3  }
0xc0: {  	[dreg:$0x1] =	wrdreg $0xFFFFFFFF  }
0xc1: {  	_ =	task.clear_ibuf [dreg:s6], $0x2FFFF;
	_ =	strace $0x9FFFFFFF  }
0xc2: {  	(tm) =	ssettm $0x7FFFFFFF  }
0xc3: {  	_ =	shalt  }
tec
execute0_lowered:
.L_overlay_start_1:
0x0: {  	(tag) =	ssettag $0x1  }
0x1: {  	s8 =	rddreg [dreg:$0x0]  }
0x2: {  	s1 =	rddreg [dreg:$0x1]  }
0x3: {  	s0 =	rddreg [dreg:$0x2];
	s3 =	simm.s32 $0x0;
	s2 =	srdreg.scid  }
0x4: {  	s14 =	simm.s32 $0x1000;
	s15 =	simm.s32 $0x50;
	s16 =	simm.s32 $0x2000  }
0x5: {  	s17 =	simm.s32 $0x80;
	s18 =	simm.s32 $0x4800;
	s19 =	simm.s32 $0x1  }
0x6: {  	s20 =	simm.s32 $0x2;
	s21 =	simm.s32 $0x3;
	s22 =	simm.s32 $0x4  }
0x7: {  	s23 =	simm.s32 $0x1C00;
	s24 =	simm.s32 $0x1C80;
	[smem:$0x7FF] =	sst s3  }
0x8: {  	s9 =	sand.u32 $0x1, s2;
	s2 =	stileid.u32;
	s4 =	sadd.s32 $0x55A00, s8  }
0x9: {  	s5 =	sadd.s32 $0x1A800, s8;
	s6 =	sadd.s32 $0x5E00, s8;
	s10 =	smul.u32 $0x140000, s9  }
0xa: {  	s7 =	sadd.s32 $0x7CC00, s8;
	_ =	strace $0x8000004D;
	s11 =	smul.u32 $0x14000, s2  }
0xb: {  	s28 =	ssub.s32 $0x2, s9;
	s13 =	smul.u32 $0x50000, s2;
	s29 =	sshll.u32 s9, $0x4  }
0xc: {  	s31 =	sshll.u32 s2, $0x6;
	s12 =	sshrl.u32 s28, $0x1;
	s9 =	sor.u32 s2, s29  }
0xd: {  	s10 =	sadd.s32 s11, s10;
	s11 =	ssub.s32 s28, s12;
	s30 =	sshrl.u32 s13, $0x2  }
0xe: {  	s9 =	smul.u32 $0x5000, s9;
	s10 =	sshrl.u32 s10, $0x3;
	s13 =	sadd.s32 s30, s1  }
0xf: {  	s11 =	smax.u32 s11, $0x1;
	s10 =	sadd.s32 s10, s8;
	s8 =	sor.u32 $0x1C05, s31  }
0x10: {  	s12 =	sshrl.u32 s13, $0x3;
	s13 =	simm.s32 $0x5;
	s10 =	sadd.s32 $0x7F400, s10  }
.LBB2_1:
0x11: {  	[spmem:s12], [sflag:s8] =	dma.local [hbm:s7], $0x2800  }
0x12: {  	_ =	swait.ge [sflag:s13], $0x2800  }
0x13: {  	[sflag:s13] =	ssyncset.done $0x0  }
0x14: {  	[sflag:s13] =	ssyncadd.s32 $0xFFFFD800  }
0x15: {  	s25 =	simm.s32 $0x0;
	[bflag:$0x0] =	sbarrier.arrive $0xFFFF  }
.LBB2_2:
0x16: {  	s26 =	sshll.u32 s25, $0xC  }
0x17: {  	s26 =	sadd.s32 s9, s26  }
0x18: {  	s26 =	sshrl.u32 s26, $0x3  }
0x19: {  	s29 =	simm.s32 $0x0;
	s28 =	sadd.s32 s5, s26  }
0x1a: {  	[tilespmem:s29], [sflag:$0x5] =	stream.linear.gather [hbm4b:s28+s29], $0xD00, $0x38;
	[tilespmem:$0x1B000] =	vst v63  }
0x1b: {  	_ =	swait.ge [sflag:s13], $0xD00  }
0x1c: {  	[sflag:s13] =	ssyncset.done $0x0  }
0x1d: {  	s26 =	sadd.s32 s6, s26;
	[sflag:s13] =	ssyncadd.s32 $0xFFFFF300  }
0x1e: {  	[tilespmem:s14], [sflag:$0x5] =	stream.linear.gather [hbm4b:s26+s29], $0xD00, $0x38;
	[tilespmem:$0x1B000] =	vst v63  }
0x1f: {  	_ =	swait.ge [sflag:s13], $0xD00  }
0x20: {  	[sflag:s13] =	ssyncset.done $0x0  }
0x21: {  	[sflag:s13] =	ssyncadd.s32 $0xFFFFF300  }
0x22: {  	[tilespmem:s16], [sflag:$0x1] =	stream.indirect.gather [hbm4b:s4+s15], $0x80, s29, s15, $0xb8;
	[tilespmem:$0x1B000] =	vst v63  }
0x23: {  	_ = 	snop  }
0x24: {  	[tilespmem:s18], [sflag:$0x2] =	stream.indirect.gather [hbm4b:s4+s15], $0x80, s17, s15, $0xb8;
	[tilespmem:$0x1B000] =	vst v63  }
0x25: {  	_ =	swait.ge [sflag:s19], $0x2800  }
0x26: {  	[sflag:s19] =	ssyncset.done $0x0  }
0x27: {  	s29 =	simm.s32 $0x1000;
	[sflag:s19] =	ssyncadd.s32 $0xFFFFD800  }
0x28: {  	[spmem:s1] =	stream.indirect.scatter.add.f32 [tilespmem:s16], [sflag:$0x3], $0x80, s29, s15, $0xb8;
	[tilespmem:$0x1B000] =	vst v63  }
0x29: {  	_ =	swait.ge [sflag:s20], $0x2800  }
0x2a: {  	[sflag:s20] =	ssyncset.done $0x0  }
0x2b: {  	s30 =	simm.s32 $0x1080;
	[sflag:s20] =	ssyncadd.s32 $0xFFFFD800  }
0x2c: {  	[spmem:s1] =	stream.indirect.scatter.add.f32 [tilespmem:s18], [sflag:$0x4], $0x80, s30, s15, $0xb8;
	[tilespmem:$0x1B000] =	vst v63  }
0x2d: {  	_ =	swait.ge [sflag:s21], $0x2800  }
0x2e: {  	[sflag:s21] =	ssyncset.done $0x0  }
0x2f: {  	s31 =	simm.s32 $0x100;
	[sflag:s21] =	ssyncadd.s32 $0xFFFFD800  }
0x30: {  	[tilespmem:s16], [sflag:$0x1] =	stream.indirect.gather [hbm4b:s4+s15], $0x80, s31, s15, $0xb8;
	[tilespmem:$0x1B000] =	vst v63  }
0x31: {  	_ =	swait.ge [sflag:s22], $0x2800  }
0x32: {  	[sflag:s22] =	ssyncset.done $0x0  }
0x33: {  	s28 =	simm.s32 $0x180;
	s26 =	simm.s32 $0x400;
	[sflag:s22] =	ssyncadd.s32 $0xFFFFD800  }
.LBB2_3:
0x34: {  	[tilespmem:s18], [sflag:$0x2] =	stream.indirect.gather [hbm4b:s4+s15], $0x80, s28, s15, $0xb8;
	[tilespmem:$0x1B000] =	vst v63  }
0x35: {  	s28 =	smov.u32 s26  }
0x36: {  	p0 =	sne.s32 s26, $0x2C00;
	s26 =	sadd.s32 $0x400, s26;
	_ =	swait.ge [sflag:s19], $0x2800  }
0x37: {  	s28 =	sshra.s32 s28, $0x2;
	[sflag:s19] =	ssyncset.done $0x0  }
0x38: {  	s29 =	sadd.s32 $0x1000, s28;
	[sflag:s19] =	ssyncadd.s32 $0xFFFFD800  }
0x39: {  	[spmem:s1] =	stream.indirect.scatter.add.f32 [tilespmem:s16], [sflag:$0x3], $0x80, s29, s15, $0xb8;
	[tilespmem:$0x1B000] =	vst v63  }
0x3a: {  	_ =	swait.ge [sflag:s20], $0x2800  }
0x3b: {  	[sflag:s20] =	ssyncset.done $0x0  }
0x3c: {  	s29 =	sadd.s32 $0x1080, s28;
	[sflag:s20] =	ssyncadd.s32 $0xFFFFD800  }
0x3d: {  	[spmem:s1] =	stream.indirect.scatter.add.f32 [tilespmem:s18], [sflag:$0x4], $0x80, s29, s15, $0xb8;
	[tilespmem:$0x1B000] =	vst v63  }
0x3e: {  	_ =	swait.ge [sflag:s21], $0x2800  }
0x3f: {  	[sflag:s21] =	ssyncset.done $0x0  }
.Ltmp0:
0x40: {  	s29 =	sadd.s32 $0x100, s28;
	[sflag:s21] =	ssyncadd.s32 $0xFFFFD800;
	(pc) =	sbr.rel @p0 .LBB2_3-.Ltmp0, $4  }
0x41: {  	[tilespmem:s16], [sflag:$0x1] =	stream.indirect.gather [hbm4b:s4+s15], $0x80, s29, s15, $0xb8;
	[tilespmem:$0x1B000] =	vst v63  }
0x42: {  	_ =	swait.ge [sflag:s22], $0x2800  }
0x43: {  	[sflag:s22] =	ssyncset.done $0x0  }
0x44: {  	s28 =	sadd.s32 $0x180, s28;
	[sflag:s22] =	ssyncadd.s32 $0xFFFFD800  }
0x45: {  	[tilespmem:s18], [sflag:$0x2] =	stream.indirect.gather [hbm4b:s4+s15], $0x80, s28, s15, $0xb8;
	[tilespmem:$0x1B000] =	vst v63  }
0x46: {  	_ =	swait.ge [sflag:s19], $0x2800  }
0x47: {  	[sflag:s19] =	ssyncset.done $0x0  }
0x48: {  	[sflag:s19] =	ssyncadd.s32 $0xFFFFD800  }
0x49: {  	[spmem:s1] =	stream.indirect.scatter.add.f32 [tilespmem:s16], [sflag:$0x3], $0x80, s23, s15, $0xb8;
	[tilespmem:$0x1B000] =	vst v63  }
0x4a: {  	_ =	swait.ge [sflag:s20], $0x2800  }
0x4b: {  	[sflag:s20] =	ssyncset.done $0x0  }
0x4c: {  	s25 =	sadd.s32 $0x1, s25;
	[sflag:s20] =	ssyncadd.s32 $0xFFFFD800  }
0x4d: {  	[spmem:s1] =	stream.indirect.scatter.add.f32 [tilespmem:s18], [sflag:$0x4], $0x80, s24, s15, $0xb8;
	[tilespmem:$0x1B000] =	vst v63  }
0x4e: {  	p0 =	sne.s32 s25, $0x5;
	_ =	swait.ge [sflag:s21], $0x2800  }
.Ltmp1:
0x4f: {  	[sflag:s21] =	ssyncset.done $0x0;
	(pc) =	sbr.rel @p0 .LBB2_2-.Ltmp1, $4  }
0x50: {  	[sflag:s21] =	ssyncadd.s32 $0xFFFFD800  }
0x51: {  	_ =	swait.ge [sflag:s22], $0x2800  }
0x52: {  	[sflag:s22] =	ssyncset.done $0x0  }
0x53: {  	[sflag:s22] =	ssyncadd.s32 $0xFFFFD800  }
0x54: {  	s3 =	sadd.s32 $0x1, s3  }
0x55: {  	p0 =	sne.s32 s3, s11  }
.Ltmp2:
0x56: {  	[bflag:$0x0] =	sbarrier.arrive $0xFFFF;
	(pc) =	sbr.rel @p0 .LBB2_1-.Ltmp2, $4  }
0x57: {  	[hbm:s10], [sflag:s8] =	dma.local [spmem:s12], $0x2800  }
0x58: {  	_ =	swait.ge [sflag:s13], $0x2800  }
0x59: {  	[sflag:s13] =	ssyncset.done $0x0  }
0x5a: {  	[sflag:s13] =	ssyncadd.s32 $0xFFFFD800  }
0x5b: {  	_ =	sfence.sel $0x180000  }
0x5c: {  	[bflag:$0x0] =	sbarrier.arrive $0xFFFF  }
0x5d: {  	p0 =	sne.s32 s2, $0x0;
	_ =	strace $0x9000004D  }
0x5e: {  	s0 =	sadd.s32 @!p0 $0x100000, s0;
	[bflag:$0x2] =	sbarrier.arrive $0xFFFF  }
0x5f: {  	[sflag:s0] =	ssyncadd.tile.s32 @!p0 $0x1;
	_ =	shalt  }
.Lfunc_end2:
_tile_overlayer_lowered:
.L_overlay_start_2:
0x60: {  	(tag) =	ssettag $0x2  }
0x61: {  	s0 =	rddreg [dreg:$0x0];
	s2 =	stileid.u32  }
0x62: {  	s1 =	rddreg [dreg:$0x1];
	p0 =	sne.s32 s2, $0x0  }
0x63: {  	s3 =	rddreg [dreg:$0x2];
	[bflag:$0x3] =	sbarrier.arrive $0xFFFF;
	s2 =	simm.s32 @!p0 $0x1C05  }
0x64: {  	[timem:s3], [sflag:s2] =	dma.local @!p0 [hbm:s0], s1  }
0x65: {  	s0 =	simm.s32 @!p0 $0x5  }
0x66: {  	_ =	swait.ge @!p0 [sflag:s0], s1  }
0x67: {  	s1 =	ssub.s32 @!p0 $0x0, s1;
	[sflag:s0] =	ssyncset.done @!p0 $0x0  }
0x68: {  	[sflag:s0] =	ssyncadd.s32 @!p0 s1  }
0x69: {  	[bflag:$0x3] =	sbarrier.arrive $0xFFFF  }
0x6a: {  	_ =	shalt  }

// kernel: kernel.20.cloned.1.call-start
scs
__scs_entry_jumppad:
0x0: {  	(pc) =	sbr.rel $0x88, $3  }
0x1: {  	(tag) =	ssettag $0x0;
	lr =	simm.s32 $0x1  }
0x2: {  	[smem:$0x3F90] =	sst lr;
	_ =	strace $0xD0000000  }
0x3: {  	_ = 	snop  }
0x4: {  	_ = 	snop  }
0x5: {  	_ = 	snop  }
0x6: {  	_ = 	snop  }
0x7: {  	_ = 	snop  }
__scs_overlays_trampoline_lowered:
0x8: {  	[smem:$0x3F9F] =	sst s0  }
0x9: {  	[smem:$0x3FA0] =	sst s1  }
0xa: {  	[smem:$0x3FA1] =	sst s2  }
0xb: {  	[smem:$0x3FA2] =	sst s3  }
0xc: {  	[smem:$0x3FA3] =	sst s4  }
0xd: {  	[smem:$0x3FA4] =	sst s5  }
0xe: {  	[smem:$0x3FA5] =	sst s6  }
0xf: {  	[smem:$0x3FA6] =	sst s7  }
0x10: {  	[smem:$0x3FA7] =	sst s8  }
0x11: {  	[smem:$0x3FA8] =	sst s9;
	s0 =	simm.s32 @!p0 $0x0  }
0x12: {  	s1 =	sld [smem:$0x3F8E];
	s0 =	simm.s32 @p0 $0x1  }
0x13: {  	[smem:$0x3FA9] =	sst s0;
	s0 =	simm.s32 @!p1 $0x0  }
0x14: {  	s2 =	sld [smem:$0x3F8D];
	s0 =	simm.s32 @p1 $0x1  }
0x15: {  	[smem:$0x3FAA] =	sst s0;
	s0 =	simm.s32 @!p2 $0x0  }
0x16: {  	s3 =	sld [smem:$0x3FDB];
	s0 =	simm.s32 @p2 $0x1  }
0x17: {  	s4 =	simm.s32 $0x1BF5;
	[smem:$0x3FAC] =	sst s0  }
0x18: {  	s0 =	sld [smem:$0x3F8F];
	_ =	swait.ge [sflag:s4], $0x0  }
0x19: {  	s7 =	sld [smem:$0x3F90]  }
0x1a: {  	s8 =	sadd.s32 $0xFFFFE003, lr  }
0x1b: {  	s9 =	sadd.s32 $0xFFFFFEF7, lr;
	s5 =	simm.s32 $0xFFFFFFFF;
	p2 =	slt.u32 s8, $0xFFFFF086  }
0x1c: {  	p1 =	slt.u32 s9, $0xF7A;
	s5 =	simm.s32 @!p2 $0x0  }
0x1d: {  	s5 =	simm.s32 @p1 $0x1;
	p0 =	seq.s32 s7, s2  }
0x1e: {  	s7 =	smul.u32 @!p0 $0xF7A, s2;
	p2 =	seq.s32 @!p0 s5, $0x0  }
0x1f: {  	s9 =	smul.u32 $0xF7A, s1;
	s8 =	simm.s32 @!p0 $0x1BF5;
	p2 =	por !p2, p0  }
0x20: {  	[sflag:s8] =	ssyncset.s32 @!p0 $0xFFFFF086;
	s6 =	sadd.s32 @!p0 s3, s7;
	s7 =	simm.s32 @!p0 $0x108  }
0x21: {  	s3 =	sadd.s32 s3, s9;
	s6 =	sadd.s32 @!p0 $0x88, s6;
	s7 =	simm.s32 @p2 $0x1082  }
0x22: {  	[simem:s7], [sflag:s8] =	dma.local @!p0 [hbm:s6], $0xF7A  }
0x23: {  	s9 =	sor.u32 $0xD0000000, s2;
	s6 =	simm.s32 $0x108;
	_ =	swait.ge @!p0 [sflag:s8], $0x0  }
0x24: {  	s3 =	sadd.s32 $0x88, s3;
	s6 =	simm.s32 @!p1 $0x1082;
	[sflag:s4] =	ssyncset.s32 $0xFFFFF086  }
0x25: {  	[simem:s6], [sflag:s4] =	dma.local [hbm:s3], $0xF7A  }
0x26: {  	[smem:$0x3F90] =	sst s1;
	(tag) =	ssettag s2;
	_ =	strace s9  }
0x27: {  	s1 =	sld [smem:$0x3FA0]  }
0x28: {  	s2 =	sld [smem:$0x3FA1]  }
0x29: {  	s4 =	sld [smem:$0x3FA3]  }
0x2a: {  	p0 =	seq.s32 s5, $0x0;
	s5 =	sld [smem:$0x3FA4]  }
0x2b: {  	s6 =	sld [smem:$0x3FA5]  }
0x2c: {  	s7 =	sld [smem:$0x3FA6]  }
0x2d: {  	s3 =	simm.s32 $0x108;
	s8 =	sld [smem:$0x3FA7]  }
0x2e: {  	s3 =	simm.s32 @!p0 $0x1082;
	s9 =	sld [smem:$0x3FA8]  }
0x2f: {  	lr =	sadd.s32 s0, s3;
	s0 =	sld [smem:$0x3F9F]  }
0x30: {  	s3 =	sld [smem:$0x3FA2]  }
0x31: {  	[smem:$0x3FAB] =	sst s10  }
0x32: {  	s10 =	sld [smem:$0x3FA9];
	_ =	sdelay $0x3  }
0x33: {  	p0 =	seq.s32 s10, $0x1;
	s10 =	sld [smem:$0x3FAB];
	_ =	sdelay $0x3  }
0x34: {  	[smem:$0x3FAB] =	sst s10  }
0x35: {  	s10 =	sld [smem:$0x3FAA];
	_ =	sdelay $0x3  }
0x36: {  	p1 =	seq.s32 s10, $0x1;
	s10 =	sld [smem:$0x3FAB];
	_ =	sdelay $0x3  }
0x37: {  	[smem:$0x3FAB] =	sst s10  }
0x38: {  	s10 =	sld [smem:$0x3FAC]  }
0x39: {  	_ = 	snop;
	(pc) =	sbr.ind lr, $3  }
0x3a: {  	_ = 	snop  }
0x3b: {  	_ = 	snop  }
0x3c: {  	p2 =	seq.s32 s10, $0x1;
	s10 =	sld [smem:$0x3FAB]  }
0x3d: {  	_ =	shalt  }
0x3e: {  	_ =	shalt  }
0x3f: {  	_ =	shalt  }
0x40: {  	_ =	shalt  }
0x41: {  	_ =	shalt  }
0x42: {  	_ =	shalt  }
0x43: {  	_ =	shalt  }
0x44: {  	_ =	shalt  }
0x45: {  	_ =	shalt  }
0x46: {  	_ =	shalt  }
0x47: {  	_ =	shalt  }
0x48: {  	_ =	shalt  }
0x49: {  	_ =	shalt  }
0x4a: {  	_ =	shalt  }
0x4b: {  	_ =	shalt  }
0x4c: {  	_ =	shalt  }
0x4d: {  	_ =	shalt  }
0x4e: {  	_ =	shalt  }
0x4f: {  	_ =	shalt  }
0x50: {  	_ =	shalt  }
0x51: {  	_ =	shalt  }
0x52: {  	_ =	shalt  }
0x53: {  	_ =	shalt  }
0x54: {  	_ =	shalt  }
0x55: {  	_ =	shalt  }
0x56: {  	_ =	shalt  }
0x57: {  	_ =	shalt  }
0x58: {  	_ =	shalt  }
0x59: {  	_ =	shalt  }
0x5a: {  	_ =	shalt  }
0x5b: {  	_ =	shalt  }
0x5c: {  	_ =	shalt  }
0x5d: {  	_ =	shalt  }
0x5e: {  	_ =	shalt  }
0x5f: {  	_ =	shalt  }
0x60: {  	_ =	shalt  }
0x61: {  	_ =	shalt  }
0x62: {  	_ =	shalt  }
0x63: {  	_ =	shalt  }
0x64: {  	_ =	shalt  }
0x65: {  	_ =	shalt  }
0x66: {  	_ =	shalt  }
0x67: {  	_ =	shalt  }
0x68: {  	_ =	shalt  }
0x69: {  	_ =	shalt  }
0x6a: {  	_ =	shalt  }
0x6b: {  	_ =	shalt  }
0x6c: {  	_ =	shalt  }
0x6d: {  	_ =	shalt  }
0x6e: {  	_ =	shalt  }
0x6f: {  	_ =	shalt  }
0x70: {  	_ =	shalt  }
0x71: {  	_ =	shalt  }
0x72: {  	_ =	shalt  }
0x73: {  	_ =	shalt  }
0x74: {  	_ =	shalt  }
0x75: {  	_ =	shalt  }
0x76: {  	_ =	shalt  }
0x77: {  	_ =	shalt  }
0x78: {  	_ =	shalt  }
0x79: {  	_ =	shalt  }
0x7a: {  	_ =	shalt  }
0x7b: {  	_ =	shalt  }
0x7c: {  	_ =	shalt  }
0x7d: {  	_ =	shalt  }
0x7e: {  	_ =	shalt  }
0x7f: {  	_ =	shalt  }
0x80: {  	_ =	shalt  }
0x81: {  	_ =	shalt  }
0x82: {  	_ =	shalt  }
0x83: {  	_ =	shalt  }
0x84: {  	_ =	shalt  }
0x85: {  	_ =	shalt  }
0x86: {  	_ =	shalt  }
0x87: {  	_ =	shalt  }
.Lfunc_end0:
.L_simem_size_0:
called_computation.3_lowered:
.L_overlay_start_0:
0x88: {  	s2 =	sld [smem:$0x3FD9]  }
0x89: {  	s3 =	sld [smem:$0x3FFE];
	_ =	sdelay $0x1  }
0x8a: {  	s1 =	srdreg.scid  }
0x8b: {  	s0 =	sand.u32 $0x1, s1  }
0x8c: {  	s16 =	sshll.u32 s0, $0xA;
	s2 =	sadd.s32 s3, s2  }
0x8d: {  	s2 =	sadd.s32 s2, s16  }
0x8e: {  	[smem:$0x3FB7] =	sst s2  }
0x8f: {  	_ = 	snop  }
0x90: {  	(tm) =	ssettm $0x1  }
0x91: {  	s17 =	sld [smem:$0x3FFB];
	_ =	sdelay $0x3  }
0x92: {  	_ =	strace s17  }
0x93: {  	s2 =	sld [smem:$0x3FFC];
	_ =	sdelay $0x3  }
0x94: {  	_ =	strace s2  }
0x95: {  	s2 =	sld [smem:$0x3FFD];
	_ =	sdelay $0x3  }
0x96: {  	_ =	strace s2  }
0x97: {  	_ =	strace $0x8FFFFFFF  }
0x98: {  	s18 =	sld [smem:$0x3FDB];
	_ =	sdelay $0x1  }
0x99: {  	s19 =	simm.s32 $_scs_section_size  }
0x9a: {  	s4 =	simm.s32 $_size__tile_overlayer_lowered;
	s5 =	simm.s32 $_tile_overlayer_lowered  }
0x9b: {  	s22 =	simm.s32 $0x1BFF;
	s21 =	sshll.u32 s5, $0x1;
	s2 =	sadd.s32 s19, s18  }
0x9c: {  	s6 =	simm.s32 $0x0;
	s20 =	sshll.u32 s4, $0x1;
	s4 =	sadd.s32 s21, s2  }
0x9d: {  	[timem:s6], [sflag:s22] =	dma.local [hbm:s4], s20  }
0x9e: {  	_ =	swait.ge [sflag:s22], s20  }
0x9f: {  	s3 =	ssub.s32 $0x0, s20;
	[sflag:s22] =	ssyncset.done $0x0  }
0xa0: {  	[sflag:s22] =	ssyncadd.s32 s3;
	_ =	sdelay $0x1  }
0xa1: {  	s23 =	simm.s32 $0x1B8B  }
0xa2: {  	_ =	swait.ge [sflag:s23], $0x1  }
0xa3: {  	[sflag:s23] =	ssyncset.done $0x0  }
0xa4: {  	s25 =	simm.s32 $0x1B8E;
	s24 =	sld [smem:$0x3FFE];
	[sflag:s23] =	ssyncadd.s32 $0xFFFFFFFF  }
0xa5: {  	s26 =	simm.s32 $execute0_lowered;
	[smem:$0x3FD2] =	sst s25  }
0xa6: {  	s4 =	sshll.u32 s26, $0x1;
	_ =	strace $0x8000004F;
	[dreg:$0x1] =	wrdreg $0xFFFFFFFF  }
0xa7: {  	s28 =	simm.s32 $_size_execute0_lowered;
	s2 =	sadd.s32 s2, s4;
	[dreg:$0x0] =	wrdreg $0x0  }
0xa8: {  	s4 =	sshll.u32 s28, $0x1;
	[dreg:$0x2] =	wrdreg s2  }
0xa9: {  	[dreg:$0x3] =	wrdreg s4  }
0xaa: {  	[dreg:$0x4] =	wrdreg $0xC0  }
0xab: {  	_ =	task [dreg:s6], $0x5FFFF  }
0xac: {  	[dreg:$0x1] =	wrdreg $0xFFFFFFFF  }
0xad: {  	[dreg:$0x0] =	wrdreg $0x60  }
0xae: {  	[dreg:$0x2] =	wrdreg s24  }
0xaf: {  	[dreg:$0x3] =	wrdreg $0x70000  }
0xb0: {  	[dreg:$0x4] =	wrdreg $0x9  }
0xb1: {  	_ =	task.clear_ibuf [dreg:s6], $0x5FFFF;
	_ =	strace $0x9000004F  }
0xb2: {  	s29 =	simm.s32 $0x9;
	_ =	strace $0x80000051  }
0xb3: {  	_ =	swait.ge [sflag:s29], $0x1  }
0xb4: {  	[sflag:s29] =	ssyncadd.s32 $0xFFFFFFFF  }
0xb5: {  	_ =	strace $0x90000051  }
0xb6: {  	_ =	sfence  }
0xb7: {  	s30 =	sld [smem:$0x0];
	_ =	sdelay $0x2  }
0xb8: {  	s31 =	sshll.u32 s1, $0xD;
	s1 =	sshrl.u32 s1, $0x2  }
0xb9: {  	s3 =	sand.u32 $0x4000, s31;
	s1 =	sadd.s32 s1, s30  }
0xba: {  	s0 =	sor.u32 s3, s0;
	s1 =	sshll.u32 s1, $0x11  }
0xbb: {  	s0 =	sor.u32 s1, s0  }
0xbc: {  	s0 =	sadd.s32 $0x8F2B, s0  }
0xbd: {  	[sflag:s0] =	ssyncadd.remote.s32 $0x1  }
0xbe: {  	_ =	sfence.sel $0xFFFF  }
0xbf: {  	[dreg:$0x0] =	wrdreg $0xFFFFFFFF;
	(pc) =	sbr.abs _section_cstart, $3  }
0xc0: {  	[dreg:$0x1] =	wrdreg $0xFFFFFFFF  }
0xc1: {  	_ =	task.clear_ibuf [dreg:s6], $0x2FFFF;
	_ =	strace $0x9FFFFFFF  }
0xc2: {  	(tm) =	ssettm $0x7FFFFFFF  }
0xc3: {  	_ =	shalt  }
tec
execute0_lowered:
.L_overlay_start_1:
0x0: {  	(tag) =	ssettag $0x1  }
0x1: {  	s8 =	rddreg [dreg:$0x0]  }
0x2: {  	s1 =	rddreg [dreg:$0x1]  }
0x3: {  	s0 =	rddreg [dreg:$0x2];
	s3 =	simm.s32 $0x0;
	s2 =	srdreg.scid  }
0x4: {  	s14 =	simm.s32 $0x1000;
	s15 =	simm.s32 $0x50;
	s16 =	simm.s32 $0x2000  }
0x5: {  	s17 =	simm.s32 $0x80;
	s18 =	simm.s32 $0x4800;
	s19 =	simm.s32 $0x1  }
0x6: {  	s20 =	simm.s32 $0x2;
	s21 =	simm.s32 $0x3;
	s22 =	simm.s32 $0x4  }
0x7: {  	s23 =	simm.s32 $0x1C00;
	s24 =	simm.s32 $0x1C80;
	[smem:$0x7FF] =	sst s3  }
0x8: {  	s9 =	sand.u32 $0x1, s2;
	s2 =	stileid.u32;
	s4 =	sadd.s32 $0x55A00, s8  }
0x9: {  	s5 =	sadd.s32 $0x1A800, s8;
	s6 =	sadd.s32 $0x5E00, s8;
	s10 =	smul.u32 $0x140000, s9  }
0xa: {  	s7 =	sadd.s32 $0x7CC00, s8;
	_ =	strace $0x80000050;
	s11 =	smul.u32 $0x14000, s2  }
0xb: {  	s28 =	ssub.s32 $0x2, s9;
	s13 =	smul.u32 $0x50000, s2;
	s29 =	sshll.u32 s9, $0x4  }
0xc: {  	s31 =	sshll.u32 s2, $0x6;
	s12 =	sshrl.u32 s28, $0x1;
	s9 =	sor.u32 s2, s29  }
0xd: {  	s10 =	sadd.s32 s11, s10;
	s11 =	ssub.s32 s28, s12;
	s30 =	sshrl.u32 s13, $0x2  }
0xe: {  	s9 =	smul.u32 $0x5000, s9;
	s10 =	sshrl.u32 s10, $0x3;
	s13 =	sadd.s32 s30, s1  }
0xf: {  	s11 =	smax.u32 s11, $0x1;
	s10 =	sadd.s32 s10, s8;
	s8 =	sor.u32 $0x1C05, s31  }
0x10: {  	s12 =	sshrl.u32 s13, $0x3;
	s13 =	simm.s32 $0x5;
	s10 =	sadd.s32 $0x7F400, s10  }
.LBB2_1:
0x11: {  	[spmem:s12], [sflag:s8] =	dma.local [hbm:s7], $0x2800  }
0x12: {  	_ =	swait.ge [sflag:s13], $0x2800  }
0x13: {  	[sflag:s13] =	ssyncset.done $0x0  }
0x14: {  	[sflag:s13] =	ssyncadd.s32 $0xFFFFD800  }
0x15: {  	s25 =	simm.s32 $0x0;
	[bflag:$0x0] =	sbarrier.arrive $0xFFFF  }
.LBB2_2:
0x16: {  	s26 =	sshll.u32 s25, $0xC  }
0x17: {  	s26 =	sadd.s32 s9, s26  }
0x18: {  	s26 =	sshrl.u32 s26, $0x3  }
0x19: {  	s29 =	simm.s32 $0x0;
	s28 =	sadd.s32 s5, s26  }
0x1a: {  	[tilespmem:s29], [sflag:$0x5] =	stream.linear.gather [hbm4b:s28+s29], $0xD00, $0x38;
	[tilespmem:$0x1B000] =	vst v63  }
0x1b: {  	_ =	swait.ge [sflag:s13], $0xD00  }
0x1c: {  	[sflag:s13] =	ssyncset.done $0x0  }
0x1d: {  	s26 =	sadd.s32 s6, s26;
	[sflag:s13] =	ssyncadd.s32 $0xFFFFF300  }
0x1e: {  	[tilespmem:s14], [sflag:$0x5] =	stream.linear.gather [hbm4b:s26+s29], $0xD00, $0x38;
	[tilespmem:$0x1B000] =	vst v63  }
0x1f: {  	_ =	swait.ge [sflag:s13], $0xD00  }
0x20: {  	[sflag:s13] =	ssyncset.done $0x0  }
0x21: {  	[sflag:s13] =	ssyncadd.s32 $0xFFFFF300  }
0x22: {  	[tilespmem:s16], [sflag:$0x1] =	stream.indirect.gather [hbm4b:s4+s15], $0x80, s29, s15, $0xb8;
	[tilespmem:$0x1B000] =	vst v63  }
0x23: {  	_ = 	snop  }
0x24: {  	[tilespmem:s18], [sflag:$0x2] =	stream.indirect.gather [hbm4b:s4+s15], $0x80, s17, s15, $0xb8;
	[tilespmem:$0x1B000] =	vst v63  }
0x25: {  	_ =	swait.ge [sflag:s19], $0x2800  }
0x26: {  	[sflag:s19] =	ssyncset.done $0x0  }
0x27: {  	s29 =	simm.s32 $0x1000;
	[sflag:s19] =	ssyncadd.s32 $0xFFFFD800  }
0x28: {  	[spmem:s1] =	stream.indirect.scatter.add.f32 [tilespmem:s16], [sflag:$0x3], $0x80, s29, s15, $0xb8;
	[tilespmem:$0x1B000] =	vst v63  }
0x29: {  	_ =	swait.ge [sflag:s20], $0x2800  }
0x2a: {  	[sflag:s20] =	ssyncset.done $0x0  }
0x2b: {  	s30 =	simm.s32 $0x1080;
	[sflag:s20] =	ssyncadd.s32 $0xFFFFD800  }
0x2c: {  	[spmem:s1] =	stream.indirect.scatter.add.f32 [tilespmem:s18], [sflag:$0x4], $0x80, s30, s15, $0xb8;
	[tilespmem:$0x1B000] =	vst v63  }
0x2d: {  	_ =	swait.ge [sflag:s21], $0x2800  }
0x2e: {  	[sflag:s21] =	ssyncset.done $0x0  }
0x2f: {  	s31 =	simm.s32 $0x100;
	[sflag:s21] =	ssyncadd.s32 $0xFFFFD800  }
0x30: {  	[tilespmem:s16], [sflag:$0x1] =	stream.indirect.gather [hbm4b:s4+s15], $0x80, s31, s15, $0xb8;
	[tilespmem:$0x1B000] =	vst v63  }
0x31: {  	_ =	swait.ge [sflag:s22], $0x2800  }
0x32: {  	[sflag:s22] =	ssyncset.done $0x0  }
0x33: {  	s28 =	simm.s32 $0x180;
	s26 =	simm.s32 $0x400;
	[sflag:s22] =	ssyncadd.s32 $0xFFFFD800  }
.LBB2_3:
0x34: {  	[tilespmem:s18], [sflag:$0x2] =	stream.indirect.gather [hbm4b:s4+s15], $0x80, s28, s15, $0xb8;
	[tilespmem:$0x1B000] =	vst v63  }
0x35: {  	s28 =	smov.u32 s26  }
0x36: {  	p0 =	sne.s32 s26, $0x2C00;
	s26 =	sadd.s32 $0x400, s26;
	_ =	swait.ge [sflag:s19], $0x2800  }
0x37: {  	s28 =	sshra.s32 s28, $0x2;
	[sflag:s19] =	ssyncset.done $0x0  }
0x38: {  	s29 =	sadd.s32 $0x1000, s28;
	[sflag:s19] =	ssyncadd.s32 $0xFFFFD800  }
0x39: {  	[spmem:s1] =	stream.indirect.scatter.add.f32 [tilespmem:s16], [sflag:$0x3], $0x80, s29, s15, $0xb8;
	[tilespmem:$0x1B000] =	vst v63  }
0x3a: {  	_ =	swait.ge [sflag:s20], $0x2800  }
0x3b: {  	[sflag:s20] =	ssyncset.done $0x0  }
0x3c: {  	s29 =	sadd.s32 $0x1080, s28;
	[sflag:s20] =	ssyncadd.s32 $0xFFFFD800  }
0x3d: {  	[spmem:s1] =	stream.indirect.scatter.add.f32 [tilespmem:s18], [sflag:$0x4], $0x80, s29, s15, $0xb8;
	[tilespmem:$0x1B000] =	vst v63  }
0x3e: {  	_ =	swait.ge [sflag:s21], $0x2800  }
0x3f: {  	[sflag:s21] =	ssyncset.done $0x0  }
.Ltmp0:
0x40: {  	s29 =	sadd.s32 $0x100, s28;
	[sflag:s21] =	ssyncadd.s32 $0xFFFFD800;
	(pc) =	sbr.rel @p0 .LBB2_3-.Ltmp0, $4  }
0x41: {  	[tilespmem:s16], [sflag:$0x1] =	stream.indirect.gather [hbm4b:s4+s15], $0x80, s29, s15, $0xb8;
	[tilespmem:$0x1B000] =	vst v63  }
0x42: {  	_ =	swait.ge [sflag:s22], $0x2800  }
0x43: {  	[sflag:s22] =	ssyncset.done $0x0  }
0x44: {  	s28 =	sadd.s32 $0x180, s28;
	[sflag:s22] =	ssyncadd.s32 $0xFFFFD800  }
0x45: {  	[tilespmem:s18], [sflag:$0x2] =	stream.indirect.gather [hbm4b:s4+s15], $0x80, s28, s15, $0xb8;
	[tilespmem:$0x1B000] =	vst v63  }
0x46: {  	_ =	swait.ge [sflag:s19], $0x2800  }
0x47: {  	[sflag:s19] =	ssyncset.done $0x0  }
0x48: {  	[sflag:s19] =	ssyncadd.s32 $0xFFFFD800  }
0x49: {  	[spmem:s1] =	stream.indirect.scatter.add.f32 [tilespmem:s16], [sflag:$0x3], $0x80, s23, s15, $0xb8;
	[tilespmem:$0x1B000] =	vst v63  }
0x4a: {  	_ =	swait.ge [sflag:s20], $0x2800  }
0x4b: {  	[sflag:s20] =	ssyncset.done $0x0  }
0x4c: {  	s25 =	sadd.s32 $0x1, s25;
	[sflag:s20] =	ssyncadd.s32 $0xFFFFD800  }
0x4d: {  	[spmem:s1] =	stream.indirect.scatter.add.f32 [tilespmem:s18], [sflag:$0x4], $0x80, s24, s15, $0xb8;
	[tilespmem:$0x1B000] =	vst v63  }
0x4e: {  	p0 =	sne.s32 s25, $0x5;
	_ =	swait.ge [sflag:s21], $0x2800  }
.Ltmp1:
0x4f: {  	[sflag:s21] =	ssyncset.done $0x0;
	(pc) =	sbr.rel @p0 .LBB2_2-.Ltmp1, $4  }
0x50: {  	[sflag:s21] =	ssyncadd.s32 $0xFFFFD800  }
0x51: {  	_ =	swait.ge [sflag:s22], $0x2800  }
0x52: {  	[sflag:s22] =	ssyncset.done $0x0  }
0x53: {  	[sflag:s22] =	ssyncadd.s32 $0xFFFFD800  }
0x54: {  	s3 =	sadd.s32 $0x1, s3  }
0x55: {  	p0 =	sne.s32 s3, s11  }
.Ltmp2:
0x56: {  	[bflag:$0x0] =	sbarrier.arrive $0xFFFF;
	(pc) =	sbr.rel @p0 .LBB2_1-.Ltmp2, $4  }
0x57: {  	[hbm:s10], [sflag:s8] =	dma.local [spmem:s12], $0x2800  }
0x58: {  	_ =	swait.ge [sflag:s13], $0x2800  }
0x59: {  	[sflag:s13] =	ssyncset.done $0x0  }
0x5a: {  	[sflag:s13] =	ssyncadd.s32 $0xFFFFD800  }
0x5b: {  	_ =	sfence.sel $0x180000  }
0x5c: {  	[bflag:$0x0] =	sbarrier.arrive $0xFFFF  }
0x5d: {  	p0 =	sne.s32 s2, $0x0;
	_ =	strace $0x90000050  }
0x5e: {  	s0 =	sadd.s32 @!p0 $0x100000, s0;
	[bflag:$0x2] =	sbarrier.arrive $0xFFFF  }
0x5f: {  	[sflag:s0] =	ssyncadd.tile.s32 @!p0 $0x1;
	_ =	shalt  }
.Lfunc_end2:
_tile_overlayer_lowered:
.L_overlay_start_2:
0x60: {  	(tag) =	ssettag $0x2  }
0x61: {  	s0 =	rddreg [dreg:$0x0];
	s2 =	stileid.u32  }
0x62: {  	s1 =	rddreg [dreg:$0x1];
	p0 =	sne.s32 s2, $0x0  }
0x63: {  	s3 =	rddreg [dreg:$0x2];
	[bflag:$0x3] =	sbarrier.arrive $0xFFFF;
	s2 =	simm.s32 @!p0 $0x1C05  }
0x64: {  	[timem:s3], [sflag:s2] =	dma.local @!p0 [hbm:s0], s1  }
0x65: {  	s0 =	simm.s32 @!p0 $0x5  }
0x66: {  	_ =	swait.ge @!p0 [sflag:s0], s1  }
0x67: {  	s1 =	ssub.s32 @!p0 $0x0, s1;
	[sflag:s0] =	ssyncset.done @!p0 $0x0  }
0x68: {  	[sflag:s0] =	ssyncadd.s32 @!p0 s1  }
0x69: {  	[bflag:$0x3] =	sbarrier.arrive $0xFFFF  }
0x6a: {  	_ =	shalt  }

</sc_bundles>
